<compile_context>
chip_gen: v7x
topology: tpu7x:2x2x1
jax: 0.10.2.dev20260603
libtpu: 0.0.44.dev20260713+nightly
codegen_flags: <defaults>
</compile_context>

<pallas_src>
import jax
import jax.numpy as jnp
from jax import lax
from jax.experimental import pallas as pl
from jax.experimental.pallas import tpu as pltpu
from jax.experimental.pallas import tpu_sc as plsc

D = 128
K = 4
NTOK = 4096 * 50
NW = 32
TPW = NTOK // NW
C = 128
NCH = TPW // C
NBUF = 4

_GATHER_DNUMS = lax.GatherDimensionNumbers(
    offset_dims=(), collapsed_slice_dims=(0,), start_index_map=(0,))


def _bcast(vec, lane):
    return lax.gather(vec, jnp.full((16, 1), lane, jnp.int32), _GATHER_DNUMS,
                      slice_sizes=(1,),
                      mode=lax.GatherScatterMode.PROMISE_IN_BOUNDS)


def _fold_body(tab_ref, b_ref, out_ref):
    out_ref[...] = tab_ref[...] + b_ref[...]


def _body(idx_hbm, coo_hbm, tab_hbm, w_hbm, out_hbm,
          idx_v, coo_v, res_v, w_v, tab_s,
          gsem0, gsem1, gsem2, gsem3, osem0, osem1, osem2, osem3,
          isem0, isem1, isem2, isem3):
    gsem = (gsem0, gsem1, gsem2, gsem3)
    osem = (osem0, osem1, osem2, osem3)
    isem = (isem0, isem1, isem2, isem3)
    sid = lax.axis_index("s")
    wid = sid * 2 + lax.axis_index("c")
    base = wid * TPW

    @pl.when(sid == 0)
    def _():
        pltpu.sync_copy(tab_hbm, tab_s)
    pltpu.sync_copy(w_hbm, w_v)
    plsc.subcore_barrier()

    wv = [[w_v[k, pl.ds(16 * j, 16)] for j in range(8)] for k in range(K)]

    def fetch_chunk(g, b):
        off = base + g * C
        pltpu.async_copy(idx_hbm.at[pl.ds(off, C)], idx_v.at[b], isem[b])
        pltpu.async_copy(coo_hbm.at[pl.ds(off * K, C * K)], coo_v.at[b],
                         isem[b])

    def proj_chunk(g, b):
        pltpu.make_async_copy(idx_hbm.at[pl.ds(base, C)], idx_v.at[b],
                              isem[b]).wait()
        pltpu.make_async_copy(coo_hbm.at[pl.ds(base, C * K)], coo_v.at[b],
                              isem[b]).wait()

        @plsc.parallel_loop(0, C, unroll=1)
        def tok(t):
            cvec = coo_v[b, pl.ds(16 * (t // 4), 16)]
            i = t % 4
            c = [_bcast(cvec, 4 * i + k) for k in range(K)]
            for j in range(8):
                m = [c[k] * wv[k][j] for k in range(K)]
                res_v[b, t, pl.ds(16 * j, 16)] = (
                    (m[0] + m[1]) + (m[2] + m[3]))

        pltpu.async_copy(tab_s.at[idx_v.at[b]], res_v.at[b], gsem[b],
                         add=True)

    def finish_chunk(g, b):
        pltpu.make_async_copy(tab_s.at[idx_v.at[b]], res_v.at[b],
                              gsem[b]).wait()
        pltpu.async_copy(res_v.at[b], out_hbm.at[pl.ds(base + g * C, C)],
                         osem[b])

    fetch_chunk(0, 0)
    fetch_chunk(1, 1)
    proj_chunk(0, 0)

    @pl.loop(0, NCH + NBUF - 2, step=NBUF)
    def outer(g):
        for b in range(NBUF):
            gi = g + b
            nb = (b + 1) % NBUF

            @pl.when(gi + 2 < NCH)
            def _():
                fetch_chunk(gi + 2, (b + 2) % NBUF)

            @pl.when(gi + 1 < NCH)
            def _():
                @pl.when(gi + 1 >= NBUF)
                def _():
                    pltpu.make_async_copy(res_v.at[nb],
                                          out_hbm.at[pl.ds(base, C)],
                                          osem[nb]).wait()
                proj_chunk(gi + 1, nb)

            @pl.when(gi < NCH)
            def _():
                finish_chunk(gi, b)

    for b in range(NBUF):
        g_last = NCH - NBUF + b
        pltpu.make_async_copy(res_v.at[g_last % NBUF],
                              out_hbm.at[pl.ds(base, C)],
                              osem[g_last % NBUF]).wait()


def kernel(frame_idx, image_coordinates, position_embeddings, proj_W, proj_b):
    B, L = frame_idx.shape
    idx = frame_idx.reshape(NTOK).astype(jnp.int32)
    coo = image_coordinates.reshape(NTOK * K)

    tabb = pl.pallas_call(
        _fold_body,
        out_shape=jax.ShapeDtypeStruct((1000, D), jnp.float32),
    )(position_embeddings, proj_b.reshape(1, D))

    mesh = plsc.VectorSubcoreMesh(core_axis_name="c", subcore_axis_name="s")
    out = pl.kernel(
        _body,
        out_type=jax.ShapeDtypeStruct((NTOK, D), jnp.float32),
        mesh=mesh,
        scratch_types=[
            pltpu.VMEM((NBUF, C), jnp.int32),
            pltpu.VMEM((NBUF, C * K), jnp.float32),
            pltpu.VMEM((NBUF, C, D), jnp.float32),
            pltpu.VMEM((K, D), jnp.float32),
            pltpu.VMEM_SHARED((1000, D), jnp.float32),
            pltpu.SemaphoreType.DMA,
            pltpu.SemaphoreType.DMA,
            pltpu.SemaphoreType.DMA,
            pltpu.SemaphoreType.DMA,
            pltpu.SemaphoreType.DMA,
            pltpu.SemaphoreType.DMA,
            pltpu.SemaphoreType.DMA,
            pltpu.SemaphoreType.DMA,
            pltpu.SemaphoreType.DMA,
            pltpu.SemaphoreType.DMA,
            pltpu.SemaphoreType.DMA,
            pltpu.SemaphoreType.DMA,
        ],
    )(idx, coo, tabb, proj_W)
    return out.reshape(B, L, D)

# --- scband reference (transcript-rebuilt; emitter-appended) ---
"""Pipeline reference for scband-emma-image-position-embeddings-27754078667160 (READ-ONLY COPY).

The authoritative reference and input builder live on the scoring server;
editing this copy changes nothing except your own understanding.
"""

import jax, jax.numpy as jnp
import numpy as np

MAX_FRAMES = 1000
D_MODEL = 128
COORD_DIM = 4
B, L = 4096, 50


def setup_inputs(seed: int = 0) -> dict:
    key = jax.random.key(seed)
    k1, k2, k3, k4 = jax.random.split(key, 4)
    frame_idx = jax.random.randint(k1, (B, L), 0, MAX_FRAMES, dtype=jnp.int64 if jax.config.jax_enable_x64 else jnp.int32)
    image_coordinates = jax.random.uniform(k2, (B, L, COORD_DIM), dtype=jnp.float32)
    position_embeddings = jax.random.normal(k3, (MAX_FRAMES, D_MODEL), dtype=jnp.float32) * 0.02
    proj_W = jax.random.normal(k4, (COORD_DIM, D_MODEL), dtype=jnp.float32) * 0.02
    proj_b = jnp.zeros((D_MODEL,), dtype=jnp.float32)
    return {
        "frame_idx": frame_idx,
        "image_coordinates": image_coordinates,
        "position_embeddings": position_embeddings,
        "proj_W": proj_W,
        "proj_b": proj_b,
    }


def reference(frame_idx, image_coordinates, position_embeddings, proj_W, proj_b):
    # projection = Linear(image_coordinates_dim, d_model)
    projected_coordinates = jnp.dot(image_coordinates, proj_W) + proj_b
    # position_embeddings(frame_idx): embedding gather
    pos = jnp.take(position_embeddings, frame_idx, axis=0)
    return pos + projected_coordinates

if __name__ == "__main__":
    import jax
    _d = setup_inputs()
    print(jax.jit(kernel)(*tuple(_d.values())))

</pallas_src>

<mosaic_0001>
#map = affine_map<(d0, d1) -> (0)>
#map1 = affine_map<(d0, d1) -> (0, 0)>
module attributes {stable_mosaic.version = 14 : i64} {
  func.func @_body(%arg0: i32, %arg1: i32, %arg2: memref<204800xi32, #tpu.memory_space<hbm>>, %arg3: memref<819200xf32, #tpu.memory_space<hbm>>, %arg4: memref<1000x128xf32, #tpu.memory_space<hbm>>, %arg5: memref<4x128xf32, #tpu.memory_space<hbm>>, %arg6: memref<204800x128xf32, #tpu.memory_space<hbm>>, %arg7: memref<4x128xi32, #tpu.memory_space<vmem>>, %arg8: memref<4x512xf32, #tpu.memory_space<vmem>>, %arg9: memref<4x128x128xf32, #tpu.memory_space<vmem>>, %arg10: memref<4x128xf32, #tpu.memory_space<vmem>>, %arg11: memref<1000x128xf32, #tpu.memory_space<vmem_shared>>, %arg12: memref<!tpu.dma_semaphore, #tpu.memory_space<semaphore_mem>>, %arg13: memref<!tpu.dma_semaphore, #tpu.memory_space<semaphore_mem>>, %arg14: memref<!tpu.dma_semaphore, #tpu.memory_space<semaphore_mem>>, %arg15: memref<!tpu.dma_semaphore, #tpu.memory_space<semaphore_mem>>, %arg16: memref<!tpu.dma_semaphore, #tpu.memory_space<semaphore_mem>>, %arg17: memref<!tpu.dma_semaphore, #tpu.memory_space<semaphore_mem>>, %arg18: memref<!tpu.dma_semaphore, #tpu.memory_space<semaphore_mem>>, %arg19: memref<!tpu.dma_semaphore, #tpu.memory_space<semaphore_mem>>, %arg20: memref<!tpu.dma_semaphore, #tpu.memory_space<semaphore_mem>>, %arg21: memref<!tpu.dma_semaphore, #tpu.memory_space<semaphore_mem>>, %arg22: memref<!tpu.dma_semaphore, #tpu.memory_space<semaphore_mem>>, %arg23: memref<!tpu.dma_semaphore, #tpu.memory_space<semaphore_mem>>) attributes {dimension_semantics = [#tpu.dimension_semantics<core_parallel>, #tpu.dimension_semantics<subcore_parallel>], iteration_bounds = array<i64: 2, 16>, scalar_prefetch = 0 : i64, scratch_operands = 17 : i64, tpu.core_type = #tpu.core_type<sc_vector_subcore>, window_params = [{transform_indices = #map}, {transform_indices = #map}, {transform_indices = #map1}, {transform_indices = #map1}, {transform_indices = #map1}]} {
    %mul3A = arith.constant 2 : i32
    %mul3A_0 = arith.muli %arg1, %mul3A : i32
    %add3A = arith.addi %mul3A_0, %arg0 : i32
    %mul3A_1 = arith.constant 6400 : i32
    %mul3A_2 = arith.muli %add3A, %mul3A_1 : i32
    %eq3A = arith.constant 0 : i32
    %eq3A_3 = arith.cmpi eq, %arg1, %eq3A : i32
    %convert_element_type3A = arith.extui %eq3A_3 : i1 to i32
    %cond3A = arith.constant 0 : i32
    %cond3A_4 = arith.cmpi ne, %convert_element_type3A, %cond3A : i32
    scf.if %cond3A_4 {
      "tpu.region"() ({
        %run_scoped3A = tpu.sem_alloc : memref<!tpu.dma_semaphore, #tpu.memory_space<semaphore_mem>>
        tpu.enqueue_dma source(%arg4 : memref<1000x128xf32, #tpu.memory_space<hbm>>) target(%arg11 : memref<1000x128xf32, #tpu.memory_space<vmem_shared>>) target_semaphore(%run_scoped3A : memref<!tpu.dma_semaphore, #tpu.memory_space<semaphore_mem>>)
        tpu.wait_dma2 semaphore(%run_scoped3A : memref<!tpu.dma_semaphore, #tpu.memory_space<semaphore_mem>>) src(%arg4 : memref<1000x128xf32, #tpu.memory_space<hbm>>) dst(%arg11 : memref<1000x128xf32, #tpu.memory_space<vmem_shared>>)
        tpu.yield
      }) : () -> ()
    } else {
    }
    "tpu.region"() ({
      %run_scoped3A = tpu.sem_alloc : memref<!tpu.dma_semaphore, #tpu.memory_space<semaphore_mem>>
      tpu.enqueue_dma source(%arg5 : memref<4x128xf32, #tpu.memory_space<hbm>>) target(%arg10 : memref<4x128xf32, #tpu.memory_space<vmem>>) target_semaphore(%run_scoped3A : memref<!tpu.dma_semaphore, #tpu.memory_space<semaphore_mem>>)
      tpu.wait_dma2 semaphore(%run_scoped3A : memref<!tpu.dma_semaphore, #tpu.memory_space<semaphore_mem>>) src(%arg5 : memref<4x128xf32, #tpu.memory_space<hbm>>) dst(%arg10 : memref<4x128xf32, #tpu.memory_space<vmem>>)
      tpu.yield
    }) : () -> ()
    %barrier3A = arith.constant 0 : index
    tpu.barrier barrier_id(%barrier3A)
    %get3A = arith.constant 0 : i32
    %get3A_5 = arith.index_cast %get3A : i32 to index
    %get3A_6 = arith.constant 0 : index
    %get3A_7 = tpu.vector_load %arg10[%get3A_5, %get3A_6] {strides = array<i32>} : memref<4x128xf32, #tpu.memory_space<vmem>>, vector<1x16xf32>,
    %get3A_8 = vector.shape_cast %get3A_7 : vector<1x16xf32> to vector<16xf32>
    %get3A_9 = arith.constant 0 : i32
    %get3A_10 = arith.index_cast %get3A_9 : i32 to index
    %get3A_11 = arith.constant 16 : index
    %get3A_12 = tpu.vector_load %arg10[%get3A_10, %get3A_11] {strides = array<i32>} : memref<4x128xf32, #tpu.memory_space<vmem>>, vector<1x16xf32>,
    %get3A_13 = vector.shape_cast %get3A_12 : vector<1x16xf32> to vector<16xf32>
    %get3A_14 = arith.constant 0 : i32
    %get3A_15 = arith.index_cast %get3A_14 : i32 to index
    %get3A_16 = arith.constant 32 : index
    %get3A_17 = tpu.vector_load %arg10[%get3A_15, %get3A_16] {strides = array<i32>} : memref<4x128xf32, #tpu.memory_space<vmem>>, vector<1x16xf32>,
    %get3A_18 = vector.shape_cast %get3A_17 : vector<1x16xf32> to vector<16xf32>
    %get3A_19 = arith.constant 0 : i32
    %get3A_20 = arith.index_cast %get3A_19 : i32 to index
    %get3A_21 = arith.constant 48 : index
    %get3A_22 = tpu.vector_load %arg10[%get3A_20, %get3A_21] {strides = array<i32>} : memref<4x128xf32, #tpu.memory_space<vmem>>, vector<1x16xf32>,
    %get3A_23 = vector.shape_cast %get3A_22 : vector<1x16xf32> to vector<16xf32>
    %get3A_24 = arith.constant 0 : i32
    %get3A_25 = arith.index_cast %get3A_24 : i32 to index
    %get3A_26 = arith.constant 64 : index
    %get3A_27 = tpu.vector_load %arg10[%get3A_25, %get3A_26] {strides = array<i32>} : memref<4x128xf32, #tpu.memory_space<vmem>>, vector<1x16xf32>,
    %get3A_28 = vector.shape_cast %get3A_27 : vector<1x16xf32> to vector<16xf32>
    %get3A_29 = arith.constant 0 : i32
    %get3A_30 = arith.index_cast %get3A_29 : i32 to index
    %get3A_31 = arith.constant 80 : index
    %get3A_32 = tpu.vector_load %arg10[%get3A_30, %get3A_31] {strides = array<i32>} : memref<4x128xf32, #tpu.memory_space<vmem>>, vector<1x16xf32>,
    %get3A_33 = vector.shape_cast %get3A_32 : vector<1x16xf32> to vector<16xf32>
    %get3A_34 = arith.constant 0 : i32
    %get3A_35 = arith.index_cast %get3A_34 : i32 to index
    %get3A_36 = arith.constant 96 : index
    %get3A_37 = tpu.vector_load %arg10[%get3A_35, %get3A_36] {strides = array<i32>} : memref<4x128xf32, #tpu.memory_space<vmem>>, vector<1x16xf32>,
    %get3A_38 = vector.shape_cast %get3A_37 : vector<1x16xf32> to vector<16xf32>
    %get3A_39 = arith.constant 0 : i32
    %get3A_40 = arith.index_cast %get3A_39 : i32 to index
    %get3A_41 = arith.constant 112 : index
    %get3A_42 = tpu.vector_load %arg10[%get3A_40, %get3A_41] {strides = array<i32>} : memref<4x128xf32, #tpu.memory_space<vmem>>, vector<1x16xf32>,
    %get3A_43 = vector.shape_cast %get3A_42 : vector<1x16xf32> to vector<16xf32>
    %get3A_44 = arith.constant 1 : i32
    %get3A_45 = arith.index_cast %get3A_44 : i32 to index
    %get3A_46 = arith.constant 0 : index
    %get3A_47 = tpu.vector_load %arg10[%get3A_45, %get3A_46] {strides = array<i32>} : memref<4x128xf32, #tpu.memory_space<vmem>>, vector<1x16xf32>,
    %get3A_48 = vector.shape_cast %get3A_47 : vector<1x16xf32> to vector<16xf32>
    %get3A_49 = arith.constant 1 : i32
    %get3A_50 = arith.index_cast %get3A_49 : i32 to index
    %get3A_51 = arith.constant 16 : index
    %get3A_52 = tpu.vector_load %arg10[%get3A_50, %get3A_51] {strides = array<i32>} : memref<4x128xf32, #tpu.memory_space<vmem>>, vector<1x16xf32>,
    %get3A_53 = vector.shape_cast %get3A_52 : vector<1x16xf32> to vector<16xf32>
    %get3A_54 = arith.constant 1 : i32
    %get3A_55 = arith.index_cast %get3A_54 : i32 to index
    %get3A_56 = arith.constant 32 : index
    %get3A_57 = tpu.vector_load %arg10[%get3A_55, %get3A_56] {strides = array<i32>} : memref<4x128xf32, #tpu.memory_space<vmem>>, vector<1x16xf32>,
    %get3A_58 = vector.shape_cast %get3A_57 : vector<1x16xf32> to vector<16xf32>
    %get3A_59 = arith.constant 1 : i32
    %get3A_60 = arith.index_cast %get3A_59 : i32 to index
    %get3A_61 = arith.constant 48 : index
    %get3A_62 = tpu.vector_load %arg10[%get3A_60, %get3A_61] {strides = array<i32>} : memref<4x128xf32, #tpu.memory_space<vmem>>, vector<1x16xf32>,
    %get3A_63 = vector.shape_cast %get3A_62 : vector<1x16xf32> to vector<16xf32>
    %get3A_64 = arith.constant 1 : i32
    %get3A_65 = arith.index_cast %get3A_64 : i32 to index
    %get3A_66 = arith.constant 64 : index
    %get3A_67 = tpu.vector_load %arg10[%get3A_65, %get3A_66] {strides = array<i32>} : memref<4x128xf32, #tpu.memory_space<vmem>>, vector<1x16xf32>,
    %get3A_68 = vector.shape_cast %get3A_67 : vector<1x16xf32> to vector<16xf32>
    %get3A_69 = arith.constant 1 : i32
    %get3A_70 = arith.index_cast %get3A_69 : i32 to index
    %get3A_71 = arith.constant 80 : index
    %get3A_72 = tpu.vector_load %arg10[%get3A_70, %get3A_71] {strides = array<i32>} : memref<4x128xf32, #tpu.memory_space<vmem>>, vector<1x16xf32>,
    %get3A_73 = vector.shape_cast %get3A_72 : vector<1x16xf32> to vector<16xf32>
    %get3A_74 = arith.constant 1 : i32
    %get3A_75 = arith.index_cast %get3A_74 : i32 to index
    %get3A_76 = arith.constant 96 : index
    %get3A_77 = tpu.vector_load %arg10[%get3A_75, %get3A_76] {strides = array<i32>} : memref<4x128xf32, #tpu.memory_space<vmem>>, vector<1x16xf32>,
    %get3A_78 = vector.shape_cast %get3A_77 : vector<1x16xf32> to vector<16xf32>
    %get3A_79 = arith.constant 1 : i32
    %get3A_80 = arith.index_cast %get3A_79 : i32 to index
    %get3A_81 = arith.constant 112 : index
    %get3A_82 = tpu.vector_load %arg10[%get3A_80, %get3A_81] {strides = array<i32>} : memref<4x128xf32, #tpu.memory_space<vmem>>, vector<1x16xf32>,
    %get3A_83 = vector.shape_cast %get3A_82 : vector<1x16xf32> to vector<16xf32>
    %get3A_84 = arith.constant 2 : i32
    %get3A_85 = arith.index_cast %get3A_84 : i32 to index
    %get3A_86 = arith.constant 0 : index
    %get3A_87 = tpu.vector_load %arg10[%get3A_85, %get3A_86] {strides = array<i32>} : memref<4x128xf32, #tpu.memory_space<vmem>>, vector<1x16xf32>,
    %get3A_88 = vector.shape_cast %get3A_87 : vector<1x16xf32> to vector<16xf32>
    %get3A_89 = arith.constant 2 : i32
    %get3A_90 = arith.index_cast %get3A_89 : i32 to index
    %get3A_91 = arith.constant 16 : index
    %get3A_92 = tpu.vector_load %arg10[%get3A_90, %get3A_91] {strides = array<i32>} : memref<4x128xf32, #tpu.memory_space<vmem>>, vector<1x16xf32>,
    %get3A_93 = vector.shape_cast %get3A_92 : vector<1x16xf32> to vector<16xf32>
    %get3A_94 = arith.constant 2 : i32
    %get3A_95 = arith.index_cast %get3A_94 : i32 to index
    %get3A_96 = arith.constant 32 : index
    %get3A_97 = tpu.vector_load %arg10[%get3A_95, %get3A_96] {strides = array<i32>} : memref<4x128xf32, #tpu.memory_space<vmem>>, vector<1x16xf32>,
    %get3A_98 = vector.shape_cast %get3A_97 : vector<1x16xf32> to vector<16xf32>
    %get3A_99 = arith.constant 2 : i32
    %get3A_100 = arith.index_cast %get3A_99 : i32 to index
    %get3A_101 = arith.constant 48 : index
    %get3A_102 = tpu.vector_load %arg10[%get3A_100, %get3A_101] {strides = array<i32>} : memref<4x128xf32, #tpu.memory_space<vmem>>, vector<1x16xf32>,
    %get3A_103 = vector.shape_cast %get3A_102 : vector<1x16xf32> to vector<16xf32>
    %get3A_104 = arith.constant 2 : i32
    %get3A_105 = arith.index_cast %get3A_104 : i32 to index
    %get3A_106 = arith.constant 64 : index
    %get3A_107 = tpu.vector_load %arg10[%get3A_105, %get3A_106] {strides = array<i32>} : memref<4x128xf32, #tpu.memory_space<vmem>>, vector<1x16xf32>,
    %get3A_108 = vector.shape_cast %get3A_107 : vector<1x16xf32> to vector<16xf32>
    %get3A_109 = arith.constant 2 : i32
    %get3A_110 = arith.index_cast %get3A_109 : i32 to index
    %get3A_111 = arith.constant 80 : index
    %get3A_112 = tpu.vector_load %arg10[%get3A_110, %get3A_111] {strides = array<i32>} : memref<4x128xf32, #tpu.memory_space<vmem>>, vector<1x16xf32>,
    %get3A_113 = vector.shape_cast %get3A_112 : vector<1x16xf32> to vector<16xf32>
    %get3A_114 = arith.constant 2 : i32
    %get3A_115 = arith.index_cast %get3A_114 : i32 to index
    %get3A_116 = arith.constant 96 : index
    %get3A_117 = tpu.vector_load %arg10[%get3A_115, %get3A_116] {strides = array<i32>} : memref<4x128xf32, #tpu.memory_space<vmem>>, vector<1x16xf32>,
    %get3A_118 = vector.shape_cast %get3A_117 : vector<1x16xf32> to vector<16xf32>
    %get3A_119 = arith.constant 2 : i32
    %get3A_120 = arith.index_cast %get3A_119 : i32 to index
    %get3A_121 = arith.constant 112 : index
    %get3A_122 = tpu.vector_load %arg10[%get3A_120, %get3A_121] {strides = array<i32>} : memref<4x128xf32, #tpu.memory_space<vmem>>, vector<1x16xf32>,
    %get3A_123 = vector.shape_cast %get3A_122 : vector<1x16xf32> to vector<16xf32>
    %get3A_124 = arith.constant 3 : i32
    %get3A_125 = arith.index_cast %get3A_124 : i32 to index
    %get3A_126 = arith.constant 0 : index
    %get3A_127 = tpu.vector_load %arg10[%get3A_125, %get3A_126] {strides = array<i32>} : memref<4x128xf32, #tpu.memory_space<vmem>>, vector<1x16xf32>,
    %get3A_128 = vector.shape_cast %get3A_127 : vector<1x16xf32> to vector<16xf32>
    %get3A_129 = arith.constant 3 : i32
    %get3A_130 = arith.index_cast %get3A_129 : i32 to index
    %get3A_131 = arith.constant 16 : index
    %get3A_132 = tpu.vector_load %arg10[%get3A_130, %get3A_131] {strides = array<i32>} : memref<4x128xf32, #tpu.memory_space<vmem>>, vector<1x16xf32>,
    %get3A_133 = vector.shape_cast %get3A_132 : vector<1x16xf32> to vector<16xf32>
    %get3A_134 = arith.constant 3 : i32
    %get3A_135 = arith.index_cast %get3A_134 : i32 to index
    %get3A_136 = arith.constant 32 : index
    %get3A_137 = tpu.vector_load %arg10[%get3A_135, %get3A_136] {strides = array<i32>} : memref<4x128xf32, #tpu.memory_space<vmem>>, vector<1x16xf32>,
    %get3A_138 = vector.shape_cast %get3A_137 : vector<1x16xf32> to vector<16xf32>
    %get3A_139 = arith.constant 3 : i32
    %get3A_140 = arith.index_cast %get3A_139 : i32 to index
    %get3A_141 = arith.constant 48 : index
    %get3A_142 = tpu.vector_load %arg10[%get3A_140, %get3A_141] {strides = array<i32>} : memref<4x128xf32, #tpu.memory_space<vmem>>, vector<1x16xf32>,
    %get3A_143 = vector.shape_cast %get3A_142 : vector<1x16xf32> to vector<16xf32>
    %get3A_144 = arith.constant 3 : i32
    %get3A_145 = arith.index_cast %get3A_144 : i32 to index
    %get3A_146 = arith.constant 64 : index
    %get3A_147 = tpu.vector_load %arg10[%get3A_145, %get3A_146] {strides = array<i32>} : memref<4x128xf32, #tpu.memory_space<vmem>>, vector<1x16xf32>,
    %get3A_148 = vector.shape_cast %get3A_147 : vector<1x16xf32> to vector<16xf32>
    %get3A_149 = arith.constant 3 : i32
    %get3A_150 = arith.index_cast %get3A_149 : i32 to index
    %get3A_151 = arith.constant 80 : index
    %get3A_152 = tpu.vector_load %arg10[%get3A_150, %get3A_151] {strides = array<i32>} : memref<4x128xf32, #tpu.memory_space<vmem>>, vector<1x16xf32>,
    %get3A_153 = vector.shape_cast %get3A_152 : vector<1x16xf32> to vector<16xf32>
    %get3A_154 = arith.constant 3 : i32
    %get3A_155 = arith.index_cast %get3A_154 : i32 to index
    %get3A_156 = arith.constant 96 : index
    %get3A_157 = tpu.vector_load %arg10[%get3A_155, %get3A_156] {strides = array<i32>} : memref<4x128xf32, #tpu.memory_space<vmem>>, vector<1x16xf32>,
    %get3A_158 = vector.shape_cast %get3A_157 : vector<1x16xf32> to vector<16xf32>
    %get3A_159 = arith.constant 3 : i32
    %get3A_160 = arith.index_cast %get3A_159 : i32 to index
    %get3A_161 = arith.constant 112 : index
    %get3A_162 = tpu.vector_load %arg10[%get3A_160, %get3A_161] {strides = array<i32>} : memref<4x128xf32, #tpu.memory_space<vmem>>, vector<1x16xf32>,
    %get3A_163 = vector.shape_cast %get3A_162 : vector<1x16xf32> to vector<16xf32>
    %add3A_164 = arith.constant 0 : i32
    %add3A_165 = arith.addi %mul3A_2, %add3A_164 : i32
    %dma_start3A = arith.constant 0 : i32
    %dma_start3A_166 = arith.constant 0 : i32
    %dma_start3A_167 = tpu.memref_slice %arg7[%dma_start3A, %dma_start3A_166] : memref<4x128xi32, #tpu.memory_space<vmem>> -> memref<1x128xi32, #tpu.memory_space<vmem>>
    %dma_start3A_168 = tpu.memref_squeeze %dma_start3A_167 : memref<1x128xi32, #tpu.memory_space<vmem>> -> memref<128xi32, #tpu.memory_space<vmem>>
    %dma_start3A_169 = tpu.memref_slice %arg2[%add3A_165] : memref<204800xi32, #tpu.memory_space<hbm>> -> memref<128xi32, #tpu.memory_space<hbm>>
    %dma_start3A_170 = arith.constant 0 : i32
    %dma_start3A_171 = tpu.memref_slice %arg7[%dma_start3A, %dma_start3A_170] : memref<4x128xi32, #tpu.memory_space<vmem>> -> memref<1x128xi32, #tpu.memory_space<vmem>>
    %dma_start3A_172 = tpu.memref_squeeze %dma_start3A_171 : memref<1x128xi32, #tpu.memory_space<vmem>> -> memref<128xi32, #tpu.memory_space<vmem>>
    %dma_start3A_173 = tpu.memref_slice %arg2[%add3A_165] : memref<204800xi32, #tpu.memory_space<hbm>> -> memref<128xi32, #tpu.memory_space<hbm>>
    tpu.enqueue_dma source(%dma_start3A_173 : memref<128xi32, #tpu.memory_space<hbm>>) target(%dma_start3A_172 : memref<128xi32, #tpu.memory_space<vmem>>) target_semaphore(%arg20 : memref<!tpu.dma_semaphore, #tpu.memory_space<semaphore_mem>>)
    %mul3A_174 = arith.constant 4 : i32
    %mul3A_175 = arith.muli %add3A_165, %mul3A_174 : i32
    %dma_start3A_176 = arith.constant 0 : i32
    %dma_start3A_177 = arith.constant 0 : i32
    %dma_start3A_178 = tpu.memref_slice %arg8[%dma_start3A_176, %dma_start3A_177] : memref<4x512xf32, #tpu.memory_space<vmem>> -> memref<1x512xf32, #tpu.memory_space<vmem>>
    %dma_start3A_179 = tpu.memref_squeeze %dma_start3A_178 : memref<1x512xf32, #tpu.memory_space<vmem>> -> memref<512xf32, #tpu.memory_space<vmem>>
    %dma_start3A_180 = tpu.memref_slice %arg3[%mul3A_175] : memref<819200xf32, #tpu.memory_space<hbm>> -> memref<512xf32, #tpu.memory_space<hbm>>
    %dma_start3A_181 = arith.constant 0 : i32
    %dma_start3A_182 = tpu.memref_slice %arg8[%dma_start3A_176, %dma_start3A_181] : memref<4x512xf32, #tpu.memory_space<vmem>> -> memref<1x512xf32, #tpu.memory_space<vmem>>
    %dma_start3A_183 = tpu.memref_squeeze %dma_start3A_182 : memref<1x512xf32, #tpu.memory_space<vmem>> -> memref<512xf32, #tpu.memory_space<vmem>>
    %dma_start3A_184 = tpu.memref_slice %arg3[%mul3A_175] : memref<819200xf32, #tpu.memory_space<hbm>> -> memref<512xf32, #tpu.memory_space<hbm>>
    tpu.enqueue_dma source(%dma_start3A_184 : memref<512xf32, #tpu.memory_space<hbm>>) target(%dma_start3A_183 : memref<512xf32, #tpu.memory_space<vmem>>) target_semaphore(%arg20 : memref<!tpu.dma_semaphore, #tpu.memory_space<semaphore_mem>>)
    %add3A_185 = arith.constant 128 : i32
    %add3A_186 = arith.addi %mul3A_2, %add3A_185 : i32
    %dma_start3A_187 = arith.constant 1 : i32
    %dma_start3A_188 = arith.constant 0 : i32
    %dma_start3A_189 = tpu.memref_slice %arg7[%dma_start3A_187, %dma_start3A_188] : memref<4x128xi32, #tpu.memory_space<vmem>> -> memref<1x128xi32, #tpu.memory_space<vmem>>
    %dma_start3A_190 = tpu.memref_squeeze %dma_start3A_189 : memref<1x128xi32, #tpu.memory_space<vmem>> -> memref<128xi32, #tpu.memory_space<vmem>>
    %dma_start3A_191 = tpu.memref_slice %arg2[%add3A_186] : memref<204800xi32, #tpu.memory_space<hbm>> -> memref<128xi32, #tpu.memory_space<hbm>>
    %dma_start3A_192 = arith.constant 0 : i32
    %dma_start3A_193 = tpu.memref_slice %arg7[%dma_start3A_187, %dma_start3A_192] : memref<4x128xi32, #tpu.memory_space<vmem>> -> memref<1x128xi32, #tpu.memory_space<vmem>>
    %dma_start3A_194 = tpu.memref_squeeze %dma_start3A_193 : memref<1x128xi32, #tpu.memory_space<vmem>> -> memref<128xi32, #tpu.memory_space<vmem>>
    %dma_start3A_195 = tpu.memref_slice %arg2[%add3A_186] : memref<204800xi32, #tpu.memory_space<hbm>> -> memref<128xi32, #tpu.memory_space<hbm>>
    tpu.enqueue_dma source(%dma_start3A_195 : memref<128xi32, #tpu.memory_space<hbm>>) target(%dma_start3A_194 : memref<128xi32, #tpu.memory_space<vmem>>) target_semaphore(%arg21 : memref<!tpu.dma_semaphore, #tpu.memory_space<semaphore_mem>>)
    %mul3A_196 = arith.constant 4 : i32
    %mul3A_197 = arith.muli %add3A_186, %mul3A_196 : i32
    %dma_start3A_198 = arith.constant 1 : i32
    %dma_start3A_199 = arith.constant 0 : i32
    %dma_start3A_200 = tpu.memref_slice %arg8[%dma_start3A_198, %dma_start3A_199] : memref<4x512xf32, #tpu.memory_space<vmem>> -> memref<1x512xf32, #tpu.memory_space<vmem>>
    %dma_start3A_201 = tpu.memref_squeeze %dma_start3A_200 : memref<1x512xf32, #tpu.memory_space<vmem>> -> memref<512xf32, #tpu.memory_space<vmem>>
    %dma_start3A_202 = tpu.memref_slice %arg3[%mul3A_197] : memref<819200xf32, #tpu.memory_space<hbm>> -> memref<512xf32, #tpu.memory_space<hbm>>
    %dma_start3A_203 = arith.constant 0 : i32
    %dma_start3A_204 = tpu.memref_slice %arg8[%dma_start3A_198, %dma_start3A_203] : memref<4x512xf32, #tpu.memory_space<vmem>> -> memref<1x512xf32, #tpu.memory_space<vmem>>
    %dma_start3A_205 = tpu.memref_squeeze %dma_start3A_204 : memref<1x512xf32, #tpu.memory_space<vmem>> -> memref<512xf32, #tpu.memory_space<vmem>>
    %dma_start3A_206 = tpu.memref_slice %arg3[%mul3A_197] : memref<819200xf32, #tpu.memory_space<hbm>> -> memref<512xf32, #tpu.memory_space<hbm>>
    tpu.enqueue_dma source(%dma_start3A_206 : memref<512xf32, #tpu.memory_space<hbm>>) target(%dma_start3A_205 : memref<512xf32, #tpu.memory_space<vmem>>) target_semaphore(%arg21 : memref<!tpu.dma_semaphore, #tpu.memory_space<semaphore_mem>>)
    %dma_wait3A = arith.constant 0 : i32
    %dma_wait3A_207 = arith.constant 0 : i32
    %dma_wait3A_208 = tpu.memref_slice %arg7[%dma_wait3A, %dma_wait3A_207] : memref<4x128xi32, #tpu.memory_space<vmem>> -> memref<1x128xi32, #tpu.memory_space<vmem>>
    %dma_wait3A_209 = tpu.memref_squeeze %dma_wait3A_208 : memref<1x128xi32, #tpu.memory_space<vmem>> -> memref<128xi32, #tpu.memory_space<vmem>>
    %dma_wait3A_210 = tpu.memref_slice %arg2[%mul3A_2] : memref<204800xi32, #tpu.memory_space<hbm>> -> memref<128xi32, #tpu.memory_space<hbm>>
    %dma_wait3A_211 = arith.constant 0 : i32
    %dma_wait3A_212 = tpu.memref_slice %arg7[%dma_wait3A, %dma_wait3A_211] : memref<4x128xi32, #tpu.memory_space<vmem>> -> memref<1x128xi32, #tpu.memory_space<vmem>>
    %dma_wait3A_213 = tpu.memref_squeeze %dma_wait3A_212 : memref<1x128xi32, #tpu.memory_space<vmem>> -> memref<128xi32, #tpu.memory_space<vmem>>
    %dma_wait3A_214 = tpu.memref_slice %arg2[%mul3A_2] : memref<204800xi32, #tpu.memory_space<hbm>> -> memref<128xi32, #tpu.memory_space<hbm>>
    tpu.wait_dma2 semaphore(%arg20 : memref<!tpu.dma_semaphore, #tpu.memory_space<semaphore_mem>>) src(%dma_wait3A_214 : memref<128xi32, #tpu.memory_space<hbm>>) dst(%dma_wait3A_213 : memref<128xi32, #tpu.memory_space<vmem>>)
    %dma_wait3A_215 = arith.constant 0 : i32
    %dma_wait3A_216 = arith.constant 0 : i32
    %dma_wait3A_217 = tpu.memref_slice %arg8[%dma_wait3A_215, %dma_wait3A_216] : memref<4x512xf32, #tpu.memory_space<vmem>> -> memref<1x512xf32, #tpu.memory_space<vmem>>
    %dma_wait3A_218 = tpu.memref_squeeze %dma_wait3A_217 : memref<1x512xf32, #tpu.memory_space<vmem>> -> memref<512xf32, #tpu.memory_space<vmem>>
    %dma_wait3A_219 = tpu.memref_slice %arg3[%mul3A_2] : memref<819200xf32, #tpu.memory_space<hbm>> -> memref<512xf32, #tpu.memory_space<hbm>>
    %dma_wait3A_220 = arith.constant 0 : i32
    %dma_wait3A_221 = tpu.memref_slice %arg8[%dma_wait3A_215, %dma_wait3A_220] : memref<4x512xf32, #tpu.memory_space<vmem>> -> memref<1x512xf32, #tpu.memory_space<vmem>>
    %dma_wait3A_222 = tpu.memref_squeeze %dma_wait3A_221 : memref<1x512xf32, #tpu.memory_space<vmem>> -> memref<512xf32, #tpu.memory_space<vmem>>
    %dma_wait3A_223 = tpu.memref_slice %arg3[%mul3A_2] : memref<819200xf32, #tpu.memory_space<hbm>> -> memref<512xf32, #tpu.memory_space<hbm>>
    tpu.wait_dma2 semaphore(%arg20 : memref<!tpu.dma_semaphore, #tpu.memory_space<semaphore_mem>>) src(%dma_wait3A_223 : memref<512xf32, #tpu.memory_space<hbm>>) dst(%dma_wait3A_222 : memref<512xf32, #tpu.memory_space<vmem>>)
    %parallel_loop3A = arith.constant 0 : i32
    %parallel_loop3A_224 = arith.constant 128 : i32
    %parallel_loop3A_225 = arith.constant 1 : i32
    scf.for %parallel_loop3A_294 = %parallel_loop3A to %parallel_loop3A_224 step %parallel_loop3A_225  : i32 {
      %parallel_loop3A_295 = arith.constant 4 : i32
      %parallel_loop3A_296 = arith.divsi %parallel_loop3A_294, %parallel_loop3A_295 : i32
      %parallel_loop3A_297 = arith.constant 0 : i32
      %parallel_loop3A_298 = arith.cmpi sgt, %parallel_loop3A_294, %parallel_loop3A_297 : i32
      %parallel_loop3A_299 = arith.extui %parallel_loop3A_298 : i1 to i32
      %parallel_loop3A_300 = arith.constant 0 : i32
      %parallel_loop3A_301 = arith.cmpi slt, %parallel_loop3A_294, %parallel_loop3A_300 : i32
      %parallel_loop3A_302 = arith.extui %parallel_loop3A_301 : i1 to i32
      %parallel_loop3A_303 = arith.subi %parallel_loop3A_299, %parallel_loop3A_302 : i32
      %parallel_loop3A_304 = arith.constant 0 : i32
      %parallel_loop3A_305 = arith.cmpi sgt, %parallel_loop3A_295, %parallel_loop3A_304 : i32
      %parallel_loop3A_306 = arith.extui %parallel_loop3A_305 : i1 to i32
      %parallel_loop3A_307 = arith.constant 0 : i32
      %parallel_loop3A_308 = arith.cmpi slt, %parallel_loop3A_295, %parallel_loop3A_307 : i32
      %parallel_loop3A_309 = arith.extui %parallel_loop3A_308 : i1 to i32
      %parallel_loop3A_310 = arith.subi %parallel_loop3A_306, %parallel_loop3A_309 : i32
      %parallel_loop3A_311 = arith.cmpi ne, %parallel_loop3A_303, %parallel_loop3A_310 : i32
      %parallel_loop3A_312 = arith.remsi %parallel_loop3A_294, %parallel_loop3A_295 : i32
      %parallel_loop3A_313 = arith.constant 0 : i32
      %parallel_loop3A_314 = arith.cmpi ne, %parallel_loop3A_312, %parallel_loop3A_313 : i32
      %parallel_loop3A_315 = arith.andi %parallel_loop3A_311, %parallel_loop3A_314 : i1
      %parallel_loop3A_316 = arith.constant 1 : i32
      %parallel_loop3A_317 = arith.subi %parallel_loop3A_296, %parallel_loop3A_316 : i32
      %parallel_loop3A_318 = arith.select %parallel_loop3A_315, %parallel_loop3A_317, %parallel_loop3A_296 : i32
      %parallel_loop3A_319 = arith.constant 16 : i32
      %parallel_loop3A_320 = arith.muli %parallel_loop3A_319, %parallel_loop3A_318 : i32
      %parallel_loop3A_321 = arith.constant 0 : i32
      %parallel_loop3A_322 = arith.index_cast %parallel_loop3A_321 : i32 to index
      %parallel_loop3A_323 = arith.index_cast %parallel_loop3A_320 : i32 to index
      %parallel_loop3A_324 = tpu.vector_load %arg8[%parallel_loop3A_322, %parallel_loop3A_323] {strides = array<i32>} : memref<4x512xf32, #tpu.memory_space<vmem>>, vector<1x16xf32>,
      %parallel_loop3A_325 = vector.shape_cast %parallel_loop3A_324 : vector<1x16xf32> to vector<16xf32>
      %parallel_loop3A_326 = arith.constant 4 : i32
      %parallel_loop3A_327 = arith.constant 0 : i32
      %parallel_loop3A_328 = arith.cmpi eq, %parallel_loop3A_326, %parallel_loop3A_327 : i32
      %parallel_loop3A_329 = arith.constant 1 : i32
      %parallel_loop3A_330 = arith.select %parallel_loop3A_328, %parallel_loop3A_329, %parallel_loop3A_326 : i32
      %parallel_loop3A_331 = arith.remsi %parallel_loop3A_294, %parallel_loop3A_330 : i32
      %parallel_loop3A_332 = arith.constant 0 : i32
      %parallel_loop3A_333 = arith.cmpi ne, %parallel_loop3A_331, %parallel_loop3A_332 : i32
      %parallel_loop3A_334 = arith.constant 0 : i32
      %parallel_loop3A_335 = arith.cmpi slt, %parallel_loop3A_331, %parallel_loop3A_334 : i32
      %parallel_loop3A_336 = arith.constant 0 : i32
      %parallel_loop3A_337 = arith.cmpi slt, %parallel_loop3A_330, %parallel_loop3A_336 : i32
      %parallel_loop3A_338 = arith.xori %parallel_loop3A_335, %parallel_loop3A_337 : i1
      %parallel_loop3A_339 = arith.andi %parallel_loop3A_338, %parallel_loop3A_333 : i1
      %parallel_loop3A_340 = arith.addi %parallel_loop3A_331, %parallel_loop3A_330 : i32
      %parallel_loop3A_341 = arith.select %parallel_loop3A_339, %parallel_loop3A_340, %parallel_loop3A_331 : i32
      %parallel_loop3A_342 = arith.constant 4 : i32
      %parallel_loop3A_343 = arith.muli %parallel_loop3A_342, %parallel_loop3A_341 : i32
      %parallel_loop3A_344 = arith.constant 0 : i32
      %parallel_loop3A_345 = arith.addi %parallel_loop3A_343, %parallel_loop3A_344 : i32
      %parallel_loop3A_346 = vector.broadcast %parallel_loop3A_345 : i32 to vector<16x1xi32>
      %parallel_loop3A_347 = vector.shape_cast %parallel_loop3A_346 : vector<16x1xi32> to vector<16xi32>
      %parallel_loop3A_348 = tpu.dynamic_gather %parallel_loop3A_325[%parallel_loop3A_347] in [0] : vector<16xf32>, vector<16xi32> -> vector<16xf32>
      %parallel_loop3A_349 = arith.constant 4 : i32
      %parallel_loop3A_350 = arith.muli %parallel_loop3A_349, %parallel_loop3A_341 : i32
      %parallel_loop3A_351 = arith.constant 1 : i32
      %parallel_loop3A_352 = arith.addi %parallel_loop3A_350, %parallel_loop3A_351 : i32
      %parallel_loop3A_353 = vector.broadcast %parallel_loop3A_352 : i32 to vector<16x1xi32>
      %parallel_loop3A_354 = vector.shape_cast %parallel_loop3A_353 : vector<16x1xi32> to vector<16xi32>
      %parallel_loop3A_355 = tpu.dynamic_gather %parallel_loop3A_325[%parallel_loop3A_354] in [0] : vector<16xf32>, vector<16xi32> -> vector<16xf32>
      %parallel_loop3A_356 = arith.constant 4 : i32
      %parallel_loop3A_357 = arith.muli %parallel_loop3A_356, %parallel_loop3A_341 : i32
      %parallel_loop3A_358 = arith.constant 2 : i32
      %parallel_loop3A_359 = arith.addi %parallel_loop3A_357, %parallel_loop3A_358 : i32
      %parallel_loop3A_360 = vector.broadcast %parallel_loop3A_359 : i32 to vector<16x1xi32>
      %parallel_loop3A_361 = vector.shape_cast %parallel_loop3A_360 : vector<16x1xi32> to vector<16xi32>
      %parallel_loop3A_362 = tpu.dynamic_gather %parallel_loop3A_325[%parallel_loop3A_361] in [0] : vector<16xf32>, vector<16xi32> -> vector<16xf32>
      %parallel_loop3A_363 = arith.constant 4 : i32
      %parallel_loop3A_364 = arith.muli %parallel_loop3A_363, %parallel_loop3A_341 : i32
      %parallel_loop3A_365 = arith.constant 3 : i32
      %parallel_loop3A_366 = arith.addi %parallel_loop3A_364, %parallel_loop3A_365 : i32
      %parallel_loop3A_367 = vector.broadcast %parallel_loop3A_366 : i32 to vector<16x1xi32>
      %parallel_loop3A_368 = vector.shape_cast %parallel_loop3A_367 : vector<16x1xi32> to vector<16xi32>
      %parallel_loop3A_369 = tpu.dynamic_gather %parallel_loop3A_325[%parallel_loop3A_368] in [0] : vector<16xf32>, vector<16xi32> -> vector<16xf32>
      %parallel_loop3A_370 = arith.mulf %parallel_loop3A_348, %get3A_8 : vector<16xf32>
      %parallel_loop3A_371 = arith.mulf %parallel_loop3A_355, %get3A_48 : vector<16xf32>
      %parallel_loop3A_372 = arith.mulf %parallel_loop3A_362, %get3A_88 : vector<16xf32>
      %parallel_loop3A_373 = arith.mulf %parallel_loop3A_369, %get3A_128 : vector<16xf32>
      %parallel_loop3A_374 = arith.addf %parallel_loop3A_370, %parallel_loop3A_371 : vector<16xf32>
      %parallel_loop3A_375 = arith.addf %parallel_loop3A_372, %parallel_loop3A_373 : vector<16xf32>
      %parallel_loop3A_376 = arith.addf %parallel_loop3A_374, %parallel_loop3A_375 : vector<16xf32>
      %parallel_loop3A_377 = arith.constant 0 : i32
      %parallel_loop3A_378 = arith.index_cast %parallel_loop3A_377 : i32 to index
      %parallel_loop3A_379 = arith.index_cast %parallel_loop3A_294 : i32 to index
      %parallel_loop3A_380 = arith.constant 0 : index
      %parallel_loop3A_381 = tpu.vector_load %arg9[%parallel_loop3A_378, %parallel_loop3A_379, %parallel_loop3A_380] {strides = array<i32>} : memref<4x128x128xf32, #tpu.memory_space<vmem>>, vector<1x1x16xf32>,
      %parallel_loop3A_382 = vector.shape_cast %parallel_loop3A_381 : vector<1x1x16xf32> to vector<16xf32>
      %parallel_loop3A_383 = vector.shape_cast %parallel_loop3A_376 : vector<16xf32> to vector<1x1x16xf32>
      tpu.vector_store %arg9[%parallel_loop3A_378, %parallel_loop3A_379, %parallel_loop3A_380], %parallel_loop3A_383 {strides = array<i32>} : memref<4x128x128xf32, #tpu.memory_space<vmem>>, vector<1x1x16xf32>,
      %parallel_loop3A_384 = arith.mulf %parallel_loop3A_348, %get3A_13 : vector<16xf32>
      %parallel_loop3A_385 = arith.mulf %parallel_loop3A_355, %get3A_53 : vector<16xf32>
      %parallel_loop3A_386 = arith.mulf %parallel_loop3A_362, %get3A_93 : vector<16xf32>
      %parallel_loop3A_387 = arith.mulf %parallel_loop3A_369, %get3A_133 : vector<16xf32>
      %parallel_loop3A_388 = arith.addf %parallel_loop3A_384, %parallel_loop3A_385 : vector<16xf32>
      %parallel_loop3A_389 = arith.addf %parallel_loop3A_386, %parallel_loop3A_387 : vector<16xf32>
      %parallel_loop3A_390 = arith.addf %parallel_loop3A_388, %parallel_loop3A_389 : vector<16xf32>
      %parallel_loop3A_391 = arith.constant 0 : i32
      %parallel_loop3A_392 = arith.index_cast %parallel_loop3A_391 : i32 to index
      %parallel_loop3A_393 = arith.index_cast %parallel_loop3A_294 : i32 to index
      %parallel_loop3A_394 = arith.constant 16 : index
      %parallel_loop3A_395 = tpu.vector_load %arg9[%parallel_loop3A_392, %parallel_loop3A_393, %parallel_loop3A_394] {strides = array<i32>} : memref<4x128x128xf32, #tpu.memory_space<vmem>>, vector<1x1x16xf32>,
      %parallel_loop3A_396 = vector.shape_cast %parallel_loop3A_395 : vector<1x1x16xf32> to vector<16xf32>
      %parallel_loop3A_397 = vector.shape_cast %parallel_loop3A_390 : vector<16xf32> to vector<1x1x16xf32>
      tpu.vector_store %arg9[%parallel_loop3A_392, %parallel_loop3A_393, %parallel_loop3A_394], %parallel_loop3A_397 {strides = array<i32>} : memref<4x128x128xf32, #tpu.memory_space<vmem>>, vector<1x1x16xf32>,
      %parallel_loop3A_398 = arith.mulf %parallel_loop3A_348, %get3A_18 : vector<16xf32>
      %parallel_loop3A_399 = arith.mulf %parallel_loop3A_355, %get3A_58 : vector<16xf32>
      %parallel_loop3A_400 = arith.mulf %parallel_loop3A_362, %get3A_98 : vector<16xf32>
      %parallel_loop3A_401 = arith.mulf %parallel_loop3A_369, %get3A_138 : vector<16xf32>
      %parallel_loop3A_402 = arith.addf %parallel_loop3A_398, %parallel_loop3A_399 : vector<16xf32>
      %parallel_loop3A_403 = arith.addf %parallel_loop3A_400, %parallel_loop3A_401 : vector<16xf32>
      %parallel_loop3A_404 = arith.addf %parallel_loop3A_402, %parallel_loop3A_403 : vector<16xf32>
      %parallel_loop3A_405 = arith.constant 0 : i32
      %parallel_loop3A_406 = arith.index_cast %parallel_loop3A_405 : i32 to index
      %parallel_loop3A_407 = arith.index_cast %parallel_loop3A_294 : i32 to index
      %parallel_loop3A_408 = arith.constant 32 : index
      %parallel_loop3A_409 = tpu.vector_load %arg9[%parallel_loop3A_406, %parallel_loop3A_407, %parallel_loop3A_408] {strides = array<i32>} : memref<4x128x128xf32, #tpu.memory_space<vmem>>, vector<1x1x16xf32>,
      %parallel_loop3A_410 = vector.shape_cast %parallel_loop3A_409 : vector<1x1x16xf32> to vector<16xf32>
      %parallel_loop3A_411 = vector.shape_cast %parallel_loop3A_404 : vector<16xf32> to vector<1x1x16xf32>
      tpu.vector_store %arg9[%parallel_loop3A_406, %parallel_loop3A_407, %parallel_loop3A_408], %parallel_loop3A_411 {strides = array<i32>} : memref<4x128x128xf32, #tpu.memory_space<vmem>>, vector<1x1x16xf32>,
      %parallel_loop3A_412 = arith.mulf %parallel_loop3A_348, %get3A_23 : vector<16xf32>
      %parallel_loop3A_413 = arith.mulf %parallel_loop3A_355, %get3A_63 : vector<16xf32>
      %parallel_loop3A_414 = arith.mulf %parallel_loop3A_362, %get3A_103 : vector<16xf32>
      %parallel_loop3A_415 = arith.mulf %parallel_loop3A_369, %get3A_143 : vector<16xf32>
      %parallel_loop3A_416 = arith.addf %parallel_loop3A_412, %parallel_loop3A_413 : vector<16xf32>
      %parallel_loop3A_417 = arith.addf %parallel_loop3A_414, %parallel_loop3A_415 : vector<16xf32>
      %parallel_loop3A_418 = arith.addf %parallel_loop3A_416, %parallel_loop3A_417 : vector<16xf32>
      %parallel_loop3A_419 = arith.constant 0 : i32
      %parallel_loop3A_420 = arith.index_cast %parallel_loop3A_419 : i32 to index
      %parallel_loop3A_421 = arith.index_cast %parallel_loop3A_294 : i32 to index
      %parallel_loop3A_422 = arith.constant 48 : index
      %parallel_loop3A_423 = tpu.vector_load %arg9[%parallel_loop3A_420, %parallel_loop3A_421, %parallel_loop3A_422] {strides = array<i32>} : memref<4x128x128xf32, #tpu.memory_space<vmem>>, vector<1x1x16xf32>,
      %parallel_loop3A_424 = vector.shape_cast %parallel_loop3A_423 : vector<1x1x16xf32> to vector<16xf32>
      %parallel_loop3A_425 = vector.shape_cast %parallel_loop3A_418 : vector<16xf32> to vector<1x1x16xf32>
      tpu.vector_store %arg9[%parallel_loop3A_420, %parallel_loop3A_421, %parallel_loop3A_422], %parallel_loop3A_425 {strides = array<i32>} : memref<4x128x128xf32, #tpu.memory_space<vmem>>, vector<1x1x16xf32>,
      %parallel_loop3A_426 = arith.mulf %parallel_loop3A_348, %get3A_28 : vector<16xf32>
      %parallel_loop3A_427 = arith.mulf %parallel_loop3A_355, %get3A_68 : vector<16xf32>
      %parallel_loop3A_428 = arith.mulf %parallel_loop3A_362, %get3A_108 : vector<16xf32>
      %parallel_loop3A_429 = arith.mulf %parallel_loop3A_369, %get3A_148 : vector<16xf32>
      %parallel_loop3A_430 = arith.addf %parallel_loop3A_426, %parallel_loop3A_427 : vector<16xf32>
      %parallel_loop3A_431 = arith.addf %parallel_loop3A_428, %parallel_loop3A_429 : vector<16xf32>
      %parallel_loop3A_432 = arith.addf %parallel_loop3A_430, %parallel_loop3A_431 : vector<16xf32>
      %parallel_loop3A_433 = arith.constant 0 : i32
      %parallel_loop3A_434 = arith.index_cast %parallel_loop3A_433 : i32 to index
      %parallel_loop3A_435 = arith.index_cast %parallel_loop3A_294 : i32 to index
      %parallel_loop3A_436 = arith.constant 64 : index
      %parallel_loop3A_437 = tpu.vector_load %arg9[%parallel_loop3A_434, %parallel_loop3A_435, %parallel_loop3A_436] {strides = array<i32>} : memref<4x128x128xf32, #tpu.memory_space<vmem>>, vector<1x1x16xf32>,
      %parallel_loop3A_438 = vector.shape_cast %parallel_loop3A_437 : vector<1x1x16xf32> to vector<16xf32>
      %parallel_loop3A_439 = vector.shape_cast %parallel_loop3A_432 : vector<16xf32> to vector<1x1x16xf32>
      tpu.vector_store %arg9[%parallel_loop3A_434, %parallel_loop3A_435, %parallel_loop3A_436], %parallel_loop3A_439 {strides = array<i32>} : memref<4x128x128xf32, #tpu.memory_space<vmem>>, vector<1x1x16xf32>,
      %parallel_loop3A_440 = arith.mulf %parallel_loop3A_348, %get3A_33 : vector<16xf32>
      %parallel_loop3A_441 = arith.mulf %parallel_loop3A_355, %get3A_73 : vector<16xf32>
      %parallel_loop3A_442 = arith.mulf %parallel_loop3A_362, %get3A_113 : vector<16xf32>
      %parallel_loop3A_443 = arith.mulf %parallel_loop3A_369, %get3A_153 : vector<16xf32>
      %parallel_loop3A_444 = arith.addf %parallel_loop3A_440, %parallel_loop3A_441 : vector<16xf32>
      %parallel_loop3A_445 = arith.addf %parallel_loop3A_442, %parallel_loop3A_443 : vector<16xf32>
      %parallel_loop3A_446 = arith.addf %parallel_loop3A_444, %parallel_loop3A_445 : vector<16xf32>
      %parallel_loop3A_447 = arith.constant 0 : i32
      %parallel_loop3A_448 = arith.index_cast %parallel_loop3A_447 : i32 to index
      %parallel_loop3A_449 = arith.index_cast %parallel_loop3A_294 : i32 to index
      %parallel_loop3A_450 = arith.constant 80 : index
      %parallel_loop3A_451 = tpu.vector_load %arg9[%parallel_loop3A_448, %parallel_loop3A_449, %parallel_loop3A_450] {strides = array<i32>} : memref<4x128x128xf32, #tpu.memory_space<vmem>>, vector<1x1x16xf32>,
      %parallel_loop3A_452 = vector.shape_cast %parallel_loop3A_451 : vector<1x1x16xf32> to vector<16xf32>
      %parallel_loop3A_453 = vector.shape_cast %parallel_loop3A_446 : vector<16xf32> to vector<1x1x16xf32>
      tpu.vector_store %arg9[%parallel_loop3A_448, %parallel_loop3A_449, %parallel_loop3A_450], %parallel_loop3A_453 {strides = array<i32>} : memref<4x128x128xf32, #tpu.memory_space<vmem>>, vector<1x1x16xf32>,
      %parallel_loop3A_454 = arith.mulf %parallel_loop3A_348, %get3A_38 : vector<16xf32>
      %parallel_loop3A_455 = arith.mulf %parallel_loop3A_355, %get3A_78 : vector<16xf32>
      %parallel_loop3A_456 = arith.mulf %parallel_loop3A_362, %get3A_118 : vector<16xf32>
      %parallel_loop3A_457 = arith.mulf %parallel_loop3A_369, %get3A_158 : vector<16xf32>
      %parallel_loop3A_458 = arith.addf %parallel_loop3A_454, %parallel_loop3A_455 : vector<16xf32>
      %parallel_loop3A_459 = arith.addf %parallel_loop3A_456, %parallel_loop3A_457 : vector<16xf32>
      %parallel_loop3A_460 = arith.addf %parallel_loop3A_458, %parallel_loop3A_459 : vector<16xf32>
      %parallel_loop3A_461 = arith.constant 0 : i32
      %parallel_loop3A_462 = arith.index_cast %parallel_loop3A_461 : i32 to index
      %parallel_loop3A_463 = arith.index_cast %parallel_loop3A_294 : i32 to index
      %parallel_loop3A_464 = arith.constant 96 : index
      %parallel_loop3A_465 = tpu.vector_load %arg9[%parallel_loop3A_462, %parallel_loop3A_463, %parallel_loop3A_464] {strides = array<i32>} : memref<4x128x128xf32, #tpu.memory_space<vmem>>, vector<1x1x16xf32>,
      %parallel_loop3A_466 = vector.shape_cast %parallel_loop3A_465 : vector<1x1x16xf32> to vector<16xf32>
      %parallel_loop3A_467 = vector.shape_cast %parallel_loop3A_460 : vector<16xf32> to vector<1x1x16xf32>
      tpu.vector_store %arg9[%parallel_loop3A_462, %parallel_loop3A_463, %parallel_loop3A_464], %parallel_loop3A_467 {strides = array<i32>} : memref<4x128x128xf32, #tpu.memory_space<vmem>>, vector<1x1x16xf32>,
      %parallel_loop3A_468 = arith.mulf %parallel_loop3A_348, %get3A_43 : vector<16xf32>
      %parallel_loop3A_469 = arith.mulf %parallel_loop3A_355, %get3A_83 : vector<16xf32>
      %parallel_loop3A_470 = arith.mulf %parallel_loop3A_362, %get3A_123 : vector<16xf32>
      %parallel_loop3A_471 = arith.mulf %parallel_loop3A_369, %get3A_163 : vector<16xf32>
      %parallel_loop3A_472 = arith.addf %parallel_loop3A_468, %parallel_loop3A_469 : vector<16xf32>
      %parallel_loop3A_473 = arith.addf %parallel_loop3A_470, %parallel_loop3A_471 : vector<16xf32>
      %parallel_loop3A_474 = arith.addf %parallel_loop3A_472, %parallel_loop3A_473 : vector<16xf32>
      %parallel_loop3A_475 = arith.constant 0 : i32
      %parallel_loop3A_476 = arith.index_cast %parallel_loop3A_475 : i32 to index
      %parallel_loop3A_477 = arith.index_cast %parallel_loop3A_294 : i32 to index
      %parallel_loop3A_478 = arith.constant 112 : index
      %parallel_loop3A_479 = tpu.vector_load %arg9[%parallel_loop3A_476, %parallel_loop3A_477, %parallel_loop3A_478] {strides = array<i32>} : memref<4x128x128xf32, #tpu.memory_space<vmem>>, vector<1x1x16xf32>,
      %parallel_loop3A_480 = vector.shape_cast %parallel_loop3A_479 : vector<1x1x16xf32> to vector<16xf32>
      %parallel_loop3A_481 = vector.shape_cast %parallel_loop3A_474 : vector<16xf32> to vector<1x1x16xf32>
      tpu.vector_store %arg9[%parallel_loop3A_476, %parallel_loop3A_477, %parallel_loop3A_478], %parallel_loop3A_481 {strides = array<i32>} : memref<4x128x128xf32, #tpu.memory_space<vmem>>, vector<1x1x16xf32>,
    } {sc.loop_unroll_factor = 1 : i64, sc.parallel_access}
    %dma_start3A_226 = arith.constant 0 : i32
    %dma_start3A_227 = arith.constant 0 : i32
    %dma_start3A_228 = arith.constant 0 : i32
    %dma_start3A_229 = arith.constant 0 : i32
    %dma_start3A_230 = tpu.memref_slice %arg9[%dma_start3A_227, %dma_start3A_228, %dma_start3A_229] : memref<4x128x128xf32, #tpu.memory_space<vmem>> -> memref<1x128x128xf32, #tpu.memory_space<vmem>>
    %dma_start3A_231 = tpu.memref_squeeze %dma_start3A_230 : memref<1x128x128xf32, #tpu.memory_space<vmem>> -> memref<128x128xf32, #tpu.memory_space<vmem>>
    %dma_start3A_232 = arith.constant 0 : i32
    %dma_start3A_233 = tpu.memref_slice %arg7[%dma_start3A_226, %dma_start3A_232] : memref<4x128xi32, #tpu.memory_space<vmem>> -> memref<1x128xi32, #tpu.memory_space<vmem>>
    %dma_start3A_234 = tpu.memref_squeeze %dma_start3A_233 : memref<1x128xi32, #tpu.memory_space<vmem>> -> memref<128xi32, #tpu.memory_space<vmem>>
    %dma_start3A_235 = arith.constant 0 : i32
    %dma_start3A_236 = arith.constant 0 : i32
    %dma_start3A_237 = tpu.memref_slice %arg11[%dma_start3A_235, %dma_start3A_236] : memref<1000x128xf32, #tpu.memory_space<vmem_shared>> -> memref<1000x128xf32, #tpu.memory_space<vmem_shared>>
    tpu.enqueue_indirect_dma source(%dma_start3A_237 : memref<1000x128xf32, #tpu.memory_space<vmem_shared>>) target(%dma_start3A_231 : memref<128x128xf32, #tpu.memory_space<vmem>>) offsets(%dma_start3A_234 : memref<128xi32, #tpu.memory_space<vmem>>) semaphore(%arg12 : memref<!tpu.dma_semaphore, #tpu.memory_space<semaphore_mem>>) {add = true}
    %scan3A = arith.constant 0 : i32
    %scan3A_238 = arith.constant 13 : i32
    %scan3A_239 = arith.addi %scan3A, %scan3A_238 : i32
    %scan3A_240 = arith.constant 1 : i32
    scf.for %scan3A_294 = %scan3A to %scan3A_239 step %scan3A_240  : i32 {
      %mul3A_295 = arith.constant 4 : i32
      %mul3A_296 = arith.muli %scan3A_294, %mul3A_295 : i32
      %add3A_297 = arith.constant 0 : i32
      %add3A_298 = arith.addi %add3A_297, %mul3A_296 : i32
      %add3A_299 = arith.constant 0 : i32
      %add3A_300 = arith.addi %add3A_298, %add3A_299 : i32
      %add3A_301 = arith.constant 2 : i32
      %add3A_302 = arith.addi %add3A_300, %add3A_301 : i32
      %lt3A = arith.constant 50 : i32
      %lt3A_303 = arith.cmpi slt, %add3A_302, %lt3A : i32
      %convert_element_type3A_304 = arith.extui %lt3A_303 : i1 to i32
      %cond3A_305 = arith.constant 0 : i32
      %cond3A_306 = arith.cmpi ne, %convert_element_type3A_304, %cond3A_305 : i32
      scf.if %cond3A_306 {
        %add3A_382 = arith.constant 2 : i32
        %add3A_383 = arith.addi %add3A_300, %add3A_382 : i32
        %mul3A_384 = arith.constant 128 : i32
        %mul3A_385 = arith.muli %add3A_383, %mul3A_384 : i32
        %add3A_386 = arith.addi %mul3A_2, %mul3A_385 : i32
        %dma_start3A_387 = arith.constant 2 : i32
        %dma_start3A_388 = arith.constant 0 : i32
        %dma_start3A_389 = tpu.memref_slice %arg7[%dma_start3A_387, %dma_start3A_388] : memref<4x128xi32, #tpu.memory_space<vmem>> -> memref<1x128xi32, #tpu.memory_space<vmem>>
        %dma_start3A_390 = tpu.memref_squeeze %dma_start3A_389 : memref<1x128xi32, #tpu.memory_space<vmem>> -> memref<128xi32, #tpu.memory_space<vmem>>
        %dma_start3A_391 = tpu.memref_slice %arg2[%add3A_386] : memref<204800xi32, #tpu.memory_space<hbm>> -> memref<128xi32, #tpu.memory_space<hbm>>
        %dma_start3A_392 = arith.constant 0 : i32
        %dma_start3A_393 = tpu.memref_slice %arg7[%dma_start3A_387, %dma_start3A_392] : memref<4x128xi32, #tpu.memory_space<vmem>> -> memref<1x128xi32, #tpu.memory_space<vmem>>
        %dma_start3A_394 = tpu.memref_squeeze %dma_start3A_393 : memref<1x128xi32, #tpu.memory_space<vmem>> -> memref<128xi32, #tpu.memory_space<vmem>>
        %dma_start3A_395 = tpu.memref_slice %arg2[%add3A_386] : memref<204800xi32, #tpu.memory_space<hbm>> -> memref<128xi32, #tpu.memory_space<hbm>>
        tpu.enqueue_dma source(%dma_start3A_395 : memref<128xi32, #tpu.memory_space<hbm>>) target(%dma_start3A_394 : memref<128xi32, #tpu.memory_space<vmem>>) target_semaphore(%arg22 : memref<!tpu.dma_semaphore, #tpu.memory_space<semaphore_mem>>)
        %mul3A_396 = arith.constant 4 : i32
        %mul3A_397 = arith.muli %add3A_386, %mul3A_396 : i32
        %dma_start3A_398 = arith.constant 2 : i32
        %dma_start3A_399 = arith.constant 0 : i32
        %dma_start3A_400 = tpu.memref_slice %arg8[%dma_start3A_398, %dma_start3A_399] : memref<4x512xf32, #tpu.memory_space<vmem>> -> memref<1x512xf32, #tpu.memory_space<vmem>>
        %dma_start3A_401 = tpu.memref_squeeze %dma_start3A_400 : memref<1x512xf32, #tpu.memory_space<vmem>> -> memref<512xf32, #tpu.memory_space<vmem>>
        %dma_start3A_402 = tpu.memref_slice %arg3[%mul3A_397] : memref<819200xf32, #tpu.memory_space<hbm>> -> memref<512xf32, #tpu.memory_space<hbm>>
        %dma_start3A_403 = arith.constant 0 : i32
        %dma_start3A_404 = tpu.memref_slice %arg8[%dma_start3A_398, %dma_start3A_403] : memref<4x512xf32, #tpu.memory_space<vmem>> -> memref<1x512xf32, #tpu.memory_space<vmem>>
        %dma_start3A_405 = tpu.memref_squeeze %dma_start3A_404 : memref<1x512xf32, #tpu.memory_space<vmem>> -> memref<512xf32, #tpu.memory_space<vmem>>
        %dma_start3A_406 = tpu.memref_slice %arg3[%mul3A_397] : memref<819200xf32, #tpu.memory_space<hbm>> -> memref<512xf32, #tpu.memory_space<hbm>>
        tpu.enqueue_dma source(%dma_start3A_406 : memref<512xf32, #tpu.memory_space<hbm>>) target(%dma_start3A_405 : memref<512xf32, #tpu.memory_space<vmem>>) target_semaphore(%arg22 : memref<!tpu.dma_semaphore, #tpu.memory_space<semaphore_mem>>)
      } else {
      }
      %add3A_307 = arith.constant 1 : i32
      %add3A_308 = arith.addi %add3A_300, %add3A_307 : i32
      %lt3A_309 = arith.constant 50 : i32
      %lt3A_310 = arith.cmpi slt, %add3A_308, %lt3A_309 : i32
      %convert_element_type3A_311 = arith.extui %lt3A_310 : i1 to i32
      %cond3A_312 = arith.constant 0 : i32
      %cond3A_313 = arith.cmpi ne, %convert_element_type3A_311, %cond3A_312 : i32
      scf.if %cond3A_313 {
        %add3A_382 = arith.constant 1 : i32
        %add3A_383 = arith.addi %add3A_300, %add3A_382 : i32
        %ge3A = arith.constant 4 : i32
        %ge3A_384 = arith.cmpi sge, %add3A_383, %ge3A : i32
        %convert_element_type3A_385 = arith.extui %ge3A_384 : i1 to i32
        %cond3A_386 = arith.constant 0 : i32
        %cond3A_387 = arith.cmpi ne, %convert_element_type3A_385, %cond3A_386 : i32
        scf.if %cond3A_387 {
          %dma_wait3A_423 = arith.constant 1 : i32
          %dma_wait3A_424 = arith.constant 0 : i32
          %dma_wait3A_425 = arith.constant 0 : i32
          %dma_wait3A_426 = tpu.memref_slice %arg9[%dma_wait3A_423, %dma_wait3A_424, %dma_wait3A_425] : memref<4x128x128xf32, #tpu.memory_space<vmem>> -> memref<1x128x128xf32, #tpu.memory_space<vmem>>
          %dma_wait3A_427 = tpu.memref_squeeze %dma_wait3A_426 : memref<1x128x128xf32, #tpu.memory_space<vmem>> -> memref<128x128xf32, #tpu.memory_space<vmem>>
          %dma_wait3A_428 = arith.constant 0 : i32
          %dma_wait3A_429 = tpu.memref_slice %arg6[%mul3A_2, %dma_wait3A_428] : memref<204800x128xf32, #tpu.memory_space<hbm>> -> memref<128x128xf32, #tpu.memory_space<hbm>>
          %dma_wait3A_430 = arith.constant 0 : i32
          %dma_wait3A_431 = tpu.memref_slice %arg6[%mul3A_2, %dma_wait3A_430] : memref<204800x128xf32, #tpu.memory_space<hbm>> -> memref<128x128xf32, #tpu.memory_space<hbm>>
          %dma_wait3A_432 = arith.constant 0 : i32
          %dma_wait3A_433 = arith.constant 0 : i32
          %dma_wait3A_434 = tpu.memref_slice %arg9[%dma_wait3A_423, %dma_wait3A_432, %dma_wait3A_433] : memref<4x128x128xf32, #tpu.memory_space<vmem>> -> memref<1x128x128xf32, #tpu.memory_space<vmem>>
          %dma_wait3A_435 = tpu.memref_squeeze %dma_wait3A_434 : memref<1x128x128xf32, #tpu.memory_space<vmem>> -> memref<128x128xf32, #tpu.memory_space<vmem>>
          tpu.wait_dma2 semaphore(%arg17 : memref<!tpu.dma_semaphore, #tpu.memory_space<semaphore_mem>>) src(%dma_wait3A_435 : memref<128x128xf32, #tpu.memory_space<vmem>>) dst(%dma_wait3A_431 : memref<128x128xf32, #tpu.memory_space<hbm>>)
        } else {
        }
        %add3A_388 = arith.constant 1 : i32
        %add3A_389 = arith.addi %add3A_300, %add3A_388 : i32
        %dma_wait3A_390 = arith.constant 1 : i32
        %dma_wait3A_391 = arith.constant 0 : i32
        %dma_wait3A_392 = tpu.memref_slice %arg7[%dma_wait3A_390, %dma_wait3A_391] : memref<4x128xi32, #tpu.memory_space<vmem>> -> memref<1x128xi32, #tpu.memory_space<vmem>>
        %dma_wait3A_393 = tpu.memref_squeeze %dma_wait3A_392 : memref<1x128xi32, #tpu.memory_space<vmem>> -> memref<128xi32, #tpu.memory_space<vmem>>
        %dma_wait3A_394 = tpu.memref_slice %arg2[%mul3A_2] : memref<204800xi32, #tpu.memory_space<hbm>> -> memref<128xi32, #tpu.memory_space<hbm>>
        %dma_wait3A_395 = arith.constant 0 : i32
        %dma_wait3A_396 = tpu.memref_slice %arg7[%dma_wait3A_390, %dma_wait3A_395] : memref<4x128xi32, #tpu.memory_space<vmem>> -> memref<1x128xi32, #tpu.memory_space<vmem>>
        %dma_wait3A_397 = tpu.memref_squeeze %dma_wait3A_396 : memref<1x128xi32, #tpu.memory_space<vmem>> -> memref<128xi32, #tpu.memory_space<vmem>>
        %dma_wait3A_398 = tpu.memref_slice %arg2[%mul3A_2] : memref<204800xi32, #tpu.memory_space<hbm>> -> memref<128xi32, #tpu.memory_space<hbm>>
        tpu.wait_dma2 semaphore(%arg21 : memref<!tpu.dma_semaphore, #tpu.memory_space<semaphore_mem>>) src(%dma_wait3A_398 : memref<128xi32, #tpu.memory_space<hbm>>) dst(%dma_wait3A_397 : memref<128xi32, #tpu.memory_space<vmem>>)
        %dma_wait3A_399 = arith.constant 1 : i32
        %dma_wait3A_400 = arith.constant 0 : i32
        %dma_wait3A_401 = tpu.memref_slice %arg8[%dma_wait3A_399, %dma_wait3A_400] : memref<4x512xf32, #tpu.memory_space<vmem>> -> memref<1x512xf32, #tpu.memory_space<vmem>>
        %dma_wait3A_402 = tpu.memref_squeeze %dma_wait3A_401 : memref<1x512xf32, #tpu.memory_space<vmem>> -> memref<512xf32, #tpu.memory_space<vmem>>
        %dma_wait3A_403 = tpu.memref_slice %arg3[%mul3A_2] : memref<819200xf32, #tpu.memory_space<hbm>> -> memref<512xf32, #tpu.memory_space<hbm>>
        %dma_wait3A_404 = arith.constant 0 : i32
        %dma_wait3A_405 = tpu.memref_slice %arg8[%dma_wait3A_399, %dma_wait3A_404] : memref<4x512xf32, #tpu.memory_space<vmem>> -> memref<1x512xf32, #tpu.memory_space<vmem>>
        %dma_wait3A_406 = tpu.memref_squeeze %dma_wait3A_405 : memref<1x512xf32, #tpu.memory_space<vmem>> -> memref<512xf32, #tpu.memory_space<vmem>>
        %dma_wait3A_407 = tpu.memref_slice %arg3[%mul3A_2] : memref<819200xf32, #tpu.memory_space<hbm>> -> memref<512xf32, #tpu.memory_space<hbm>>
        tpu.wait_dma2 semaphore(%arg21 : memref<!tpu.dma_semaphore, #tpu.memory_space<semaphore_mem>>) src(%dma_wait3A_407 : memref<512xf32, #tpu.memory_space<hbm>>) dst(%dma_wait3A_406 : memref<512xf32, #tpu.memory_space<vmem>>)
        %parallel_loop3A_408 = arith.constant 0 : i32
        %parallel_loop3A_409 = arith.constant 128 : i32
        %parallel_loop3A_410 = arith.constant 1 : i32
        scf.for %parallel_loop3A_423 = %parallel_loop3A_408 to %parallel_loop3A_409 step %parallel_loop3A_410  : i32 {
          %parallel_loop3A_424 = arith.constant 4 : i32
          %parallel_loop3A_425 = arith.divsi %parallel_loop3A_423, %parallel_loop3A_424 : i32
          %parallel_loop3A_426 = arith.constant 0 : i32
          %parallel_loop3A_427 = arith.cmpi sgt, %parallel_loop3A_423, %parallel_loop3A_426 : i32
          %parallel_loop3A_428 = arith.extui %parallel_loop3A_427 : i1 to i32
          %parallel_loop3A_429 = arith.constant 0 : i32
          %parallel_loop3A_430 = arith.cmpi slt, %parallel_loop3A_423, %parallel_loop3A_429 : i32
          %parallel_loop3A_431 = arith.extui %parallel_loop3A_430 : i1 to i32
          %parallel_loop3A_432 = arith.subi %parallel_loop3A_428, %parallel_loop3A_431 : i32
          %parallel_loop3A_433 = arith.constant 0 : i32
          %parallel_loop3A_434 = arith.cmpi sgt, %parallel_loop3A_424, %parallel_loop3A_433 : i32
          %parallel_loop3A_435 = arith.extui %parallel_loop3A_434 : i1 to i32
          %parallel_loop3A_436 = arith.constant 0 : i32
          %parallel_loop3A_437 = arith.cmpi slt, %parallel_loop3A_424, %parallel_loop3A_436 : i32
          %parallel_loop3A_438 = arith.extui %parallel_loop3A_437 : i1 to i32
          %parallel_loop3A_439 = arith.subi %parallel_loop3A_435, %parallel_loop3A_438 : i32
          %parallel_loop3A_440 = arith.cmpi ne, %parallel_loop3A_432, %parallel_loop3A_439 : i32
          %parallel_loop3A_441 = arith.remsi %parallel_loop3A_423, %parallel_loop3A_424 : i32
          %parallel_loop3A_442 = arith.constant 0 : i32
          %parallel_loop3A_443 = arith.cmpi ne, %parallel_loop3A_441, %parallel_loop3A_442 : i32
          %parallel_loop3A_444 = arith.andi %parallel_loop3A_440, %parallel_loop3A_443 : i1
          %parallel_loop3A_445 = arith.constant 1 : i32
          %parallel_loop3A_446 = arith.subi %parallel_loop3A_425, %parallel_loop3A_445 : i32
          %parallel_loop3A_447 = arith.select %parallel_loop3A_444, %parallel_loop3A_446, %parallel_loop3A_425 : i32
          %parallel_loop3A_448 = arith.constant 16 : i32
          %parallel_loop3A_449 = arith.muli %parallel_loop3A_448, %parallel_loop3A_447 : i32
          %parallel_loop3A_450 = arith.constant 1 : i32
          %parallel_loop3A_451 = arith.index_cast %parallel_loop3A_450 : i32 to index
          %parallel_loop3A_452 = arith.index_cast %parallel_loop3A_449 : i32 to index
          %parallel_loop3A_453 = tpu.vector_load %arg8[%parallel_loop3A_451, %parallel_loop3A_452] {strides = array<i32>} : memref<4x512xf32, #tpu.memory_space<vmem>>, vector<1x16xf32>,
          %parallel_loop3A_454 = vector.shape_cast %parallel_loop3A_453 : vector<1x16xf32> to vector<16xf32>
          %parallel_loop3A_455 = arith.constant 4 : i32
          %parallel_loop3A_456 = arith.constant 0 : i32
          %parallel_loop3A_457 = arith.cmpi eq, %parallel_loop3A_455, %parallel_loop3A_456 : i32
          %parallel_loop3A_458 = arith.constant 1 : i32
          %parallel_loop3A_459 = arith.select %parallel_loop3A_457, %parallel_loop3A_458, %parallel_loop3A_455 : i32
          %parallel_loop3A_460 = arith.remsi %parallel_loop3A_423, %parallel_loop3A_459 : i32
          %parallel_loop3A_461 = arith.constant 0 : i32
          %parallel_loop3A_462 = arith.cmpi ne, %parallel_loop3A_460, %parallel_loop3A_461 : i32
          %parallel_loop3A_463 = arith.constant 0 : i32
          %parallel_loop3A_464 = arith.cmpi slt, %parallel_loop3A_460, %parallel_loop3A_463 : i32
          %parallel_loop3A_465 = arith.constant 0 : i32
          %parallel_loop3A_466 = arith.cmpi slt, %parallel_loop3A_459, %parallel_loop3A_465 : i32
          %parallel_loop3A_467 = arith.xori %parallel_loop3A_464, %parallel_loop3A_466 : i1
          %parallel_loop3A_468 = arith.andi %parallel_loop3A_467, %parallel_loop3A_462 : i1
          %parallel_loop3A_469 = arith.addi %parallel_loop3A_460, %parallel_loop3A_459 : i32
          %parallel_loop3A_470 = arith.select %parallel_loop3A_468, %parallel_loop3A_469, %parallel_loop3A_460 : i32
          %parallel_loop3A_471 = arith.constant 4 : i32
          %parallel_loop3A_472 = arith.muli %parallel_loop3A_471, %parallel_loop3A_470 : i32
          %parallel_loop3A_473 = arith.constant 0 : i32
          %parallel_loop3A_474 = arith.addi %parallel_loop3A_472, %parallel_loop3A_473 : i32
          %parallel_loop3A_475 = vector.broadcast %parallel_loop3A_474 : i32 to vector<16x1xi32>
          %parallel_loop3A_476 = vector.shape_cast %parallel_loop3A_475 : vector<16x1xi32> to vector<16xi32>
          %parallel_loop3A_477 = tpu.dynamic_gather %parallel_loop3A_454[%parallel_loop3A_476] in [0] : vector<16xf32>, vector<16xi32> -> vector<16xf32>
          %parallel_loop3A_478 = arith.constant 4 : i32
          %parallel_loop3A_479 = arith.muli %parallel_loop3A_478, %parallel_loop3A_470 : i32
          %parallel_loop3A_480 = arith.constant 1 : i32
          %parallel_loop3A_481 = arith.addi %parallel_loop3A_479, %parallel_loop3A_480 : i32
          %parallel_loop3A_482 = vector.broadcast %parallel_loop3A_481 : i32 to vector<16x1xi32>
          %parallel_loop3A_483 = vector.shape_cast %parallel_loop3A_482 : vector<16x1xi32> to vector<16xi32>
          %parallel_loop3A_484 = tpu.dynamic_gather %parallel_loop3A_454[%parallel_loop3A_483] in [0] : vector<16xf32>, vector<16xi32> -> vector<16xf32>
          %parallel_loop3A_485 = arith.constant 4 : i32
          %parallel_loop3A_486 = arith.muli %parallel_loop3A_485, %parallel_loop3A_470 : i32
          %parallel_loop3A_487 = arith.constant 2 : i32
          %parallel_loop3A_488 = arith.addi %parallel_loop3A_486, %parallel_loop3A_487 : i32
          %parallel_loop3A_489 = vector.broadcast %parallel_loop3A_488 : i32 to vector<16x1xi32>
          %parallel_loop3A_490 = vector.shape_cast %parallel_loop3A_489 : vector<16x1xi32> to vector<16xi32>
          %parallel_loop3A_491 = tpu.dynamic_gather %parallel_loop3A_454[%parallel_loop3A_490] in [0] : vector<16xf32>, vector<16xi32> -> vector<16xf32>
          %parallel_loop3A_492 = arith.constant 4 : i32
          %parallel_loop3A_493 = arith.muli %parallel_loop3A_492, %parallel_loop3A_470 : i32
          %parallel_loop3A_494 = arith.constant 3 : i32
          %parallel_loop3A_495 = arith.addi %parallel_loop3A_493, %parallel_loop3A_494 : i32
          %parallel_loop3A_496 = vector.broadcast %parallel_loop3A_495 : i32 to vector<16x1xi32>
          %parallel_loop3A_497 = vector.shape_cast %parallel_loop3A_496 : vector<16x1xi32> to vector<16xi32>
          %parallel_loop3A_498 = tpu.dynamic_gather %parallel_loop3A_454[%parallel_loop3A_497] in [0] : vector<16xf32>, vector<16xi32> -> vector<16xf32>
          %parallel_loop3A_499 = arith.mulf %parallel_loop3A_477, %get3A_8 : vector<16xf32>
          %parallel_loop3A_500 = arith.mulf %parallel_loop3A_484, %get3A_48 : vector<16xf32>
          %parallel_loop3A_501 = arith.mulf %parallel_loop3A_491, %get3A_88 : vector<16xf32>
          %parallel_loop3A_502 = arith.mulf %parallel_loop3A_498, %get3A_128 : vector<16xf32>
          %parallel_loop3A_503 = arith.addf %parallel_loop3A_499, %parallel_loop3A_500 : vector<16xf32>
          %parallel_loop3A_504 = arith.addf %parallel_loop3A_501, %parallel_loop3A_502 : vector<16xf32>
          %parallel_loop3A_505 = arith.addf %parallel_loop3A_503, %parallel_loop3A_504 : vector<16xf32>
          %parallel_loop3A_506 = arith.constant 1 : i32
          %parallel_loop3A_507 = arith.index_cast %parallel_loop3A_506 : i32 to index
          %parallel_loop3A_508 = arith.index_cast %parallel_loop3A_423 : i32 to index
          %parallel_loop3A_509 = arith.constant 0 : index
          %parallel_loop3A_510 = tpu.vector_load %arg9[%parallel_loop3A_507, %parallel_loop3A_508, %parallel_loop3A_509] {strides = array<i32>} : memref<4x128x128xf32, #tpu.memory_space<vmem>>, vector<1x1x16xf32>,
          %parallel_loop3A_511 = vector.shape_cast %parallel_loop3A_510 : vector<1x1x16xf32> to vector<16xf32>
          %parallel_loop3A_512 = vector.shape_cast %parallel_loop3A_505 : vector<16xf32> to vector<1x1x16xf32>
          tpu.vector_store %arg9[%parallel_loop3A_507, %parallel_loop3A_508, %parallel_loop3A_509], %parallel_loop3A_512 {strides = array<i32>} : memref<4x128x128xf32, #tpu.memory_space<vmem>>, vector<1x1x16xf32>,
          %parallel_loop3A_513 = arith.mulf %parallel_loop3A_477, %get3A_13 : vector<16xf32>
          %parallel_loop3A_514 = arith.mulf %parallel_loop3A_484, %get3A_53 : vector<16xf32>
          %parallel_loop3A_515 = arith.mulf %parallel_loop3A_491, %get3A_93 : vector<16xf32>
          %parallel_loop3A_516 = arith.mulf %parallel_loop3A_498, %get3A_133 : vector<16xf32>
          %parallel_loop3A_517 = arith.addf %parallel_loop3A_513, %parallel_loop3A_514 : vector<16xf32>
          %parallel_loop3A_518 = arith.addf %parallel_loop3A_515, %parallel_loop3A_516 : vector<16xf32>
          %parallel_loop3A_519 = arith.addf %parallel_loop3A_517, %parallel_loop3A_518 : vector<16xf32>
          %parallel_loop3A_520 = arith.constant 1 : i32
          %parallel_loop3A_521 = arith.index_cast %parallel_loop3A_520 : i32 to index
          %parallel_loop3A_522 = arith.index_cast %parallel_loop3A_423 : i32 to index
          %parallel_loop3A_523 = arith.constant 16 : index
          %parallel_loop3A_524 = tpu.vector_load %arg9[%parallel_loop3A_521, %parallel_loop3A_522, %parallel_loop3A_523] {strides = array<i32>} : memref<4x128x128xf32, #tpu.memory_space<vmem>>, vector<1x1x16xf32>,
          %parallel_loop3A_525 = vector.shape_cast %parallel_loop3A_524 : vector<1x1x16xf32> to vector<16xf32>
          %parallel_loop3A_526 = vector.shape_cast %parallel_loop3A_519 : vector<16xf32> to vector<1x1x16xf32>
          tpu.vector_store %arg9[%parallel_loop3A_521, %parallel_loop3A_522, %parallel_loop3A_523], %parallel_loop3A_526 {strides = array<i32>} : memref<4x128x128xf32, #tpu.memory_space<vmem>>, vector<1x1x16xf32>,
          %parallel_loop3A_527 = arith.mulf %parallel_loop3A_477, %get3A_18 : vector<16xf32>
          %parallel_loop3A_528 = arith.mulf %parallel_loop3A_484, %get3A_58 : vector<16xf32>
          %parallel_loop3A_529 = arith.mulf %parallel_loop3A_491, %get3A_98 : vector<16xf32>
          %parallel_loop3A_530 = arith.mulf %parallel_loop3A_498, %get3A_138 : vector<16xf32>
          %parallel_loop3A_531 = arith.addf %parallel_loop3A_527, %parallel_loop3A_528 : vector<16xf32>
          %parallel_loop3A_532 = arith.addf %parallel_loop3A_529, %parallel_loop3A_530 : vector<16xf32>
          %parallel_loop3A_533 = arith.addf %parallel_loop3A_531, %parallel_loop3A_532 : vector<16xf32>
          %parallel_loop3A_534 = arith.constant 1 : i32
          %parallel_loop3A_535 = arith.index_cast %parallel_loop3A_534 : i32 to index
          %parallel_loop3A_536 = arith.index_cast %parallel_loop3A_423 : i32 to index
          %parallel_loop3A_537 = arith.constant 32 : index
          %parallel_loop3A_538 = tpu.vector_load %arg9[%parallel_loop3A_535, %parallel_loop3A_536, %parallel_loop3A_537] {strides = array<i32>} : memref<4x128x128xf32, #tpu.memory_space<vmem>>, vector<1x1x16xf32>,
          %parallel_loop3A_539 = vector.shape_cast %parallel_loop3A_538 : vector<1x1x16xf32> to vector<16xf32>
          %parallel_loop3A_540 = vector.shape_cast %parallel_loop3A_533 : vector<16xf32> to vector<1x1x16xf32>
          tpu.vector_store %arg9[%parallel_loop3A_535, %parallel_loop3A_536, %parallel_loop3A_537], %parallel_loop3A_540 {strides = array<i32>} : memref<4x128x128xf32, #tpu.memory_space<vmem>>, vector<1x1x16xf32>,
          %parallel_loop3A_541 = arith.mulf %parallel_loop3A_477, %get3A_23 : vector<16xf32>
          %parallel_loop3A_542 = arith.mulf %parallel_loop3A_484, %get3A_63 : vector<16xf32>
          %parallel_loop3A_543 = arith.mulf %parallel_loop3A_491, %get3A_103 : vector<16xf32>
          %parallel_loop3A_544 = arith.mulf %parallel_loop3A_498, %get3A_143 : vector<16xf32>
          %parallel_loop3A_545 = arith.addf %parallel_loop3A_541, %parallel_loop3A_542 : vector<16xf32>
          %parallel_loop3A_546 = arith.addf %parallel_loop3A_543, %parallel_loop3A_544 : vector<16xf32>
          %parallel_loop3A_547 = arith.addf %parallel_loop3A_545, %parallel_loop3A_546 : vector<16xf32>
          %parallel_loop3A_548 = arith.constant 1 : i32
          %parallel_loop3A_549 = arith.index_cast %parallel_loop3A_548 : i32 to index
          %parallel_loop3A_550 = arith.index_cast %parallel_loop3A_423 : i32 to index
          %parallel_loop3A_551 = arith.constant 48 : index
          %parallel_loop3A_552 = tpu.vector_load %arg9[%parallel_loop3A_549, %parallel_loop3A_550, %parallel_loop3A_551] {strides = array<i32>} : memref<4x128x128xf32, #tpu.memory_space<vmem>>, vector<1x1x16xf32>,
          %parallel_loop3A_553 = vector.shape_cast %parallel_loop3A_552 : vector<1x1x16xf32> to vector<16xf32>
          %parallel_loop3A_554 = vector.shape_cast %parallel_loop3A_547 : vector<16xf32> to vector<1x1x16xf32>
          tpu.vector_store %arg9[%parallel_loop3A_549, %parallel_loop3A_550, %parallel_loop3A_551], %parallel_loop3A_554 {strides = array<i32>} : memref<4x128x128xf32, #tpu.memory_space<vmem>>, vector<1x1x16xf32>,
          %parallel_loop3A_555 = arith.mulf %parallel_loop3A_477, %get3A_28 : vector<16xf32>
          %parallel_loop3A_556 = arith.mulf %parallel_loop3A_484, %get3A_68 : vector<16xf32>
          %parallel_loop3A_557 = arith.mulf %parallel_loop3A_491, %get3A_108 : vector<16xf32>
          %parallel_loop3A_558 = arith.mulf %parallel_loop3A_498, %get3A_148 : vector<16xf32>
          %parallel_loop3A_559 = arith.addf %parallel_loop3A_555, %parallel_loop3A_556 : vector<16xf32>
          %parallel_loop3A_560 = arith.addf %parallel_loop3A_557, %parallel_loop3A_558 : vector<16xf32>
          %parallel_loop3A_561 = arith.addf %parallel_loop3A_559, %parallel_loop3A_560 : vector<16xf32>
          %parallel_loop3A_562 = arith.constant 1 : i32
          %parallel_loop3A_563 = arith.index_cast %parallel_loop3A_562 : i32 to index
          %parallel_loop3A_564 = arith.index_cast %parallel_loop3A_423 : i32 to index
          %parallel_loop3A_565 = arith.constant 64 : index
          %parallel_loop3A_566 = tpu.vector_load %arg9[%parallel_loop3A_563, %parallel_loop3A_564, %parallel_loop3A_565] {strides = array<i32>} : memref<4x128x128xf32, #tpu.memory_space<vmem>>, vector<1x1x16xf32>,
          %parallel_loop3A_567 = vector.shape_cast %parallel_loop3A_566 : vector<1x1x16xf32> to vector<16xf32>
          %parallel_loop3A_568 = vector.shape_cast %parallel_loop3A_561 : vector<16xf32> to vector<1x1x16xf32>
          tpu.vector_store %arg9[%parallel_loop3A_563, %parallel_loop3A_564, %parallel_loop3A_565], %parallel_loop3A_568 {strides = array<i32>} : memref<4x128x128xf32, #tpu.memory_space<vmem>>, vector<1x1x16xf32>,
          %parallel_loop3A_569 = arith.mulf %parallel_loop3A_477, %get3A_33 : vector<16xf32>
          %parallel_loop3A_570 = arith.mulf %parallel_loop3A_484, %get3A_73 : vector<16xf32>
          %parallel_loop3A_571 = arith.mulf %parallel_loop3A_491, %get3A_113 : vector<16xf32>
          %parallel_loop3A_572 = arith.mulf %parallel_loop3A_498, %get3A_153 : vector<16xf32>
          %parallel_loop3A_573 = arith.addf %parallel_loop3A_569, %parallel_loop3A_570 : vector<16xf32>
          %parallel_loop3A_574 = arith.addf %parallel_loop3A_571, %parallel_loop3A_572 : vector<16xf32>
          %parallel_loop3A_575 = arith.addf %parallel_loop3A_573, %parallel_loop3A_574 : vector<16xf32>
          %parallel_loop3A_576 = arith.constant 1 : i32
          %parallel_loop3A_577 = arith.index_cast %parallel_loop3A_576 : i32 to index
          %parallel_loop3A_578 = arith.index_cast %parallel_loop3A_423 : i32 to index
          %parallel_loop3A_579 = arith.constant 80 : index
          %parallel_loop3A_580 = tpu.vector_load %arg9[%parallel_loop3A_577, %parallel_loop3A_578, %parallel_loop3A_579] {strides = array<i32>} : memref<4x128x128xf32, #tpu.memory_space<vmem>>, vector<1x1x16xf32>,
          %parallel_loop3A_581 = vector.shape_cast %parallel_loop3A_580 : vector<1x1x16xf32> to vector<16xf32>
          %parallel_loop3A_582 = vector.shape_cast %parallel_loop3A_575 : vector<16xf32> to vector<1x1x16xf32>
          tpu.vector_store %arg9[%parallel_loop3A_577, %parallel_loop3A_578, %parallel_loop3A_579], %parallel_loop3A_582 {strides = array<i32>} : memref<4x128x128xf32, #tpu.memory_space<vmem>>, vector<1x1x16xf32>,
          %parallel_loop3A_583 = arith.mulf %parallel_loop3A_477, %get3A_38 : vector<16xf32>
          %parallel_loop3A_584 = arith.mulf %parallel_loop3A_484, %get3A_78 : vector<16xf32>
          %parallel_loop3A_585 = arith.mulf %parallel_loop3A_491, %get3A_118 : vector<16xf32>
          %parallel_loop3A_586 = arith.mulf %parallel_loop3A_498, %get3A_158 : vector<16xf32>
          %parallel_loop3A_587 = arith.addf %parallel_loop3A_583, %parallel_loop3A_584 : vector<16xf32>
          %parallel_loop3A_588 = arith.addf %parallel_loop3A_585, %parallel_loop3A_586 : vector<16xf32>
          %parallel_loop3A_589 = arith.addf %parallel_loop3A_587, %parallel_loop3A_588 : vector<16xf32>
          %parallel_loop3A_590 = arith.constant 1 : i32
          %parallel_loop3A_591 = arith.index_cast %parallel_loop3A_590 : i32 to index
          %parallel_loop3A_592 = arith.index_cast %parallel_loop3A_423 : i32 to index
          %parallel_loop3A_593 = arith.constant 96 : index
          %parallel_loop3A_594 = tpu.vector_load %arg9[%parallel_loop3A_591, %parallel_loop3A_592, %parallel_loop3A_593] {strides = array<i32>} : memref<4x128x128xf32, #tpu.memory_space<vmem>>, vector<1x1x16xf32>,
          %parallel_loop3A_595 = vector.shape_cast %parallel_loop3A_594 : vector<1x1x16xf32> to vector<16xf32>
          %parallel_loop3A_596 = vector.shape_cast %parallel_loop3A_589 : vector<16xf32> to vector<1x1x16xf32>
          tpu.vector_store %arg9[%parallel_loop3A_591, %parallel_loop3A_592, %parallel_loop3A_593], %parallel_loop3A_596 {strides = array<i32>} : memref<4x128x128xf32, #tpu.memory_space<vmem>>, vector<1x1x16xf32>,
          %parallel_loop3A_597 = arith.mulf %parallel_loop3A_477, %get3A_43 : vector<16xf32>
          %parallel_loop3A_598 = arith.mulf %parallel_loop3A_484, %get3A_83 : vector<16xf32>
          %parallel_loop3A_599 = arith.mulf %parallel_loop3A_491, %get3A_123 : vector<16xf32>
          %parallel_loop3A_600 = arith.mulf %parallel_loop3A_498, %get3A_163 : vector<16xf32>
          %parallel_loop3A_601 = arith.addf %parallel_loop3A_597, %parallel_loop3A_598 : vector<16xf32>
          %parallel_loop3A_602 = arith.addf %parallel_loop3A_599, %parallel_loop3A_600 : vector<16xf32>
          %parallel_loop3A_603 = arith.addf %parallel_loop3A_601, %parallel_loop3A_602 : vector<16xf32>
          %parallel_loop3A_604 = arith.constant 1 : i32
          %parallel_loop3A_605 = arith.index_cast %parallel_loop3A_604 : i32 to index
          %parallel_loop3A_606 = arith.index_cast %parallel_loop3A_423 : i32 to index
          %parallel_loop3A_607 = arith.constant 112 : index
          %parallel_loop3A_608 = tpu.vector_load %arg9[%parallel_loop3A_605, %parallel_loop3A_606, %parallel_loop3A_607] {strides = array<i32>} : memref<4x128x128xf32, #tpu.memory_space<vmem>>, vector<1x1x16xf32>,
          %parallel_loop3A_609 = vector.shape_cast %parallel_loop3A_608 : vector<1x1x16xf32> to vector<16xf32>
          %parallel_loop3A_610 = vector.shape_cast %parallel_loop3A_603 : vector<16xf32> to vector<1x1x16xf32>
          tpu.vector_store %arg9[%parallel_loop3A_605, %parallel_loop3A_606, %parallel_loop3A_607], %parallel_loop3A_610 {strides = array<i32>} : memref<4x128x128xf32, #tpu.memory_space<vmem>>, vector<1x1x16xf32>,
        } {sc.loop_unroll_factor = 1 : i64, sc.parallel_access}
        %dma_start3A_411 = arith.constant 1 : i32
        %dma_start3A_412 = arith.constant 1 : i32
        %dma_start3A_413 = arith.constant 0 : i32
        %dma_start3A_414 = arith.constant 0 : i32
        %dma_start3A_415 = tpu.memref_slice %arg9[%dma_start3A_412, %dma_start3A_413, %dma_start3A_414] : memref<4x128x128xf32, #tpu.memory_space<vmem>> -> memref<1x128x128xf32, #tpu.memory_space<vmem>>
        %dma_start3A_416 = tpu.memref_squeeze %dma_start3A_415 : memref<1x128x128xf32, #tpu.memory_space<vmem>> -> memref<128x128xf32, #tpu.memory_space<vmem>>
        %dma_start3A_417 = arith.constant 0 : i32
        %dma_start3A_418 = tpu.memref_slice %arg7[%dma_start3A_411, %dma_start3A_417] : memref<4x128xi32, #tpu.memory_space<vmem>> -> memref<1x128xi32, #tpu.memory_space<vmem>>
        %dma_start3A_419 = tpu.memref_squeeze %dma_start3A_418 : memref<1x128xi32, #tpu.memory_space<vmem>> -> memref<128xi32, #tpu.memory_space<vmem>>
        %dma_start3A_420 = arith.constant 0 : i32
        %dma_start3A_421 = arith.constant 0 : i32
        %dma_start3A_422 = tpu.memref_slice %arg11[%dma_start3A_420, %dma_start3A_421] : memref<1000x128xf32, #tpu.memory_space<vmem_shared>> -> memref<1000x128xf32, #tpu.memory_space<vmem_shared>>
        tpu.enqueue_indirect_dma source(%dma_start3A_422 : memref<1000x128xf32, #tpu.memory_space<vmem_shared>>) target(%dma_start3A_416 : memref<128x128xf32, #tpu.memory_space<vmem>>) offsets(%dma_start3A_419 : memref<128xi32, #tpu.memory_space<vmem>>) semaphore(%arg13 : memref<!tpu.dma_semaphore, #tpu.memory_space<semaphore_mem>>) {add = true}
      } else {
      }
      %lt3A_314 = arith.constant 50 : i32
      %lt3A_315 = arith.cmpi slt, %add3A_300, %lt3A_314 : i32
      %convert_element_type3A_316 = arith.extui %lt3A_315 : i1 to i32
      %cond3A_317 = arith.constant 0 : i32
      %cond3A_318 = arith.cmpi ne, %convert_element_type3A_316, %cond3A_317 : i32
      scf.if %cond3A_318 {
        %dma_wait3A_382 = arith.constant 0 : i32
        %dma_wait3A_383 = arith.constant 0 : i32
        %dma_wait3A_384 = arith.constant 0 : i32
        %dma_wait3A_385 = arith.constant 0 : i32
        %dma_wait3A_386 = tpu.memref_slice %arg9[%dma_wait3A_383, %dma_wait3A_384, %dma_wait3A_385] : memref<4x128x128xf32, #tpu.memory_space<vmem>> -> memref<1x128x128xf32, #tpu.memory_space<vmem>>
        %dma_wait3A_387 = tpu.memref_squeeze %dma_wait3A_386 : memref<1x128x128xf32, #tpu.memory_space<vmem>> -> memref<128x128xf32, #tpu.memory_space<vmem>>
        %dma_wait3A_388 = arith.constant 0 : i32
        %dma_wait3A_389 = tpu.memref_slice %arg7[%dma_wait3A_382, %dma_wait3A_388] : memref<4x128xi32, #tpu.memory_space<vmem>> -> memref<1x128xi32, #tpu.memory_space<vmem>>
        %dma_wait3A_390 = tpu.memref_squeeze %dma_wait3A_389 : memref<1x128xi32, #tpu.memory_space<vmem>> -> memref<128xi32, #tpu.memory_space<vmem>>
        %dma_wait3A_391 = arith.constant 0 : i32
        %dma_wait3A_392 = arith.constant 0 : i32
        %dma_wait3A_393 = tpu.memref_slice %arg11[%dma_wait3A_391, %dma_wait3A_392] : memref<1000x128xf32, #tpu.memory_space<vmem_shared>> -> memref<1000x128xf32, #tpu.memory_space<vmem_shared>>
        tpu.wait_indirect_dma semaphore(%arg12 : memref<!tpu.dma_semaphore, #tpu.memory_space<semaphore_mem>>) src(%dma_wait3A_393 : memref<1000x128xf32, #tpu.memory_space<vmem_shared>>) dst(%dma_wait3A_387 : memref<128x128xf32, #tpu.memory_space<vmem>>)
        %mul3A_394 = arith.constant 128 : i32
        %mul3A_395 = arith.muli %add3A_300, %mul3A_394 : i32
        %add3A_396 = arith.addi %mul3A_2, %mul3A_395 : i32
        %dma_start3A_397 = arith.constant 0 : i32
        %dma_start3A_398 = arith.constant 0 : i32
        %dma_start3A_399 = arith.constant 0 : i32
        %dma_start3A_400 = tpu.memref_slice %arg9[%dma_start3A_397, %dma_start3A_398, %dma_start3A_399] : memref<4x128x128xf32, #tpu.memory_space<vmem>> -> memref<1x128x128xf32, #tpu.memory_space<vmem>>
        %dma_start3A_401 = tpu.memref_squeeze %dma_start3A_400 : memref<1x128x128xf32, #tpu.memory_space<vmem>> -> memref<128x128xf32, #tpu.memory_space<vmem>>
        %dma_start3A_402 = arith.constant 0 : i32
        %dma_start3A_403 = tpu.memref_slice %arg6[%add3A_396, %dma_start3A_402] : memref<204800x128xf32, #tpu.memory_space<hbm>> -> memref<128x128xf32, #tpu.memory_space<hbm>>
        %dma_start3A_404 = arith.constant 0 : i32
        %dma_start3A_405 = tpu.memref_slice %arg6[%add3A_396, %dma_start3A_404] : memref<204800x128xf32, #tpu.memory_space<hbm>> -> memref<128x128xf32, #tpu.memory_space<hbm>>
        %dma_start3A_406 = arith.constant 0 : i32
        %dma_start3A_407 = arith.constant 0 : i32
        %dma_start3A_408 = tpu.memref_slice %arg9[%dma_start3A_397, %dma_start3A_406, %dma_start3A_407] : memref<4x128x128xf32, #tpu.memory_space<vmem>> -> memref<1x128x128xf32, #tpu.memory_space<vmem>>
        %dma_start3A_409 = tpu.memref_squeeze %dma_start3A_408 : memref<1x128x128xf32, #tpu.memory_space<vmem>> -> memref<128x128xf32, #tpu.memory_space<vmem>>
        tpu.enqueue_dma source(%dma_start3A_409 : memref<128x128xf32, #tpu.memory_space<vmem>>) target(%dma_start3A_405 : memref<128x128xf32, #tpu.memory_space<hbm>>) target_semaphore(%arg16 : memref<!tpu.dma_semaphore, #tpu.memory_space<semaphore_mem>>)
      } else {
      }
      %add3A_319 = arith.constant 1 : i32
      %add3A_320 = arith.addi %add3A_298, %add3A_319 : i32
      %add3A_321 = arith.constant 2 : i32
      %add3A_322 = arith.addi %add3A_320, %add3A_321 : i32
      %lt3A_323 = arith.constant 50 : i32
      %lt3A_324 = arith.cmpi slt, %add3A_322, %lt3A_323 : i32
      %convert_element_type3A_325 = arith.extui %lt3A_324 : i1 to i32
      %cond3A_326 = arith.constant 0 : i32
      %cond3A_327 = arith.cmpi ne, %convert_element_type3A_325, %cond3A_326 : i32
      scf.if %cond3A_327 {
        %add3A_382 = arith.constant 2 : i32
        %add3A_383 = arith.addi %add3A_320, %add3A_382 : i32
        %mul3A_384 = arith.constant 128 : i32
        %mul3A_385 = arith.muli %add3A_383, %mul3A_384 : i32
        %add3A_386 = arith.addi %mul3A_2, %mul3A_385 : i32
        %dma_start3A_387 = arith.constant 3 : i32
        %dma_start3A_388 = arith.constant 0 : i32
        %dma_start3A_389 = tpu.memref_slice %arg7[%dma_start3A_387, %dma_start3A_388] : memref<4x128xi32, #tpu.memory_space<vmem>> -> memref<1x128xi32, #tpu.memory_space<vmem>>
        %dma_start3A_390 = tpu.memref_squeeze %dma_start3A_389 : memref<1x128xi32, #tpu.memory_space<vmem>> -> memref<128xi32, #tpu.memory_space<vmem>>
        %dma_start3A_391 = tpu.memref_slice %arg2[%add3A_386] : memref<204800xi32, #tpu.memory_space<hbm>> -> memref<128xi32, #tpu.memory_space<hbm>>
        %dma_start3A_392 = arith.constant 0 : i32
        %dma_start3A_393 = tpu.memref_slice %arg7[%dma_start3A_387, %dma_start3A_392] : memref<4x128xi32, #tpu.memory_space<vmem>> -> memref<1x128xi32, #tpu.memory_space<vmem>>
        %dma_start3A_394 = tpu.memref_squeeze %dma_start3A_393 : memref<1x128xi32, #tpu.memory_space<vmem>> -> memref<128xi32, #tpu.memory_space<vmem>>
        %dma_start3A_395 = tpu.memref_slice %arg2[%add3A_386] : memref<204800xi32, #tpu.memory_space<hbm>> -> memref<128xi32, #tpu.memory_space<hbm>>
        tpu.enqueue_dma source(%dma_start3A_395 : memref<128xi32, #tpu.memory_space<hbm>>) target(%dma_start3A_394 : memref<128xi32, #tpu.memory_space<vmem>>) target_semaphore(%arg23 : memref<!tpu.dma_semaphore, #tpu.memory_space<semaphore_mem>>)
        %mul3A_396 = arith.constant 4 : i32
        %mul3A_397 = arith.muli %add3A_386, %mul3A_396 : i32
        %dma_start3A_398 = arith.constant 3 : i32
        %dma_start3A_399 = arith.constant 0 : i32
        %dma_start3A_400 = tpu.memref_slice %arg8[%dma_start3A_398, %dma_start3A_399] : memref<4x512xf32, #tpu.memory_space<vmem>> -> memref<1x512xf32, #tpu.memory_space<vmem>>
        %dma_start3A_401 = tpu.memref_squeeze %dma_start3A_400 : memref<1x512xf32, #tpu.memory_space<vmem>> -> memref<512xf32, #tpu.memory_space<vmem>>
        %dma_start3A_402 = tpu.memref_slice %arg3[%mul3A_397] : memref<819200xf32, #tpu.memory_space<hbm>> -> memref<512xf32, #tpu.memory_space<hbm>>
        %dma_start3A_403 = arith.constant 0 : i32
        %dma_start3A_404 = tpu.memref_slice %arg8[%dma_start3A_398, %dma_start3A_403] : memref<4x512xf32, #tpu.memory_space<vmem>> -> memref<1x512xf32, #tpu.memory_space<vmem>>
        %dma_start3A_405 = tpu.memref_squeeze %dma_start3A_404 : memref<1x512xf32, #tpu.memory_space<vmem>> -> memref<512xf32, #tpu.memory_space<vmem>>
        %dma_start3A_406 = tpu.memref_slice %arg3[%mul3A_397] : memref<819200xf32, #tpu.memory_space<hbm>> -> memref<512xf32, #tpu.memory_space<hbm>>
        tpu.enqueue_dma source(%dma_start3A_406 : memref<512xf32, #tpu.memory_space<hbm>>) target(%dma_start3A_405 : memref<512xf32, #tpu.memory_space<vmem>>) target_semaphore(%arg23 : memref<!tpu.dma_semaphore, #tpu.memory_space<semaphore_mem>>)
      } else {
      }
      %add3A_328 = arith.constant 1 : i32
      %add3A_329 = arith.addi %add3A_320, %add3A_328 : i32
      %lt3A_330 = arith.constant 50 : i32
      %lt3A_331 = arith.cmpi slt, %add3A_329, %lt3A_330 : i32
      %convert_element_type3A_332 = arith.extui %lt3A_331 : i1 to i32
      %cond3A_333 = arith.constant 0 : i32
      %cond3A_334 = arith.cmpi ne, %convert_element_type3A_332, %cond3A_333 : i32
      scf.if %cond3A_334 {
        %add3A_382 = arith.constant 1 : i32
        %add3A_383 = arith.addi %add3A_320, %add3A_382 : i32
        %ge3A = arith.constant 4 : i32
        %ge3A_384 = arith.cmpi sge, %add3A_383, %ge3A : i32
        %convert_element_type3A_385 = arith.extui %ge3A_384 : i1 to i32
        %cond3A_386 = arith.constant 0 : i32
        %cond3A_387 = arith.cmpi ne, %convert_element_type3A_385, %cond3A_386 : i32
        scf.if %cond3A_387 {
          %dma_wait3A_423 = arith.constant 2 : i32
          %dma_wait3A_424 = arith.constant 0 : i32
          %dma_wait3A_425 = arith.constant 0 : i32
          %dma_wait3A_426 = tpu.memref_slice %arg9[%dma_wait3A_423, %dma_wait3A_424, %dma_wait3A_425] : memref<4x128x128xf32, #tpu.memory_space<vmem>> -> memref<1x128x128xf32, #tpu.memory_space<vmem>>
          %dma_wait3A_427 = tpu.memref_squeeze %dma_wait3A_426 : memref<1x128x128xf32, #tpu.memory_space<vmem>> -> memref<128x128xf32, #tpu.memory_space<vmem>>
          %dma_wait3A_428 = arith.constant 0 : i32
          %dma_wait3A_429 = tpu.memref_slice %arg6[%mul3A_2, %dma_wait3A_428] : memref<204800x128xf32, #tpu.memory_space<hbm>> -> memref<128x128xf32, #tpu.memory_space<hbm>>
          %dma_wait3A_430 = arith.constant 0 : i32
          %dma_wait3A_431 = tpu.memref_slice %arg6[%mul3A_2, %dma_wait3A_430] : memref<204800x128xf32, #tpu.memory_space<hbm>> -> memref<128x128xf32, #tpu.memory_space<hbm>>
          %dma_wait3A_432 = arith.constant 0 : i32
          %dma_wait3A_433 = arith.constant 0 : i32
          %dma_wait3A_434 = tpu.memref_slice %arg9[%dma_wait3A_423, %dma_wait3A_432, %dma_wait3A_433] : memref<4x128x128xf32, #tpu.memory_space<vmem>> -> memref<1x128x128xf32, #tpu.memory_space<vmem>>
          %dma_wait3A_435 = tpu.memref_squeeze %dma_wait3A_434 : memref<1x128x128xf32, #tpu.memory_space<vmem>> -> memref<128x128xf32, #tpu.memory_space<vmem>>
          tpu.wait_dma2 semaphore(%arg18 : memref<!tpu.dma_semaphore, #tpu.memory_space<semaphore_mem>>) src(%dma_wait3A_435 : memref<128x128xf32, #tpu.memory_space<vmem>>) dst(%dma_wait3A_431 : memref<128x128xf32, #tpu.memory_space<hbm>>)
        } else {
        }
        %add3A_388 = arith.constant 1 : i32
        %add3A_389 = arith.addi %add3A_320, %add3A_388 : i32
        %dma_wait3A_390 = arith.constant 2 : i32
        %dma_wait3A_391 = arith.constant 0 : i32
        %dma_wait3A_392 = tpu.memref_slice %arg7[%dma_wait3A_390, %dma_wait3A_391] : memref<4x128xi32, #tpu.memory_space<vmem>> -> memref<1x128xi32, #tpu.memory_space<vmem>>
        %dma_wait3A_393 = tpu.memref_squeeze %dma_wait3A_392 : memref<1x128xi32, #tpu.memory_space<vmem>> -> memref<128xi32, #tpu.memory_space<vmem>>
        %dma_wait3A_394 = tpu.memref_slice %arg2[%mul3A_2] : memref<204800xi32, #tpu.memory_space<hbm>> -> memref<128xi32, #tpu.memory_space<hbm>>
        %dma_wait3A_395 = arith.constant 0 : i32
        %dma_wait3A_396 = tpu.memref_slice %arg7[%dma_wait3A_390, %dma_wait3A_395] : memref<4x128xi32, #tpu.memory_space<vmem>> -> memref<1x128xi32, #tpu.memory_space<vmem>>
        %dma_wait3A_397 = tpu.memref_squeeze %dma_wait3A_396 : memref<1x128xi32, #tpu.memory_space<vmem>> -> memref<128xi32, #tpu.memory_space<vmem>>
        %dma_wait3A_398 = tpu.memref_slice %arg2[%mul3A_2] : memref<204800xi32, #tpu.memory_space<hbm>> -> memref<128xi32, #tpu.memory_space<hbm>>
        tpu.wait_dma2 semaphore(%arg22 : memref<!tpu.dma_semaphore, #tpu.memory_space<semaphore_mem>>) src(%dma_wait3A_398 : memref<128xi32, #tpu.memory_space<hbm>>) dst(%dma_wait3A_397 : memref<128xi32, #tpu.memory_space<vmem>>)
        %dma_wait3A_399 = arith.constant 2 : i32
        %dma_wait3A_400 = arith.constant 0 : i32
        %dma_wait3A_401 = tpu.memref_slice %arg8[%dma_wait3A_399, %dma_wait3A_400] : memref<4x512xf32, #tpu.memory_space<vmem>> -> memref<1x512xf32, #tpu.memory_space<vmem>>
        %dma_wait3A_402 = tpu.memref_squeeze %dma_wait3A_401 : memref<1x512xf32, #tpu.memory_space<vmem>> -> memref<512xf32, #tpu.memory_space<vmem>>
        %dma_wait3A_403 = tpu.memref_slice %arg3[%mul3A_2] : memref<819200xf32, #tpu.memory_space<hbm>> -> memref<512xf32, #tpu.memory_space<hbm>>
        %dma_wait3A_404 = arith.constant 0 : i32
        %dma_wait3A_405 = tpu.memref_slice %arg8[%dma_wait3A_399, %dma_wait3A_404] : memref<4x512xf32, #tpu.memory_space<vmem>> -> memref<1x512xf32, #tpu.memory_space<vmem>>
        %dma_wait3A_406 = tpu.memref_squeeze %dma_wait3A_405 : memref<1x512xf32, #tpu.memory_space<vmem>> -> memref<512xf32, #tpu.memory_space<vmem>>
        %dma_wait3A_407 = tpu.memref_slice %arg3[%mul3A_2] : memref<819200xf32, #tpu.memory_space<hbm>> -> memref<512xf32, #tpu.memory_space<hbm>>
        tpu.wait_dma2 semaphore(%arg22 : memref<!tpu.dma_semaphore, #tpu.memory_space<semaphore_mem>>) src(%dma_wait3A_407 : memref<512xf32, #tpu.memory_space<hbm>>) dst(%dma_wait3A_406 : memref<512xf32, #tpu.memory_space<vmem>>)
        %parallel_loop3A_408 = arith.constant 0 : i32
        %parallel_loop3A_409 = arith.constant 128 : i32
        %parallel_loop3A_410 = arith.constant 1 : i32
        scf.for %parallel_loop3A_423 = %parallel_loop3A_408 to %parallel_loop3A_409 step %parallel_loop3A_410  : i32 {
          %parallel_loop3A_424 = arith.constant 4 : i32
          %parallel_loop3A_425 = arith.divsi %parallel_loop3A_423, %parallel_loop3A_424 : i32
          %parallel_loop3A_426 = arith.constant 0 : i32
          %parallel_loop3A_427 = arith.cmpi sgt, %parallel_loop3A_423, %parallel_loop3A_426 : i32
          %parallel_loop3A_428 = arith.extui %parallel_loop3A_427 : i1 to i32
          %parallel_loop3A_429 = arith.constant 0 : i32
          %parallel_loop3A_430 = arith.cmpi slt, %parallel_loop3A_423, %parallel_loop3A_429 : i32
          %parallel_loop3A_431 = arith.extui %parallel_loop3A_430 : i1 to i32
          %parallel_loop3A_432 = arith.subi %parallel_loop3A_428, %parallel_loop3A_431 : i32
          %parallel_loop3A_433 = arith.constant 0 : i32
          %parallel_loop3A_434 = arith.cmpi sgt, %parallel_loop3A_424, %parallel_loop3A_433 : i32
          %parallel_loop3A_435 = arith.extui %parallel_loop3A_434 : i1 to i32
          %parallel_loop3A_436 = arith.constant 0 : i32
          %parallel_loop3A_437 = arith.cmpi slt, %parallel_loop3A_424, %parallel_loop3A_436 : i32
          %parallel_loop3A_438 = arith.extui %parallel_loop3A_437 : i1 to i32
          %parallel_loop3A_439 = arith.subi %parallel_loop3A_435, %parallel_loop3A_438 : i32
          %parallel_loop3A_440 = arith.cmpi ne, %parallel_loop3A_432, %parallel_loop3A_439 : i32
          %parallel_loop3A_441 = arith.remsi %parallel_loop3A_423, %parallel_loop3A_424 : i32
          %parallel_loop3A_442 = arith.constant 0 : i32
          %parallel_loop3A_443 = arith.cmpi ne, %parallel_loop3A_441, %parallel_loop3A_442 : i32
          %parallel_loop3A_444 = arith.andi %parallel_loop3A_440, %parallel_loop3A_443 : i1
          %parallel_loop3A_445 = arith.constant 1 : i32
          %parallel_loop3A_446 = arith.subi %parallel_loop3A_425, %parallel_loop3A_445 : i32
          %parallel_loop3A_447 = arith.select %parallel_loop3A_444, %parallel_loop3A_446, %parallel_loop3A_425 : i32
          %parallel_loop3A_448 = arith.constant 16 : i32
          %parallel_loop3A_449 = arith.muli %parallel_loop3A_448, %parallel_loop3A_447 : i32
          %parallel_loop3A_450 = arith.constant 2 : i32
          %parallel_loop3A_451 = arith.index_cast %parallel_loop3A_450 : i32 to index
          %parallel_loop3A_452 = arith.index_cast %parallel_loop3A_449 : i32 to index
          %parallel_loop3A_453 = tpu.vector_load %arg8[%parallel_loop3A_451, %parallel_loop3A_452] {strides = array<i32>} : memref<4x512xf32, #tpu.memory_space<vmem>>, vector<1x16xf32>,
          %parallel_loop3A_454 = vector.shape_cast %parallel_loop3A_453 : vector<1x16xf32> to vector<16xf32>
          %parallel_loop3A_455 = arith.constant 4 : i32
          %parallel_loop3A_456 = arith.constant 0 : i32
          %parallel_loop3A_457 = arith.cmpi eq, %parallel_loop3A_455, %parallel_loop3A_456 : i32
          %parallel_loop3A_458 = arith.constant 1 : i32
          %parallel_loop3A_459 = arith.select %parallel_loop3A_457, %parallel_loop3A_458, %parallel_loop3A_455 : i32
          %parallel_loop3A_460 = arith.remsi %parallel_loop3A_423, %parallel_loop3A_459 : i32
          %parallel_loop3A_461 = arith.constant 0 : i32
          %parallel_loop3A_462 = arith.cmpi ne, %parallel_loop3A_460, %parallel_loop3A_461 : i32
          %parallel_loop3A_463 = arith.constant 0 : i32
          %parallel_loop3A_464 = arith.cmpi slt, %parallel_loop3A_460, %parallel_loop3A_463 : i32
          %parallel_loop3A_465 = arith.constant 0 : i32
          %parallel_loop3A_466 = arith.cmpi slt, %parallel_loop3A_459, %parallel_loop3A_465 : i32
          %parallel_loop3A_467 = arith.xori %parallel_loop3A_464, %parallel_loop3A_466 : i1
          %parallel_loop3A_468 = arith.andi %parallel_loop3A_467, %parallel_loop3A_462 : i1
          %parallel_loop3A_469 = arith.addi %parallel_loop3A_460, %parallel_loop3A_459 : i32
          %parallel_loop3A_470 = arith.select %parallel_loop3A_468, %parallel_loop3A_469, %parallel_loop3A_460 : i32
          %parallel_loop3A_471 = arith.constant 4 : i32
          %parallel_loop3A_472 = arith.muli %parallel_loop3A_471, %parallel_loop3A_470 : i32
          %parallel_loop3A_473 = arith.constant 0 : i32
          %parallel_loop3A_474 = arith.addi %parallel_loop3A_472, %parallel_loop3A_473 : i32
          %parallel_loop3A_475 = vector.broadcast %parallel_loop3A_474 : i32 to vector<16x1xi32>
          %parallel_loop3A_476 = vector.shape_cast %parallel_loop3A_475 : vector<16x1xi32> to vector<16xi32>
          %parallel_loop3A_477 = tpu.dynamic_gather %parallel_loop3A_454[%parallel_loop3A_476] in [0] : vector<16xf32>, vector<16xi32> -> vector<16xf32>
          %parallel_loop3A_478 = arith.constant 4 : i32
          %parallel_loop3A_479 = arith.muli %parallel_loop3A_478, %parallel_loop3A_470 : i32
          %parallel_loop3A_480 = arith.constant 1 : i32
          %parallel_loop3A_481 = arith.addi %parallel_loop3A_479, %parallel_loop3A_480 : i32
          %parallel_loop3A_482 = vector.broadcast %parallel_loop3A_481 : i32 to vector<16x1xi32>
          %parallel_loop3A_483 = vector.shape_cast %parallel_loop3A_482 : vector<16x1xi32> to vector<16xi32>
          %parallel_loop3A_484 = tpu.dynamic_gather %parallel_loop3A_454[%parallel_loop3A_483] in [0] : vector<16xf32>, vector<16xi32> -> vector<16xf32>
          %parallel_loop3A_485 = arith.constant 4 : i32
          %parallel_loop3A_486 = arith.muli %parallel_loop3A_485, %parallel_loop3A_470 : i32
          %parallel_loop3A_487 = arith.constant 2 : i32
          %parallel_loop3A_488 = arith.addi %parallel_loop3A_486, %parallel_loop3A_487 : i32
          %parallel_loop3A_489 = vector.broadcast %parallel_loop3A_488 : i32 to vector<16x1xi32>
          %parallel_loop3A_490 = vector.shape_cast %parallel_loop3A_489 : vector<16x1xi32> to vector<16xi32>
          %parallel_loop3A_491 = tpu.dynamic_gather %parallel_loop3A_454[%parallel_loop3A_490] in [0] : vector<16xf32>, vector<16xi32> -> vector<16xf32>
          %parallel_loop3A_492 = arith.constant 4 : i32
          %parallel_loop3A_493 = arith.muli %parallel_loop3A_492, %parallel_loop3A_470 : i32
          %parallel_loop3A_494 = arith.constant 3 : i32
          %parallel_loop3A_495 = arith.addi %parallel_loop3A_493, %parallel_loop3A_494 : i32
          %parallel_loop3A_496 = vector.broadcast %parallel_loop3A_495 : i32 to vector<16x1xi32>
          %parallel_loop3A_497 = vector.shape_cast %parallel_loop3A_496 : vector<16x1xi32> to vector<16xi32>
          %parallel_loop3A_498 = tpu.dynamic_gather %parallel_loop3A_454[%parallel_loop3A_497] in [0] : vector<16xf32>, vector<16xi32> -> vector<16xf32>
          %parallel_loop3A_499 = arith.mulf %parallel_loop3A_477, %get3A_8 : vector<16xf32>
          %parallel_loop3A_500 = arith.mulf %parallel_loop3A_484, %get3A_48 : vector<16xf32>
          %parallel_loop3A_501 = arith.mulf %parallel_loop3A_491, %get3A_88 : vector<16xf32>
          %parallel_loop3A_502 = arith.mulf %parallel_loop3A_498, %get3A_128 : vector<16xf32>
          %parallel_loop3A_503 = arith.addf %parallel_loop3A_499, %parallel_loop3A_500 : vector<16xf32>
          %parallel_loop3A_504 = arith.addf %parallel_loop3A_501, %parallel_loop3A_502 : vector<16xf32>
          %parallel_loop3A_505 = arith.addf %parallel_loop3A_503, %parallel_loop3A_504 : vector<16xf32>
          %parallel_loop3A_506 = arith.constant 2 : i32
          %parallel_loop3A_507 = arith.index_cast %parallel_loop3A_506 : i32 to index
          %parallel_loop3A_508 = arith.index_cast %parallel_loop3A_423 : i32 to index
          %parallel_loop3A_509 = arith.constant 0 : index
          %parallel_loop3A_510 = tpu.vector_load %arg9[%parallel_loop3A_507, %parallel_loop3A_508, %parallel_loop3A_509] {strides = array<i32>} : memref<4x128x128xf32, #tpu.memory_space<vmem>>, vector<1x1x16xf32>,
          %parallel_loop3A_511 = vector.shape_cast %parallel_loop3A_510 : vector<1x1x16xf32> to vector<16xf32>
          %parallel_loop3A_512 = vector.shape_cast %parallel_loop3A_505 : vector<16xf32> to vector<1x1x16xf32>
          tpu.vector_store %arg9[%parallel_loop3A_507, %parallel_loop3A_508, %parallel_loop3A_509], %parallel_loop3A_512 {strides = array<i32>} : memref<4x128x128xf32, #tpu.memory_space<vmem>>, vector<1x1x16xf32>,
          %parallel_loop3A_513 = arith.mulf %parallel_loop3A_477, %get3A_13 : vector<16xf32>
          %parallel_loop3A_514 = arith.mulf %parallel_loop3A_484, %get3A_53 : vector<16xf32>
          %parallel_loop3A_515 = arith.mulf %parallel_loop3A_491, %get3A_93 : vector<16xf32>
          %parallel_loop3A_516 = arith.mulf %parallel_loop3A_498, %get3A_133 : vector<16xf32>
          %parallel_loop3A_517 = arith.addf %parallel_loop3A_513, %parallel_loop3A_514 : vector<16xf32>
          %parallel_loop3A_518 = arith.addf %parallel_loop3A_515, %parallel_loop3A_516 : vector<16xf32>
          %parallel_loop3A_519 = arith.addf %parallel_loop3A_517, %parallel_loop3A_518 : vector<16xf32>
          %parallel_loop3A_520 = arith.constant 2 : i32
          %parallel_loop3A_521 = arith.index_cast %parallel_loop3A_520 : i32 to index
          %parallel_loop3A_522 = arith.index_cast %parallel_loop3A_423 : i32 to index
          %parallel_loop3A_523 = arith.constant 16 : index
          %parallel_loop3A_524 = tpu.vector_load %arg9[%parallel_loop3A_521, %parallel_loop3A_522, %parallel_loop3A_523] {strides = array<i32>} : memref<4x128x128xf32, #tpu.memory_space<vmem>>, vector<1x1x16xf32>,
          %parallel_loop3A_525 = vector.shape_cast %parallel_loop3A_524 : vector<1x1x16xf32> to vector<16xf32>
          %parallel_loop3A_526 = vector.shape_cast %parallel_loop3A_519 : vector<16xf32> to vector<1x1x16xf32>
          tpu.vector_store %arg9[%parallel_loop3A_521, %parallel_loop3A_522, %parallel_loop3A_523], %parallel_loop3A_526 {strides = array<i32>} : memref<4x128x128xf32, #tpu.memory_space<vmem>>, vector<1x1x16xf32>,
          %parallel_loop3A_527 = arith.mulf %parallel_loop3A_477, %get3A_18 : vector<16xf32>
          %parallel_loop3A_528 = arith.mulf %parallel_loop3A_484, %get3A_58 : vector<16xf32>
          %parallel_loop3A_529 = arith.mulf %parallel_loop3A_491, %get3A_98 : vector<16xf32>
          %parallel_loop3A_530 = arith.mulf %parallel_loop3A_498, %get3A_138 : vector<16xf32>
          %parallel_loop3A_531 = arith.addf %parallel_loop3A_527, %parallel_loop3A_528 : vector<16xf32>
          %parallel_loop3A_532 = arith.addf %parallel_loop3A_529, %parallel_loop3A_530 : vector<16xf32>
          %parallel_loop3A_533 = arith.addf %parallel_loop3A_531, %parallel_loop3A_532 : vector<16xf32>
          %parallel_loop3A_534 = arith.constant 2 : i32
          %parallel_loop3A_535 = arith.index_cast %parallel_loop3A_534 : i32 to index
          %parallel_loop3A_536 = arith.index_cast %parallel_loop3A_423 : i32 to index
          %parallel_loop3A_537 = arith.constant 32 : index
          %parallel_loop3A_538 = tpu.vector_load %arg9[%parallel_loop3A_535, %parallel_loop3A_536, %parallel_loop3A_537] {strides = array<i32>} : memref<4x128x128xf32, #tpu.memory_space<vmem>>, vector<1x1x16xf32>,
          %parallel_loop3A_539 = vector.shape_cast %parallel_loop3A_538 : vector<1x1x16xf32> to vector<16xf32>
          %parallel_loop3A_540 = vector.shape_cast %parallel_loop3A_533 : vector<16xf32> to vector<1x1x16xf32>
          tpu.vector_store %arg9[%parallel_loop3A_535, %parallel_loop3A_536, %parallel_loop3A_537], %parallel_loop3A_540 {strides = array<i32>} : memref<4x128x128xf32, #tpu.memory_space<vmem>>, vector<1x1x16xf32>,
          %parallel_loop3A_541 = arith.mulf %parallel_loop3A_477, %get3A_23 : vector<16xf32>
          %parallel_loop3A_542 = arith.mulf %parallel_loop3A_484, %get3A_63 : vector<16xf32>
          %parallel_loop3A_543 = arith.mulf %parallel_loop3A_491, %get3A_103 : vector<16xf32>
          %parallel_loop3A_544 = arith.mulf %parallel_loop3A_498, %get3A_143 : vector<16xf32>
          %parallel_loop3A_545 = arith.addf %parallel_loop3A_541, %parallel_loop3A_542 : vector<16xf32>
          %parallel_loop3A_546 = arith.addf %parallel_loop3A_543, %parallel_loop3A_544 : vector<16xf32>
          %parallel_loop3A_547 = arith.addf %parallel_loop3A_545, %parallel_loop3A_546 : vector<16xf32>
          %parallel_loop3A_548 = arith.constant 2 : i32
          %parallel_loop3A_549 = arith.index_cast %parallel_loop3A_548 : i32 to index
          %parallel_loop3A_550 = arith.index_cast %parallel_loop3A_423 : i32 to index
          %parallel_loop3A_551 = arith.constant 48 : index
          %parallel_loop3A_552 = tpu.vector_load %arg9[%parallel_loop3A_549, %parallel_loop3A_550, %parallel_loop3A_551] {strides = array<i32>} : memref<4x128x128xf32, #tpu.memory_space<vmem>>, vector<1x1x16xf32>,
          %parallel_loop3A_553 = vector.shape_cast %parallel_loop3A_552 : vector<1x1x16xf32> to vector<16xf32>
          %parallel_loop3A_554 = vector.shape_cast %parallel_loop3A_547 : vector<16xf32> to vector<1x1x16xf32>
          tpu.vector_store %arg9[%parallel_loop3A_549, %parallel_loop3A_550, %parallel_loop3A_551], %parallel_loop3A_554 {strides = array<i32>} : memref<4x128x128xf32, #tpu.memory_space<vmem>>, vector<1x1x16xf32>,
          %parallel_loop3A_555 = arith.mulf %parallel_loop3A_477, %get3A_28 : vector<16xf32>
          %parallel_loop3A_556 = arith.mulf %parallel_loop3A_484, %get3A_68 : vector<16xf32>
          %parallel_loop3A_557 = arith.mulf %parallel_loop3A_491, %get3A_108 : vector<16xf32>
          %parallel_loop3A_558 = arith.mulf %parallel_loop3A_498, %get3A_148 : vector<16xf32>
          %parallel_loop3A_559 = arith.addf %parallel_loop3A_555, %parallel_loop3A_556 : vector<16xf32>
          %parallel_loop3A_560 = arith.addf %parallel_loop3A_557, %parallel_loop3A_558 : vector<16xf32>
          %parallel_loop3A_561 = arith.addf %parallel_loop3A_559, %parallel_loop3A_560 : vector<16xf32>
          %parallel_loop3A_562 = arith.constant 2 : i32
          %parallel_loop3A_563 = arith.index_cast %parallel_loop3A_562 : i32 to index
          %parallel_loop3A_564 = arith.index_cast %parallel_loop3A_423 : i32 to index
          %parallel_loop3A_565 = arith.constant 64 : index
          %parallel_loop3A_566 = tpu.vector_load %arg9[%parallel_loop3A_563, %parallel_loop3A_564, %parallel_loop3A_565] {strides = array<i32>} : memref<4x128x128xf32, #tpu.memory_space<vmem>>, vector<1x1x16xf32>,
          %parallel_loop3A_567 = vector.shape_cast %parallel_loop3A_566 : vector<1x1x16xf32> to vector<16xf32>
          %parallel_loop3A_568 = vector.shape_cast %parallel_loop3A_561 : vector<16xf32> to vector<1x1x16xf32>
          tpu.vector_store %arg9[%parallel_loop3A_563, %parallel_loop3A_564, %parallel_loop3A_565], %parallel_loop3A_568 {strides = array<i32>} : memref<4x128x128xf32, #tpu.memory_space<vmem>>, vector<1x1x16xf32>,
          %parallel_loop3A_569 = arith.mulf %parallel_loop3A_477, %get3A_33 : vector<16xf32>
          %parallel_loop3A_570 = arith.mulf %parallel_loop3A_484, %get3A_73 : vector<16xf32>
          %parallel_loop3A_571 = arith.mulf %parallel_loop3A_491, %get3A_113 : vector<16xf32>
          %parallel_loop3A_572 = arith.mulf %parallel_loop3A_498, %get3A_153 : vector<16xf32>
          %parallel_loop3A_573 = arith.addf %parallel_loop3A_569, %parallel_loop3A_570 : vector<16xf32>
          %parallel_loop3A_574 = arith.addf %parallel_loop3A_571, %parallel_loop3A_572 : vector<16xf32>
          %parallel_loop3A_575 = arith.addf %parallel_loop3A_573, %parallel_loop3A_574 : vector<16xf32>
          %parallel_loop3A_576 = arith.constant 2 : i32
          %parallel_loop3A_577 = arith.index_cast %parallel_loop3A_576 : i32 to index
          %parallel_loop3A_578 = arith.index_cast %parallel_loop3A_423 : i32 to index
          %parallel_loop3A_579 = arith.constant 80 : index
          %parallel_loop3A_580 = tpu.vector_load %arg9[%parallel_loop3A_577, %parallel_loop3A_578, %parallel_loop3A_579] {strides = array<i32>} : memref<4x128x128xf32, #tpu.memory_space<vmem>>, vector<1x1x16xf32>,
          %parallel_loop3A_581 = vector.shape_cast %parallel_loop3A_580 : vector<1x1x16xf32> to vector<16xf32>
          %parallel_loop3A_582 = vector.shape_cast %parallel_loop3A_575 : vector<16xf32> to vector<1x1x16xf32>
          tpu.vector_store %arg9[%parallel_loop3A_577, %parallel_loop3A_578, %parallel_loop3A_579], %parallel_loop3A_582 {strides = array<i32>} : memref<4x128x128xf32, #tpu.memory_space<vmem>>, vector<1x1x16xf32>,
          %parallel_loop3A_583 = arith.mulf %parallel_loop3A_477, %get3A_38 : vector<16xf32>
          %parallel_loop3A_584 = arith.mulf %parallel_loop3A_484, %get3A_78 : vector<16xf32>
          %parallel_loop3A_585 = arith.mulf %parallel_loop3A_491, %get3A_118 : vector<16xf32>
          %parallel_loop3A_586 = arith.mulf %parallel_loop3A_498, %get3A_158 : vector<16xf32>
          %parallel_loop3A_587 = arith.addf %parallel_loop3A_583, %parallel_loop3A_584 : vector<16xf32>
          %parallel_loop3A_588 = arith.addf %parallel_loop3A_585, %parallel_loop3A_586 : vector<16xf32>
          %parallel_loop3A_589 = arith.addf %parallel_loop3A_587, %parallel_loop3A_588 : vector<16xf32>
          %parallel_loop3A_590 = arith.constant 2 : i32
          %parallel_loop3A_591 = arith.index_cast %parallel_loop3A_590 : i32 to index
          %parallel_loop3A_592 = arith.index_cast %parallel_loop3A_423 : i32 to index
          %parallel_loop3A_593 = arith.constant 96 : index
          %parallel_loop3A_594 = tpu.vector_load %arg9[%parallel_loop3A_591, %parallel_loop3A_592, %parallel_loop3A_593] {strides = array<i32>} : memref<4x128x128xf32, #tpu.memory_space<vmem>>, vector<1x1x16xf32>,
          %parallel_loop3A_595 = vector.shape_cast %parallel_loop3A_594 : vector<1x1x16xf32> to vector<16xf32>
          %parallel_loop3A_596 = vector.shape_cast %parallel_loop3A_589 : vector<16xf32> to vector<1x1x16xf32>
          tpu.vector_store %arg9[%parallel_loop3A_591, %parallel_loop3A_592, %parallel_loop3A_593], %parallel_loop3A_596 {strides = array<i32>} : memref<4x128x128xf32, #tpu.memory_space<vmem>>, vector<1x1x16xf32>,
          %parallel_loop3A_597 = arith.mulf %parallel_loop3A_477, %get3A_43 : vector<16xf32>
          %parallel_loop3A_598 = arith.mulf %parallel_loop3A_484, %get3A_83 : vector<16xf32>
          %parallel_loop3A_599 = arith.mulf %parallel_loop3A_491, %get3A_123 : vector<16xf32>
          %parallel_loop3A_600 = arith.mulf %parallel_loop3A_498, %get3A_163 : vector<16xf32>
          %parallel_loop3A_601 = arith.addf %parallel_loop3A_597, %parallel_loop3A_598 : vector<16xf32>
          %parallel_loop3A_602 = arith.addf %parallel_loop3A_599, %parallel_loop3A_600 : vector<16xf32>
          %parallel_loop3A_603 = arith.addf %parallel_loop3A_601, %parallel_loop3A_602 : vector<16xf32>
          %parallel_loop3A_604 = arith.constant 2 : i32
          %parallel_loop3A_605 = arith.index_cast %parallel_loop3A_604 : i32 to index
          %parallel_loop3A_606 = arith.index_cast %parallel_loop3A_423 : i32 to index
          %parallel_loop3A_607 = arith.constant 112 : index
          %parallel_loop3A_608 = tpu.vector_load %arg9[%parallel_loop3A_605, %parallel_loop3A_606, %parallel_loop3A_607] {strides = array<i32>} : memref<4x128x128xf32, #tpu.memory_space<vmem>>, vector<1x1x16xf32>,
          %parallel_loop3A_609 = vector.shape_cast %parallel_loop3A_608 : vector<1x1x16xf32> to vector<16xf32>
          %parallel_loop3A_610 = vector.shape_cast %parallel_loop3A_603 : vector<16xf32> to vector<1x1x16xf32>
          tpu.vector_store %arg9[%parallel_loop3A_605, %parallel_loop3A_606, %parallel_loop3A_607], %parallel_loop3A_610 {strides = array<i32>} : memref<4x128x128xf32, #tpu.memory_space<vmem>>, vector<1x1x16xf32>,
        } {sc.loop_unroll_factor = 1 : i64, sc.parallel_access}
        %dma_start3A_411 = arith.constant 2 : i32
        %dma_start3A_412 = arith.constant 2 : i32
        %dma_start3A_413 = arith.constant 0 : i32
        %dma_start3A_414 = arith.constant 0 : i32
        %dma_start3A_415 = tpu.memref_slice %arg9[%dma_start3A_412, %dma_start3A_413, %dma_start3A_414] : memref<4x128x128xf32, #tpu.memory_space<vmem>> -> memref<1x128x128xf32, #tpu.memory_space<vmem>>
        %dma_start3A_416 = tpu.memref_squeeze %dma_start3A_415 : memref<1x128x128xf32, #tpu.memory_space<vmem>> -> memref<128x128xf32, #tpu.memory_space<vmem>>
        %dma_start3A_417 = arith.constant 0 : i32
        %dma_start3A_418 = tpu.memref_slice %arg7[%dma_start3A_411, %dma_start3A_417] : memref<4x128xi32, #tpu.memory_space<vmem>> -> memref<1x128xi32, #tpu.memory_space<vmem>>
        %dma_start3A_419 = tpu.memref_squeeze %dma_start3A_418 : memref<1x128xi32, #tpu.memory_space<vmem>> -> memref<128xi32, #tpu.memory_space<vmem>>
        %dma_start3A_420 = arith.constant 0 : i32
        %dma_start3A_421 = arith.constant 0 : i32
        %dma_start3A_422 = tpu.memref_slice %arg11[%dma_start3A_420, %dma_start3A_421] : memref<1000x128xf32, #tpu.memory_space<vmem_shared>> -> memref<1000x128xf32, #tpu.memory_space<vmem_shared>>
        tpu.enqueue_indirect_dma source(%dma_start3A_422 : memref<1000x128xf32, #tpu.memory_space<vmem_shared>>) target(%dma_start3A_416 : memref<128x128xf32, #tpu.memory_space<vmem>>) offsets(%dma_start3A_419 : memref<128xi32, #tpu.memory_space<vmem>>) semaphore(%arg14 : memref<!tpu.dma_semaphore, #tpu.memory_space<semaphore_mem>>) {add = true}
      } else {
      }
      %lt3A_335 = arith.constant 50 : i32
      %lt3A_336 = arith.cmpi slt, %add3A_320, %lt3A_335 : i32
      %convert_element_type3A_337 = arith.extui %lt3A_336 : i1 to i32
      %cond3A_338 = arith.constant 0 : i32
      %cond3A_339 = arith.cmpi ne, %convert_element_type3A_337, %cond3A_338 : i32
      scf.if %cond3A_339 {
        %dma_wait3A_382 = arith.constant 1 : i32
        %dma_wait3A_383 = arith.constant 1 : i32
        %dma_wait3A_384 = arith.constant 0 : i32
        %dma_wait3A_385 = arith.constant 0 : i32
        %dma_wait3A_386 = tpu.memref_slice %arg9[%dma_wait3A_383, %dma_wait3A_384, %dma_wait3A_385] : memref<4x128x128xf32, #tpu.memory_space<vmem>> -> memref<1x128x128xf32, #tpu.memory_space<vmem>>
        %dma_wait3A_387 = tpu.memref_squeeze %dma_wait3A_386 : memref<1x128x128xf32, #tpu.memory_space<vmem>> -> memref<128x128xf32, #tpu.memory_space<vmem>>
        %dma_wait3A_388 = arith.constant 0 : i32
        %dma_wait3A_389 = tpu.memref_slice %arg7[%dma_wait3A_382, %dma_wait3A_388] : memref<4x128xi32, #tpu.memory_space<vmem>> -> memref<1x128xi32, #tpu.memory_space<vmem>>
        %dma_wait3A_390 = tpu.memref_squeeze %dma_wait3A_389 : memref<1x128xi32, #tpu.memory_space<vmem>> -> memref<128xi32, #tpu.memory_space<vmem>>
        %dma_wait3A_391 = arith.constant 0 : i32
        %dma_wait3A_392 = arith.constant 0 : i32
        %dma_wait3A_393 = tpu.memref_slice %arg11[%dma_wait3A_391, %dma_wait3A_392] : memref<1000x128xf32, #tpu.memory_space<vmem_shared>> -> memref<1000x128xf32, #tpu.memory_space<vmem_shared>>
        tpu.wait_indirect_dma semaphore(%arg13 : memref<!tpu.dma_semaphore, #tpu.memory_space<semaphore_mem>>) src(%dma_wait3A_393 : memref<1000x128xf32, #tpu.memory_space<vmem_shared>>) dst(%dma_wait3A_387 : memref<128x128xf32, #tpu.memory_space<vmem>>)
        %mul3A_394 = arith.constant 128 : i32
        %mul3A_395 = arith.muli %add3A_320, %mul3A_394 : i32
        %add3A_396 = arith.addi %mul3A_2, %mul3A_395 : i32
        %dma_start3A_397 = arith.constant 1 : i32
        %dma_start3A_398 = arith.constant 0 : i32
        %dma_start3A_399 = arith.constant 0 : i32
        %dma_start3A_400 = tpu.memref_slice %arg9[%dma_start3A_397, %dma_start3A_398, %dma_start3A_399] : memref<4x128x128xf32, #tpu.memory_space<vmem>> -> memref<1x128x128xf32, #tpu.memory_space<vmem>>
        %dma_start3A_401 = tpu.memref_squeeze %dma_start3A_400 : memref<1x128x128xf32, #tpu.memory_space<vmem>> -> memref<128x128xf32, #tpu.memory_space<vmem>>
        %dma_start3A_402 = arith.constant 0 : i32
        %dma_start3A_403 = tpu.memref_slice %arg6[%add3A_396, %dma_start3A_402] : memref<204800x128xf32, #tpu.memory_space<hbm>> -> memref<128x128xf32, #tpu.memory_space<hbm>>
        %dma_start3A_404 = arith.constant 0 : i32
        %dma_start3A_405 = tpu.memref_slice %arg6[%add3A_396, %dma_start3A_404] : memref<204800x128xf32, #tpu.memory_space<hbm>> -> memref<128x128xf32, #tpu.memory_space<hbm>>
        %dma_start3A_406 = arith.constant 0 : i32
        %dma_start3A_407 = arith.constant 0 : i32
        %dma_start3A_408 = tpu.memref_slice %arg9[%dma_start3A_397, %dma_start3A_406, %dma_start3A_407] : memref<4x128x128xf32, #tpu.memory_space<vmem>> -> memref<1x128x128xf32, #tpu.memory_space<vmem>>
        %dma_start3A_409 = tpu.memref_squeeze %dma_start3A_408 : memref<1x128x128xf32, #tpu.memory_space<vmem>> -> memref<128x128xf32, #tpu.memory_space<vmem>>
        tpu.enqueue_dma source(%dma_start3A_409 : memref<128x128xf32, #tpu.memory_space<vmem>>) target(%dma_start3A_405 : memref<128x128xf32, #tpu.memory_space<hbm>>) target_semaphore(%arg17 : memref<!tpu.dma_semaphore, #tpu.memory_space<semaphore_mem>>)
      } else {
      }
      %add3A_340 = arith.constant 2 : i32
      %add3A_341 = arith.addi %add3A_298, %add3A_340 : i32
      %add3A_342 = arith.constant 2 : i32
      %add3A_343 = arith.addi %add3A_341, %add3A_342 : i32
      %lt3A_344 = arith.constant 50 : i32
      %lt3A_345 = arith.cmpi slt, %add3A_343, %lt3A_344 : i32
      %convert_element_type3A_346 = arith.extui %lt3A_345 : i1 to i32
      %cond3A_347 = arith.constant 0 : i32
      %cond3A_348 = arith.cmpi ne, %convert_element_type3A_346, %cond3A_347 : i32
      scf.if %cond3A_348 {
        %add3A_382 = arith.constant 2 : i32
        %add3A_383 = arith.addi %add3A_341, %add3A_382 : i32
        %mul3A_384 = arith.constant 128 : i32
        %mul3A_385 = arith.muli %add3A_383, %mul3A_384 : i32
        %add3A_386 = arith.addi %mul3A_2, %mul3A_385 : i32
        %dma_start3A_387 = arith.constant 0 : i32
        %dma_start3A_388 = arith.constant 0 : i32
        %dma_start3A_389 = tpu.memref_slice %arg7[%dma_start3A_387, %dma_start3A_388] : memref<4x128xi32, #tpu.memory_space<vmem>> -> memref<1x128xi32, #tpu.memory_space<vmem>>
        %dma_start3A_390 = tpu.memref_squeeze %dma_start3A_389 : memref<1x128xi32, #tpu.memory_space<vmem>> -> memref<128xi32, #tpu.memory_space<vmem>>
        %dma_start3A_391 = tpu.memref_slice %arg2[%add3A_386] : memref<204800xi32, #tpu.memory_space<hbm>> -> memref<128xi32, #tpu.memory_space<hbm>>
        %dma_start3A_392 = arith.constant 0 : i32
        %dma_start3A_393 = tpu.memref_slice %arg7[%dma_start3A_387, %dma_start3A_392] : memref<4x128xi32, #tpu.memory_space<vmem>> -> memref<1x128xi32, #tpu.memory_space<vmem>>
        %dma_start3A_394 = tpu.memref_squeeze %dma_start3A_393 : memref<1x128xi32, #tpu.memory_space<vmem>> -> memref<128xi32, #tpu.memory_space<vmem>>
        %dma_start3A_395 = tpu.memref_slice %arg2[%add3A_386] : memref<204800xi32, #tpu.memory_space<hbm>> -> memref<128xi32, #tpu.memory_space<hbm>>
        tpu.enqueue_dma source(%dma_start3A_395 : memref<128xi32, #tpu.memory_space<hbm>>) target(%dma_start3A_394 : memref<128xi32, #tpu.memory_space<vmem>>) target_semaphore(%arg20 : memref<!tpu.dma_semaphore, #tpu.memory_space<semaphore_mem>>)
        %mul3A_396 = arith.constant 4 : i32
        %mul3A_397 = arith.muli %add3A_386, %mul3A_396 : i32
        %dma_start3A_398 = arith.constant 0 : i32
        %dma_start3A_399 = arith.constant 0 : i32
        %dma_start3A_400 = tpu.memref_slice %arg8[%dma_start3A_398, %dma_start3A_399] : memref<4x512xf32, #tpu.memory_space<vmem>> -> memref<1x512xf32, #tpu.memory_space<vmem>>
        %dma_start3A_401 = tpu.memref_squeeze %dma_start3A_400 : memref<1x512xf32, #tpu.memory_space<vmem>> -> memref<512xf32, #tpu.memory_space<vmem>>
        %dma_start3A_402 = tpu.memref_slice %arg3[%mul3A_397] : memref<819200xf32, #tpu.memory_space<hbm>> -> memref<512xf32, #tpu.memory_space<hbm>>
        %dma_start3A_403 = arith.constant 0 : i32
        %dma_start3A_404 = tpu.memref_slice %arg8[%dma_start3A_398, %dma_start3A_403] : memref<4x512xf32, #tpu.memory_space<vmem>> -> memref<1x512xf32, #tpu.memory_space<vmem>>
        %dma_start3A_405 = tpu.memref_squeeze %dma_start3A_404 : memref<1x512xf32, #tpu.memory_space<vmem>> -> memref<512xf32, #tpu.memory_space<vmem>>
        %dma_start3A_406 = tpu.memref_slice %arg3[%mul3A_397] : memref<819200xf32, #tpu.memory_space<hbm>> -> memref<512xf32, #tpu.memory_space<hbm>>
        tpu.enqueue_dma source(%dma_start3A_406 : memref<512xf32, #tpu.memory_space<hbm>>) target(%dma_start3A_405 : memref<512xf32, #tpu.memory_space<vmem>>) target_semaphore(%arg20 : memref<!tpu.dma_semaphore, #tpu.memory_space<semaphore_mem>>)
      } else {
      }
      %add3A_349 = arith.constant 1 : i32
      %add3A_350 = arith.addi %add3A_341, %add3A_349 : i32
      %lt3A_351 = arith.constant 50 : i32
      %lt3A_352 = arith.cmpi slt, %add3A_350, %lt3A_351 : i32
      %convert_element_type3A_353 = arith.extui %lt3A_352 : i1 to i32
      %cond3A_354 = arith.constant 0 : i32
      %cond3A_355 = arith.cmpi ne, %convert_element_type3A_353, %cond3A_354 : i32
      scf.if %cond3A_355 {
        %add3A_382 = arith.constant 1 : i32
        %add3A_383 = arith.addi %add3A_341, %add3A_382 : i32
        %ge3A = arith.constant 4 : i32
        %ge3A_384 = arith.cmpi sge, %add3A_383, %ge3A : i32
        %convert_element_type3A_385 = arith.extui %ge3A_384 : i1 to i32
        %cond3A_386 = arith.constant 0 : i32
        %cond3A_387 = arith.cmpi ne, %convert_element_type3A_385, %cond3A_386 : i32
        scf.if %cond3A_387 {
          %dma_wait3A_423 = arith.constant 3 : i32
          %dma_wait3A_424 = arith.constant 0 : i32
          %dma_wait3A_425 = arith.constant 0 : i32
          %dma_wait3A_426 = tpu.memref_slice %arg9[%dma_wait3A_423, %dma_wait3A_424, %dma_wait3A_425] : memref<4x128x128xf32, #tpu.memory_space<vmem>> -> memref<1x128x128xf32, #tpu.memory_space<vmem>>
          %dma_wait3A_427 = tpu.memref_squeeze %dma_wait3A_426 : memref<1x128x128xf32, #tpu.memory_space<vmem>> -> memref<128x128xf32, #tpu.memory_space<vmem>>
          %dma_wait3A_428 = arith.constant 0 : i32
          %dma_wait3A_429 = tpu.memref_slice %arg6[%mul3A_2, %dma_wait3A_428] : memref<204800x128xf32, #tpu.memory_space<hbm>> -> memref<128x128xf32, #tpu.memory_space<hbm>>
          %dma_wait3A_430 = arith.constant 0 : i32
          %dma_wait3A_431 = tpu.memref_slice %arg6[%mul3A_2, %dma_wait3A_430] : memref<204800x128xf32, #tpu.memory_space<hbm>> -> memref<128x128xf32, #tpu.memory_space<hbm>>
          %dma_wait3A_432 = arith.constant 0 : i32
          %dma_wait3A_433 = arith.constant 0 : i32
          %dma_wait3A_434 = tpu.memref_slice %arg9[%dma_wait3A_423, %dma_wait3A_432, %dma_wait3A_433] : memref<4x128x128xf32, #tpu.memory_space<vmem>> -> memref<1x128x128xf32, #tpu.memory_space<vmem>>
          %dma_wait3A_435 = tpu.memref_squeeze %dma_wait3A_434 : memref<1x128x128xf32, #tpu.memory_space<vmem>> -> memref<128x128xf32, #tpu.memory_space<vmem>>
          tpu.wait_dma2 semaphore(%arg19 : memref<!tpu.dma_semaphore, #tpu.memory_space<semaphore_mem>>) src(%dma_wait3A_435 : memref<128x128xf32, #tpu.memory_space<vmem>>) dst(%dma_wait3A_431 : memref<128x128xf32, #tpu.memory_space<hbm>>)
        } else {
        }
        %add3A_388 = arith.constant 1 : i32
        %add3A_389 = arith.addi %add3A_341, %add3A_388 : i32
        %dma_wait3A_390 = arith.constant 3 : i32
        %dma_wait3A_391 = arith.constant 0 : i32
        %dma_wait3A_392 = tpu.memref_slice %arg7[%dma_wait3A_390, %dma_wait3A_391] : memref<4x128xi32, #tpu.memory_space<vmem>> -> memref<1x128xi32, #tpu.memory_space<vmem>>
        %dma_wait3A_393 = tpu.memref_squeeze %dma_wait3A_392 : memref<1x128xi32, #tpu.memory_space<vmem>> -> memref<128xi32, #tpu.memory_space<vmem>>
        %dma_wait3A_394 = tpu.memref_slice %arg2[%mul3A_2] : memref<204800xi32, #tpu.memory_space<hbm>> -> memref<128xi32, #tpu.memory_space<hbm>>
        %dma_wait3A_395 = arith.constant 0 : i32
        %dma_wait3A_396 = tpu.memref_slice %arg7[%dma_wait3A_390, %dma_wait3A_395] : memref<4x128xi32, #tpu.memory_space<vmem>> -> memref<1x128xi32, #tpu.memory_space<vmem>>
        %dma_wait3A_397 = tpu.memref_squeeze %dma_wait3A_396 : memref<1x128xi32, #tpu.memory_space<vmem>> -> memref<128xi32, #tpu.memory_space<vmem>>
        %dma_wait3A_398 = tpu.memref_slice %arg2[%mul3A_2] : memref<204800xi32, #tpu.memory_space<hbm>> -> memref<128xi32, #tpu.memory_space<hbm>>
        tpu.wait_dma2 semaphore(%arg23 : memref<!tpu.dma_semaphore, #tpu.memory_space<semaphore_mem>>) src(%dma_wait3A_398 : memref<128xi32, #tpu.memory_space<hbm>>) dst(%dma_wait3A_397 : memref<128xi32, #tpu.memory_space<vmem>>)
        %dma_wait3A_399 = arith.constant 3 : i32
        %dma_wait3A_400 = arith.constant 0 : i32
        %dma_wait3A_401 = tpu.memref_slice %arg8[%dma_wait3A_399, %dma_wait3A_400] : memref<4x512xf32, #tpu.memory_space<vmem>> -> memref<1x512xf32, #tpu.memory_space<vmem>>
        %dma_wait3A_402 = tpu.memref_squeeze %dma_wait3A_401 : memref<1x512xf32, #tpu.memory_space<vmem>> -> memref<512xf32, #tpu.memory_space<vmem>>
        %dma_wait3A_403 = tpu.memref_slice %arg3[%mul3A_2] : memref<819200xf32, #tpu.memory_space<hbm>> -> memref<512xf32, #tpu.memory_space<hbm>>
        %dma_wait3A_404 = arith.constant 0 : i32
        %dma_wait3A_405 = tpu.memref_slice %arg8[%dma_wait3A_399, %dma_wait3A_404] : memref<4x512xf32, #tpu.memory_space<vmem>> -> memref<1x512xf32, #tpu.memory_space<vmem>>
        %dma_wait3A_406 = tpu.memref_squeeze %dma_wait3A_405 : memref<1x512xf32, #tpu.memory_space<vmem>> -> memref<512xf32, #tpu.memory_space<vmem>>
        %dma_wait3A_407 = tpu.memref_slice %arg3[%mul3A_2] : memref<819200xf32, #tpu.memory_space<hbm>> -> memref<512xf32, #tpu.memory_space<hbm>>
        tpu.wait_dma2 semaphore(%arg23 : memref<!tpu.dma_semaphore, #tpu.memory_space<semaphore_mem>>) src(%dma_wait3A_407 : memref<512xf32, #tpu.memory_space<hbm>>) dst(%dma_wait3A_406 : memref<512xf32, #tpu.memory_space<vmem>>)
        %parallel_loop3A_408 = arith.constant 0 : i32
        %parallel_loop3A_409 = arith.constant 128 : i32
        %parallel_loop3A_410 = arith.constant 1 : i32
        scf.for %parallel_loop3A_423 = %parallel_loop3A_408 to %parallel_loop3A_409 step %parallel_loop3A_410  : i32 {
          %parallel_loop3A_424 = arith.constant 4 : i32
          %parallel_loop3A_425 = arith.divsi %parallel_loop3A_423, %parallel_loop3A_424 : i32
          %parallel_loop3A_426 = arith.constant 0 : i32
          %parallel_loop3A_427 = arith.cmpi sgt, %parallel_loop3A_423, %parallel_loop3A_426 : i32
          %parallel_loop3A_428 = arith.extui %parallel_loop3A_427 : i1 to i32
          %parallel_loop3A_429 = arith.constant 0 : i32
          %parallel_loop3A_430 = arith.cmpi slt, %parallel_loop3A_423, %parallel_loop3A_429 : i32
          %parallel_loop3A_431 = arith.extui %parallel_loop3A_430 : i1 to i32
          %parallel_loop3A_432 = arith.subi %parallel_loop3A_428, %parallel_loop3A_431 : i32
          %parallel_loop3A_433 = arith.constant 0 : i32
          %parallel_loop3A_434 = arith.cmpi sgt, %parallel_loop3A_424, %parallel_loop3A_433 : i32
          %parallel_loop3A_435 = arith.extui %parallel_loop3A_434 : i1 to i32
          %parallel_loop3A_436 = arith.constant 0 : i32
          %parallel_loop3A_437 = arith.cmpi slt, %parallel_loop3A_424, %parallel_loop3A_436 : i32
          %parallel_loop3A_438 = arith.extui %parallel_loop3A_437 : i1 to i32
          %parallel_loop3A_439 = arith.subi %parallel_loop3A_435, %parallel_loop3A_438 : i32
          %parallel_loop3A_440 = arith.cmpi ne, %parallel_loop3A_432, %parallel_loop3A_439 : i32
          %parallel_loop3A_441 = arith.remsi %parallel_loop3A_423, %parallel_loop3A_424 : i32
          %parallel_loop3A_442 = arith.constant 0 : i32
          %parallel_loop3A_443 = arith.cmpi ne, %parallel_loop3A_441, %parallel_loop3A_442 : i32
          %parallel_loop3A_444 = arith.andi %parallel_loop3A_440, %parallel_loop3A_443 : i1
          %parallel_loop3A_445 = arith.constant 1 : i32
          %parallel_loop3A_446 = arith.subi %parallel_loop3A_425, %parallel_loop3A_445 : i32
          %parallel_loop3A_447 = arith.select %parallel_loop3A_444, %parallel_loop3A_446, %parallel_loop3A_425 : i32
          %parallel_loop3A_448 = arith.constant 16 : i32
          %parallel_loop3A_449 = arith.muli %parallel_loop3A_448, %parallel_loop3A_447 : i32
          %parallel_loop3A_450 = arith.constant 3 : i32
          %parallel_loop3A_451 = arith.index_cast %parallel_loop3A_450 : i32 to index
          %parallel_loop3A_452 = arith.index_cast %parallel_loop3A_449 : i32 to index
          %parallel_loop3A_453 = tpu.vector_load %arg8[%parallel_loop3A_451, %parallel_loop3A_452] {strides = array<i32>} : memref<4x512xf32, #tpu.memory_space<vmem>>, vector<1x16xf32>,
          %parallel_loop3A_454 = vector.shape_cast %parallel_loop3A_453 : vector<1x16xf32> to vector<16xf32>
          %parallel_loop3A_455 = arith.constant 4 : i32
          %parallel_loop3A_456 = arith.constant 0 : i32
          %parallel_loop3A_457 = arith.cmpi eq, %parallel_loop3A_455, %parallel_loop3A_456 : i32
          %parallel_loop3A_458 = arith.constant 1 : i32
          %parallel_loop3A_459 = arith.select %parallel_loop3A_457, %parallel_loop3A_458, %parallel_loop3A_455 : i32
          %parallel_loop3A_460 = arith.remsi %parallel_loop3A_423, %parallel_loop3A_459 : i32
          %parallel_loop3A_461 = arith.constant 0 : i32
          %parallel_loop3A_462 = arith.cmpi ne, %parallel_loop3A_460, %parallel_loop3A_461 : i32
          %parallel_loop3A_463 = arith.constant 0 : i32
          %parallel_loop3A_464 = arith.cmpi slt, %parallel_loop3A_460, %parallel_loop3A_463 : i32
          %parallel_loop3A_465 = arith.constant 0 : i32
          %parallel_loop3A_466 = arith.cmpi slt, %parallel_loop3A_459, %parallel_loop3A_465 : i32
          %parallel_loop3A_467 = arith.xori %parallel_loop3A_464, %parallel_loop3A_466 : i1
          %parallel_loop3A_468 = arith.andi %parallel_loop3A_467, %parallel_loop3A_462 : i1
          %parallel_loop3A_469 = arith.addi %parallel_loop3A_460, %parallel_loop3A_459 : i32
          %parallel_loop3A_470 = arith.select %parallel_loop3A_468, %parallel_loop3A_469, %parallel_loop3A_460 : i32
          %parallel_loop3A_471 = arith.constant 4 : i32
          %parallel_loop3A_472 = arith.muli %parallel_loop3A_471, %parallel_loop3A_470 : i32
          %parallel_loop3A_473 = arith.constant 0 : i32
          %parallel_loop3A_474 = arith.addi %parallel_loop3A_472, %parallel_loop3A_473 : i32
          %parallel_loop3A_475 = vector.broadcast %parallel_loop3A_474 : i32 to vector<16x1xi32>
          %parallel_loop3A_476 = vector.shape_cast %parallel_loop3A_475 : vector<16x1xi32> to vector<16xi32>
          %parallel_loop3A_477 = tpu.dynamic_gather %parallel_loop3A_454[%parallel_loop3A_476] in [0] : vector<16xf32>, vector<16xi32> -> vector<16xf32>
          %parallel_loop3A_478 = arith.constant 4 : i32
          %parallel_loop3A_479 = arith.muli %parallel_loop3A_478, %parallel_loop3A_470 : i32
          %parallel_loop3A_480 = arith.constant 1 : i32
          %parallel_loop3A_481 = arith.addi %parallel_loop3A_479, %parallel_loop3A_480 : i32
          %parallel_loop3A_482 = vector.broadcast %parallel_loop3A_481 : i32 to vector<16x1xi32>
          %parallel_loop3A_483 = vector.shape_cast %parallel_loop3A_482 : vector<16x1xi32> to vector<16xi32>
          %parallel_loop3A_484 = tpu.dynamic_gather %parallel_loop3A_454[%parallel_loop3A_483] in [0] : vector<16xf32>, vector<16xi32> -> vector<16xf32>
          %parallel_loop3A_485 = arith.constant 4 : i32
          %parallel_loop3A_486 = arith.muli %parallel_loop3A_485, %parallel_loop3A_470 : i32
          %parallel_loop3A_487 = arith.constant 2 : i32
          %parallel_loop3A_488 = arith.addi %parallel_loop3A_486, %parallel_loop3A_487 : i32
          %parallel_loop3A_489 = vector.broadcast %parallel_loop3A_488 : i32 to vector<16x1xi32>
          %parallel_loop3A_490 = vector.shape_cast %parallel_loop3A_489 : vector<16x1xi32> to vector<16xi32>
          %parallel_loop3A_491 = tpu.dynamic_gather %parallel_loop3A_454[%parallel_loop3A_490] in [0] : vector<16xf32>, vector<16xi32> -> vector<16xf32>
          %parallel_loop3A_492 = arith.constant 4 : i32
          %parallel_loop3A_493 = arith.muli %parallel_loop3A_492, %parallel_loop3A_470 : i32
          %parallel_loop3A_494 = arith.constant 3 : i32
          %parallel_loop3A_495 = arith.addi %parallel_loop3A_493, %parallel_loop3A_494 : i32
          %parallel_loop3A_496 = vector.broadcast %parallel_loop3A_495 : i32 to vector<16x1xi32>
          %parallel_loop3A_497 = vector.shape_cast %parallel_loop3A_496 : vector<16x1xi32> to vector<16xi32>
          %parallel_loop3A_498 = tpu.dynamic_gather %parallel_loop3A_454[%parallel_loop3A_497] in [0] : vector<16xf32>, vector<16xi32> -> vector<16xf32>
          %parallel_loop3A_499 = arith.mulf %parallel_loop3A_477, %get3A_8 : vector<16xf32>
          %parallel_loop3A_500 = arith.mulf %parallel_loop3A_484, %get3A_48 : vector<16xf32>
          %parallel_loop3A_501 = arith.mulf %parallel_loop3A_491, %get3A_88 : vector<16xf32>
          %parallel_loop3A_502 = arith.mulf %parallel_loop3A_498, %get3A_128 : vector<16xf32>
          %parallel_loop3A_503 = arith.addf %parallel_loop3A_499, %parallel_loop3A_500 : vector<16xf32>
          %parallel_loop3A_504 = arith.addf %parallel_loop3A_501, %parallel_loop3A_502 : vector<16xf32>
          %parallel_loop3A_505 = arith.addf %parallel_loop3A_503, %parallel_loop3A_504 : vector<16xf32>
          %parallel_loop3A_506 = arith.constant 3 : i32
          %parallel_loop3A_507 = arith.index_cast %parallel_loop3A_506 : i32 to index
          %parallel_loop3A_508 = arith.index_cast %parallel_loop3A_423 : i32 to index
          %parallel_loop3A_509 = arith.constant 0 : index
          %parallel_loop3A_510 = tpu.vector_load %arg9[%parallel_loop3A_507, %parallel_loop3A_508, %parallel_loop3A_509] {strides = array<i32>} : memref<4x128x128xf32, #tpu.memory_space<vmem>>, vector<1x1x16xf32>,
          %parallel_loop3A_511 = vector.shape_cast %parallel_loop3A_510 : vector<1x1x16xf32> to vector<16xf32>
          %parallel_loop3A_512 = vector.shape_cast %parallel_loop3A_505 : vector<16xf32> to vector<1x1x16xf32>
          tpu.vector_store %arg9[%parallel_loop3A_507, %parallel_loop3A_508, %parallel_loop3A_509], %parallel_loop3A_512 {strides = array<i32>} : memref<4x128x128xf32, #tpu.memory_space<vmem>>, vector<1x1x16xf32>,
          %parallel_loop3A_513 = arith.mulf %parallel_loop3A_477, %get3A_13 : vector<16xf32>
          %parallel_loop3A_514 = arith.mulf %parallel_loop3A_484, %get3A_53 : vector<16xf32>
          %parallel_loop3A_515 = arith.mulf %parallel_loop3A_491, %get3A_93 : vector<16xf32>
          %parallel_loop3A_516 = arith.mulf %parallel_loop3A_498, %get3A_133 : vector<16xf32>
          %parallel_loop3A_517 = arith.addf %parallel_loop3A_513, %parallel_loop3A_514 : vector<16xf32>
          %parallel_loop3A_518 = arith.addf %parallel_loop3A_515, %parallel_loop3A_516 : vector<16xf32>
          %parallel_loop3A_519 = arith.addf %parallel_loop3A_517, %parallel_loop3A_518 : vector<16xf32>
          %parallel_loop3A_520 = arith.constant 3 : i32
          %parallel_loop3A_521 = arith.index_cast %parallel_loop3A_520 : i32 to index
          %parallel_loop3A_522 = arith.index_cast %parallel_loop3A_423 : i32 to index
          %parallel_loop3A_523 = arith.constant 16 : index
          %parallel_loop3A_524 = tpu.vector_load %arg9[%parallel_loop3A_521, %parallel_loop3A_522, %parallel_loop3A_523] {strides = array<i32>} : memref<4x128x128xf32, #tpu.memory_space<vmem>>, vector<1x1x16xf32>,
          %parallel_loop3A_525 = vector.shape_cast %parallel_loop3A_524 : vector<1x1x16xf32> to vector<16xf32>
          %parallel_loop3A_526 = vector.shape_cast %parallel_loop3A_519 : vector<16xf32> to vector<1x1x16xf32>
          tpu.vector_store %arg9[%parallel_loop3A_521, %parallel_loop3A_522, %parallel_loop3A_523], %parallel_loop3A_526 {strides = array<i32>} : memref<4x128x128xf32, #tpu.memory_space<vmem>>, vector<1x1x16xf32>,
          %parallel_loop3A_527 = arith.mulf %parallel_loop3A_477, %get3A_18 : vector<16xf32>
          %parallel_loop3A_528 = arith.mulf %parallel_loop3A_484, %get3A_58 : vector<16xf32>
          %parallel_loop3A_529 = arith.mulf %parallel_loop3A_491, %get3A_98 : vector<16xf32>
          %parallel_loop3A_530 = arith.mulf %parallel_loop3A_498, %get3A_138 : vector<16xf32>
          %parallel_loop3A_531 = arith.addf %parallel_loop3A_527, %parallel_loop3A_528 : vector<16xf32>
          %parallel_loop3A_532 = arith.addf %parallel_loop3A_529, %parallel_loop3A_530 : vector<16xf32>
          %parallel_loop3A_533 = arith.addf %parallel_loop3A_531, %parallel_loop3A_532 : vector<16xf32>
          %parallel_loop3A_534 = arith.constant 3 : i32
          %parallel_loop3A_535 = arith.index_cast %parallel_loop3A_534 : i32 to index
          %parallel_loop3A_536 = arith.index_cast %parallel_loop3A_423 : i32 to index
          %parallel_loop3A_537 = arith.constant 32 : index
          %parallel_loop3A_538 = tpu.vector_load %arg9[%parallel_loop3A_535, %parallel_loop3A_536, %parallel_loop3A_537] {strides = array<i32>} : memref<4x128x128xf32, #tpu.memory_space<vmem>>, vector<1x1x16xf32>,
          %parallel_loop3A_539 = vector.shape_cast %parallel_loop3A_538 : vector<1x1x16xf32> to vector<16xf32>
          %parallel_loop3A_540 = vector.shape_cast %parallel_loop3A_533 : vector<16xf32> to vector<1x1x16xf32>
          tpu.vector_store %arg9[%parallel_loop3A_535, %parallel_loop3A_536, %parallel_loop3A_537], %parallel_loop3A_540 {strides = array<i32>} : memref<4x128x128xf32, #tpu.memory_space<vmem>>, vector<1x1x16xf32>,
          %parallel_loop3A_541 = arith.mulf %parallel_loop3A_477, %get3A_23 : vector<16xf32>
          %parallel_loop3A_542 = arith.mulf %parallel_loop3A_484, %get3A_63 : vector<16xf32>
          %parallel_loop3A_543 = arith.mulf %parallel_loop3A_491, %get3A_103 : vector<16xf32>
          %parallel_loop3A_544 = arith.mulf %parallel_loop3A_498, %get3A_143 : vector<16xf32>
          %parallel_loop3A_545 = arith.addf %parallel_loop3A_541, %parallel_loop3A_542 : vector<16xf32>
          %parallel_loop3A_546 = arith.addf %parallel_loop3A_543, %parallel_loop3A_544 : vector<16xf32>
          %parallel_loop3A_547 = arith.addf %parallel_loop3A_545, %parallel_loop3A_546 : vector<16xf32>
          %parallel_loop3A_548 = arith.constant 3 : i32
          %parallel_loop3A_549 = arith.index_cast %parallel_loop3A_548 : i32 to index
          %parallel_loop3A_550 = arith.index_cast %parallel_loop3A_423 : i32 to index
          %parallel_loop3A_551 = arith.constant 48 : index
          %parallel_loop3A_552 = tpu.vector_load %arg9[%parallel_loop3A_549, %parallel_loop3A_550, %parallel_loop3A_551] {strides = array<i32>} : memref<4x128x128xf32, #tpu.memory_space<vmem>>, vector<1x1x16xf32>,
          %parallel_loop3A_553 = vector.shape_cast %parallel_loop3A_552 : vector<1x1x16xf32> to vector<16xf32>
          %parallel_loop3A_554 = vector.shape_cast %parallel_loop3A_547 : vector<16xf32> to vector<1x1x16xf32>
          tpu.vector_store %arg9[%parallel_loop3A_549, %parallel_loop3A_550, %parallel_loop3A_551], %parallel_loop3A_554 {strides = array<i32>} : memref<4x128x128xf32, #tpu.memory_space<vmem>>, vector<1x1x16xf32>,
          %parallel_loop3A_555 = arith.mulf %parallel_loop3A_477, %get3A_28 : vector<16xf32>
          %parallel_loop3A_556 = arith.mulf %parallel_loop3A_484, %get3A_68 : vector<16xf32>
          %parallel_loop3A_557 = arith.mulf %parallel_loop3A_491, %get3A_108 : vector<16xf32>
          %parallel_loop3A_558 = arith.mulf %parallel_loop3A_498, %get3A_148 : vector<16xf32>
          %parallel_loop3A_559 = arith.addf %parallel_loop3A_555, %parallel_loop3A_556 : vector<16xf32>
          %parallel_loop3A_560 = arith.addf %parallel_loop3A_557, %parallel_loop3A_558 : vector<16xf32>
          %parallel_loop3A_561 = arith.addf %parallel_loop3A_559, %parallel_loop3A_560 : vector<16xf32>
          %parallel_loop3A_562 = arith.constant 3 : i32
          %parallel_loop3A_563 = arith.index_cast %parallel_loop3A_562 : i32 to index
          %parallel_loop3A_564 = arith.index_cast %parallel_loop3A_423 : i32 to index
          %parallel_loop3A_565 = arith.constant 64 : index
          %parallel_loop3A_566 = tpu.vector_load %arg9[%parallel_loop3A_563, %parallel_loop3A_564, %parallel_loop3A_565] {strides = array<i32>} : memref<4x128x128xf32, #tpu.memory_space<vmem>>, vector<1x1x16xf32>,
          %parallel_loop3A_567 = vector.shape_cast %parallel_loop3A_566 : vector<1x1x16xf32> to vector<16xf32>
          %parallel_loop3A_568 = vector.shape_cast %parallel_loop3A_561 : vector<16xf32> to vector<1x1x16xf32>
          tpu.vector_store %arg9[%parallel_loop3A_563, %parallel_loop3A_564, %parallel_loop3A_565], %parallel_loop3A_568 {strides = array<i32>} : memref<4x128x128xf32, #tpu.memory_space<vmem>>, vector<1x1x16xf32>,
          %parallel_loop3A_569 = arith.mulf %parallel_loop3A_477, %get3A_33 : vector<16xf32>
          %parallel_loop3A_570 = arith.mulf %parallel_loop3A_484, %get3A_73 : vector<16xf32>
          %parallel_loop3A_571 = arith.mulf %parallel_loop3A_491, %get3A_113 : vector<16xf32>
          %parallel_loop3A_572 = arith.mulf %parallel_loop3A_498, %get3A_153 : vector<16xf32>
          %parallel_loop3A_573 = arith.addf %parallel_loop3A_569, %parallel_loop3A_570 : vector<16xf32>
          %parallel_loop3A_574 = arith.addf %parallel_loop3A_571, %parallel_loop3A_572 : vector<16xf32>
          %parallel_loop3A_575 = arith.addf %parallel_loop3A_573, %parallel_loop3A_574 : vector<16xf32>
          %parallel_loop3A_576 = arith.constant 3 : i32
          %parallel_loop3A_577 = arith.index_cast %parallel_loop3A_576 : i32 to index
          %parallel_loop3A_578 = arith.index_cast %parallel_loop3A_423 : i32 to index
          %parallel_loop3A_579 = arith.constant 80 : index
          %parallel_loop3A_580 = tpu.vector_load %arg9[%parallel_loop3A_577, %parallel_loop3A_578, %parallel_loop3A_579] {strides = array<i32>} : memref<4x128x128xf32, #tpu.memory_space<vmem>>, vector<1x1x16xf32>,
          %parallel_loop3A_581 = vector.shape_cast %parallel_loop3A_580 : vector<1x1x16xf32> to vector<16xf32>
          %parallel_loop3A_582 = vector.shape_cast %parallel_loop3A_575 : vector<16xf32> to vector<1x1x16xf32>
          tpu.vector_store %arg9[%parallel_loop3A_577, %parallel_loop3A_578, %parallel_loop3A_579], %parallel_loop3A_582 {strides = array<i32>} : memref<4x128x128xf32, #tpu.memory_space<vmem>>, vector<1x1x16xf32>,
          %parallel_loop3A_583 = arith.mulf %parallel_loop3A_477, %get3A_38 : vector<16xf32>
          %parallel_loop3A_584 = arith.mulf %parallel_loop3A_484, %get3A_78 : vector<16xf32>
          %parallel_loop3A_585 = arith.mulf %parallel_loop3A_491, %get3A_118 : vector<16xf32>
          %parallel_loop3A_586 = arith.mulf %parallel_loop3A_498, %get3A_158 : vector<16xf32>
          %parallel_loop3A_587 = arith.addf %parallel_loop3A_583, %parallel_loop3A_584 : vector<16xf32>
          %parallel_loop3A_588 = arith.addf %parallel_loop3A_585, %parallel_loop3A_586 : vector<16xf32>
          %parallel_loop3A_589 = arith.addf %parallel_loop3A_587, %parallel_loop3A_588 : vector<16xf32>
          %parallel_loop3A_590 = arith.constant 3 : i32
          %parallel_loop3A_591 = arith.index_cast %parallel_loop3A_590 : i32 to index
          %parallel_loop3A_592 = arith.index_cast %parallel_loop3A_423 : i32 to index
          %parallel_loop3A_593 = arith.constant 96 : index
          %parallel_loop3A_594 = tpu.vector_load %arg9[%parallel_loop3A_591, %parallel_loop3A_592, %parallel_loop3A_593] {strides = array<i32>} : memref<4x128x128xf32, #tpu.memory_space<vmem>>, vector<1x1x16xf32>,
          %parallel_loop3A_595 = vector.shape_cast %parallel_loop3A_594 : vector<1x1x16xf32> to vector<16xf32>
          %parallel_loop3A_596 = vector.shape_cast %parallel_loop3A_589 : vector<16xf32> to vector<1x1x16xf32>
          tpu.vector_store %arg9[%parallel_loop3A_591, %parallel_loop3A_592, %parallel_loop3A_593], %parallel_loop3A_596 {strides = array<i32>} : memref<4x128x128xf32, #tpu.memory_space<vmem>>, vector<1x1x16xf32>,
          %parallel_loop3A_597 = arith.mulf %parallel_loop3A_477, %get3A_43 : vector<16xf32>
          %parallel_loop3A_598 = arith.mulf %parallel_loop3A_484, %get3A_83 : vector<16xf32>
          %parallel_loop3A_599 = arith.mulf %parallel_loop3A_491, %get3A_123 : vector<16xf32>
          %parallel_loop3A_600 = arith.mulf %parallel_loop3A_498, %get3A_163 : vector<16xf32>
          %parallel_loop3A_601 = arith.addf %parallel_loop3A_597, %parallel_loop3A_598 : vector<16xf32>
          %parallel_loop3A_602 = arith.addf %parallel_loop3A_599, %parallel_loop3A_600 : vector<16xf32>
          %parallel_loop3A_603 = arith.addf %parallel_loop3A_601, %parallel_loop3A_602 : vector<16xf32>
          %parallel_loop3A_604 = arith.constant 3 : i32
          %parallel_loop3A_605 = arith.index_cast %parallel_loop3A_604 : i32 to index
          %parallel_loop3A_606 = arith.index_cast %parallel_loop3A_423 : i32 to index
          %parallel_loop3A_607 = arith.constant 112 : index
          %parallel_loop3A_608 = tpu.vector_load %arg9[%parallel_loop3A_605, %parallel_loop3A_606, %parallel_loop3A_607] {strides = array<i32>} : memref<4x128x128xf32, #tpu.memory_space<vmem>>, vector<1x1x16xf32>,
          %parallel_loop3A_609 = vector.shape_cast %parallel_loop3A_608 : vector<1x1x16xf32> to vector<16xf32>
          %parallel_loop3A_610 = vector.shape_cast %parallel_loop3A_603 : vector<16xf32> to vector<1x1x16xf32>
          tpu.vector_store %arg9[%parallel_loop3A_605, %parallel_loop3A_606, %parallel_loop3A_607], %parallel_loop3A_610 {strides = array<i32>} : memref<4x128x128xf32, #tpu.memory_space<vmem>>, vector<1x1x16xf32>,
        } {sc.loop_unroll_factor = 1 : i64, sc.parallel_access}
        %dma_start3A_411 = arith.constant 3 : i32
        %dma_start3A_412 = arith.constant 3 : i32
        %dma_start3A_413 = arith.constant 0 : i32
        %dma_start3A_414 = arith.constant 0 : i32
        %dma_start3A_415 = tpu.memref_slice %arg9[%dma_start3A_412, %dma_start3A_413, %dma_start3A_414] : memref<4x128x128xf32, #tpu.memory_space<vmem>> -> memref<1x128x128xf32, #tpu.memory_space<vmem>>
        %dma_start3A_416 = tpu.memref_squeeze %dma_start3A_415 : memref<1x128x128xf32, #tpu.memory_space<vmem>> -> memref<128x128xf32, #tpu.memory_space<vmem>>
        %dma_start3A_417 = arith.constant 0 : i32
        %dma_start3A_418 = tpu.memref_slice %arg7[%dma_start3A_411, %dma_start3A_417] : memref<4x128xi32, #tpu.memory_space<vmem>> -> memref<1x128xi32, #tpu.memory_space<vmem>>
        %dma_start3A_419 = tpu.memref_squeeze %dma_start3A_418 : memref<1x128xi32, #tpu.memory_space<vmem>> -> memref<128xi32, #tpu.memory_space<vmem>>
        %dma_start3A_420 = arith.constant 0 : i32
        %dma_start3A_421 = arith.constant 0 : i32
        %dma_start3A_422 = tpu.memref_slice %arg11[%dma_start3A_420, %dma_start3A_421] : memref<1000x128xf32, #tpu.memory_space<vmem_shared>> -> memref<1000x128xf32, #tpu.memory_space<vmem_shared>>
        tpu.enqueue_indirect_dma source(%dma_start3A_422 : memref<1000x128xf32, #tpu.memory_space<vmem_shared>>) target(%dma_start3A_416 : memref<128x128xf32, #tpu.memory_space<vmem>>) offsets(%dma_start3A_419 : memref<128xi32, #tpu.memory_space<vmem>>) semaphore(%arg15 : memref<!tpu.dma_semaphore, #tpu.memory_space<semaphore_mem>>) {add = true}
      } else {
      }
      %lt3A_356 = arith.constant 50 : i32
      %lt3A_357 = arith.cmpi slt, %add3A_341, %lt3A_356 : i32
      %convert_element_type3A_358 = arith.extui %lt3A_357 : i1 to i32
      %cond3A_359 = arith.constant 0 : i32
      %cond3A_360 = arith.cmpi ne, %convert_element_type3A_358, %cond3A_359 : i32
      scf.if %cond3A_360 {
        %dma_wait3A_382 = arith.constant 2 : i32
        %dma_wait3A_383 = arith.constant 2 : i32
        %dma_wait3A_384 = arith.constant 0 : i32
        %dma_wait3A_385 = arith.constant 0 : i32
        %dma_wait3A_386 = tpu.memref_slice %arg9[%dma_wait3A_383, %dma_wait3A_384, %dma_wait3A_385] : memref<4x128x128xf32, #tpu.memory_space<vmem>> -> memref<1x128x128xf32, #tpu.memory_space<vmem>>
        %dma_wait3A_387 = tpu.memref_squeeze %dma_wait3A_386 : memref<1x128x128xf32, #tpu.memory_space<vmem>> -> memref<128x128xf32, #tpu.memory_space<vmem>>
        %dma_wait3A_388 = arith.constant 0 : i32
        %dma_wait3A_389 = tpu.memref_slice %arg7[%dma_wait3A_382, %dma_wait3A_388] : memref<4x128xi32, #tpu.memory_space<vmem>> -> memref<1x128xi32, #tpu.memory_space<vmem>>
        %dma_wait3A_390 = tpu.memref_squeeze %dma_wait3A_389 : memref<1x128xi32, #tpu.memory_space<vmem>> -> memref<128xi32, #tpu.memory_space<vmem>>
        %dma_wait3A_391 = arith.constant 0 : i32
        %dma_wait3A_392 = arith.constant 0 : i32
        %dma_wait3A_393 = tpu.memref_slice %arg11[%dma_wait3A_391, %dma_wait3A_392] : memref<1000x128xf32, #tpu.memory_space<vmem_shared>> -> memref<1000x128xf32, #tpu.memory_space<vmem_shared>>
        tpu.wait_indirect_dma semaphore(%arg14 : memref<!tpu.dma_semaphore, #tpu.memory_space<semaphore_mem>>) src(%dma_wait3A_393 : memref<1000x128xf32, #tpu.memory_space<vmem_shared>>) dst(%dma_wait3A_387 : memref<128x128xf32, #tpu.memory_space<vmem>>)
        %mul3A_394 = arith.constant 128 : i32
        %mul3A_395 = arith.muli %add3A_341, %mul3A_394 : i32
        %add3A_396 = arith.addi %mul3A_2, %mul3A_395 : i32
        %dma_start3A_397 = arith.constant 2 : i32
        %dma_start3A_398 = arith.constant 0 : i32
        %dma_start3A_399 = arith.constant 0 : i32
        %dma_start3A_400 = tpu.memref_slice %arg9[%dma_start3A_397, %dma_start3A_398, %dma_start3A_399] : memref<4x128x128xf32, #tpu.memory_space<vmem>> -> memref<1x128x128xf32, #tpu.memory_space<vmem>>
        %dma_start3A_401 = tpu.memref_squeeze %dma_start3A_400 : memref<1x128x128xf32, #tpu.memory_space<vmem>> -> memref<128x128xf32, #tpu.memory_space<vmem>>
        %dma_start3A_402 = arith.constant 0 : i32
        %dma_start3A_403 = tpu.memref_slice %arg6[%add3A_396, %dma_start3A_402] : memref<204800x128xf32, #tpu.memory_space<hbm>> -> memref<128x128xf32, #tpu.memory_space<hbm>>
        %dma_start3A_404 = arith.constant 0 : i32
        %dma_start3A_405 = tpu.memref_slice %arg6[%add3A_396, %dma_start3A_404] : memref<204800x128xf32, #tpu.memory_space<hbm>> -> memref<128x128xf32, #tpu.memory_space<hbm>>
        %dma_start3A_406 = arith.constant 0 : i32
        %dma_start3A_407 = arith.constant 0 : i32
        %dma_start3A_408 = tpu.memref_slice %arg9[%dma_start3A_397, %dma_start3A_406, %dma_start3A_407] : memref<4x128x128xf32, #tpu.memory_space<vmem>> -> memref<1x128x128xf32, #tpu.memory_space<vmem>>
        %dma_start3A_409 = tpu.memref_squeeze %dma_start3A_408 : memref<1x128x128xf32, #tpu.memory_space<vmem>> -> memref<128x128xf32, #tpu.memory_space<vmem>>
        tpu.enqueue_dma source(%dma_start3A_409 : memref<128x128xf32, #tpu.memory_space<vmem>>) target(%dma_start3A_405 : memref<128x128xf32, #tpu.memory_space<hbm>>) target_semaphore(%arg18 : memref<!tpu.dma_semaphore, #tpu.memory_space<semaphore_mem>>)
      } else {
      }
      %add3A_361 = arith.constant 3 : i32
      %add3A_362 = arith.addi %add3A_298, %add3A_361 : i32
      %add3A_363 = arith.constant 2 : i32
      %add3A_364 = arith.addi %add3A_362, %add3A_363 : i32
      %lt3A_365 = arith.constant 50 : i32
      %lt3A_366 = arith.cmpi slt, %add3A_364, %lt3A_365 : i32
      %convert_element_type3A_367 = arith.extui %lt3A_366 : i1 to i32
      %cond3A_368 = arith.constant 0 : i32
      %cond3A_369 = arith.cmpi ne, %convert_element_type3A_367, %cond3A_368 : i32
      scf.if %cond3A_369 {
        %add3A_382 = arith.constant 2 : i32
        %add3A_383 = arith.addi %add3A_362, %add3A_382 : i32
        %mul3A_384 = arith.constant 128 : i32
        %mul3A_385 = arith.muli %add3A_383, %mul3A_384 : i32
        %add3A_386 = arith.addi %mul3A_2, %mul3A_385 : i32
        %dma_start3A_387 = arith.constant 1 : i32
        %dma_start3A_388 = arith.constant 0 : i32
        %dma_start3A_389 = tpu.memref_slice %arg7[%dma_start3A_387, %dma_start3A_388] : memref<4x128xi32, #tpu.memory_space<vmem>> -> memref<1x128xi32, #tpu.memory_space<vmem>>
        %dma_start3A_390 = tpu.memref_squeeze %dma_start3A_389 : memref<1x128xi32, #tpu.memory_space<vmem>> -> memref<128xi32, #tpu.memory_space<vmem>>
        %dma_start3A_391 = tpu.memref_slice %arg2[%add3A_386] : memref<204800xi32, #tpu.memory_space<hbm>> -> memref<128xi32, #tpu.memory_space<hbm>>
        %dma_start3A_392 = arith.constant 0 : i32
        %dma_start3A_393 = tpu.memref_slice %arg7[%dma_start3A_387, %dma_start3A_392] : memref<4x128xi32, #tpu.memory_space<vmem>> -> memref<1x128xi32, #tpu.memory_space<vmem>>
        %dma_start3A_394 = tpu.memref_squeeze %dma_start3A_393 : memref<1x128xi32, #tpu.memory_space<vmem>> -> memref<128xi32, #tpu.memory_space<vmem>>
        %dma_start3A_395 = tpu.memref_slice %arg2[%add3A_386] : memref<204800xi32, #tpu.memory_space<hbm>> -> memref<128xi32, #tpu.memory_space<hbm>>
        tpu.enqueue_dma source(%dma_start3A_395 : memref<128xi32, #tpu.memory_space<hbm>>) target(%dma_start3A_394 : memref<128xi32, #tpu.memory_space<vmem>>) target_semaphore(%arg21 : memref<!tpu.dma_semaphore, #tpu.memory_space<semaphore_mem>>)
        %mul3A_396 = arith.constant 4 : i32
        %mul3A_397 = arith.muli %add3A_386, %mul3A_396 : i32
        %dma_start3A_398 = arith.constant 1 : i32
        %dma_start3A_399 = arith.constant 0 : i32
        %dma_start3A_400 = tpu.memref_slice %arg8[%dma_start3A_398, %dma_start3A_399] : memref<4x512xf32, #tpu.memory_space<vmem>> -> memref<1x512xf32, #tpu.memory_space<vmem>>
        %dma_start3A_401 = tpu.memref_squeeze %dma_start3A_400 : memref<1x512xf32, #tpu.memory_space<vmem>> -> memref<512xf32, #tpu.memory_space<vmem>>
        %dma_start3A_402 = tpu.memref_slice %arg3[%mul3A_397] : memref<819200xf32, #tpu.memory_space<hbm>> -> memref<512xf32, #tpu.memory_space<hbm>>
        %dma_start3A_403 = arith.constant 0 : i32
        %dma_start3A_404 = tpu.memref_slice %arg8[%dma_start3A_398, %dma_start3A_403] : memref<4x512xf32, #tpu.memory_space<vmem>> -> memref<1x512xf32, #tpu.memory_space<vmem>>
        %dma_start3A_405 = tpu.memref_squeeze %dma_start3A_404 : memref<1x512xf32, #tpu.memory_space<vmem>> -> memref<512xf32, #tpu.memory_space<vmem>>
        %dma_start3A_406 = tpu.memref_slice %arg3[%mul3A_397] : memref<819200xf32, #tpu.memory_space<hbm>> -> memref<512xf32, #tpu.memory_space<hbm>>
        tpu.enqueue_dma source(%dma_start3A_406 : memref<512xf32, #tpu.memory_space<hbm>>) target(%dma_start3A_405 : memref<512xf32, #tpu.memory_space<vmem>>) target_semaphore(%arg21 : memref<!tpu.dma_semaphore, #tpu.memory_space<semaphore_mem>>)
      } else {
      }
      %add3A_370 = arith.constant 1 : i32
      %add3A_371 = arith.addi %add3A_362, %add3A_370 : i32
      %lt3A_372 = arith.constant 50 : i32
      %lt3A_373 = arith.cmpi slt, %add3A_371, %lt3A_372 : i32
      %convert_element_type3A_374 = arith.extui %lt3A_373 : i1 to i32
      %cond3A_375 = arith.constant 0 : i32
      %cond3A_376 = arith.cmpi ne, %convert_element_type3A_374, %cond3A_375 : i32
      scf.if %cond3A_376 {
        %add3A_382 = arith.constant 1 : i32
        %add3A_383 = arith.addi %add3A_362, %add3A_382 : i32
        %ge3A = arith.constant 4 : i32
        %ge3A_384 = arith.cmpi sge, %add3A_383, %ge3A : i32
        %convert_element_type3A_385 = arith.extui %ge3A_384 : i1 to i32
        %cond3A_386 = arith.constant 0 : i32
        %cond3A_387 = arith.cmpi ne, %convert_element_type3A_385, %cond3A_386 : i32
        scf.if %cond3A_387 {
          %dma_wait3A_423 = arith.constant 0 : i32
          %dma_wait3A_424 = arith.constant 0 : i32
          %dma_wait3A_425 = arith.constant 0 : i32
          %dma_wait3A_426 = tpu.memref_slice %arg9[%dma_wait3A_423, %dma_wait3A_424, %dma_wait3A_425] : memref<4x128x128xf32, #tpu.memory_space<vmem>> -> memref<1x128x128xf32, #tpu.memory_space<vmem>>
          %dma_wait3A_427 = tpu.memref_squeeze %dma_wait3A_426 : memref<1x128x128xf32, #tpu.memory_space<vmem>> -> memref<128x128xf32, #tpu.memory_space<vmem>>
          %dma_wait3A_428 = arith.constant 0 : i32
          %dma_wait3A_429 = tpu.memref_slice %arg6[%mul3A_2, %dma_wait3A_428] : memref<204800x128xf32, #tpu.memory_space<hbm>> -> memref<128x128xf32, #tpu.memory_space<hbm>>
          %dma_wait3A_430 = arith.constant 0 : i32
          %dma_wait3A_431 = tpu.memref_slice %arg6[%mul3A_2, %dma_wait3A_430] : memref<204800x128xf32, #tpu.memory_space<hbm>> -> memref<128x128xf32, #tpu.memory_space<hbm>>
          %dma_wait3A_432 = arith.constant 0 : i32
          %dma_wait3A_433 = arith.constant 0 : i32
          %dma_wait3A_434 = tpu.memref_slice %arg9[%dma_wait3A_423, %dma_wait3A_432, %dma_wait3A_433] : memref<4x128x128xf32, #tpu.memory_space<vmem>> -> memref<1x128x128xf32, #tpu.memory_space<vmem>>
          %dma_wait3A_435 = tpu.memref_squeeze %dma_wait3A_434 : memref<1x128x128xf32, #tpu.memory_space<vmem>> -> memref<128x128xf32, #tpu.memory_space<vmem>>
          tpu.wait_dma2 semaphore(%arg16 : memref<!tpu.dma_semaphore, #tpu.memory_space<semaphore_mem>>) src(%dma_wait3A_435 : memref<128x128xf32, #tpu.memory_space<vmem>>) dst(%dma_wait3A_431 : memref<128x128xf32, #tpu.memory_space<hbm>>)
        } else {
        }
        %add3A_388 = arith.constant 1 : i32
        %add3A_389 = arith.addi %add3A_362, %add3A_388 : i32
        %dma_wait3A_390 = arith.constant 0 : i32
        %dma_wait3A_391 = arith.constant 0 : i32
        %dma_wait3A_392 = tpu.memref_slice %arg7[%dma_wait3A_390, %dma_wait3A_391] : memref<4x128xi32, #tpu.memory_space<vmem>> -> memref<1x128xi32, #tpu.memory_space<vmem>>
        %dma_wait3A_393 = tpu.memref_squeeze %dma_wait3A_392 : memref<1x128xi32, #tpu.memory_space<vmem>> -> memref<128xi32, #tpu.memory_space<vmem>>
        %dma_wait3A_394 = tpu.memref_slice %arg2[%mul3A_2] : memref<204800xi32, #tpu.memory_space<hbm>> -> memref<128xi32, #tpu.memory_space<hbm>>
        %dma_wait3A_395 = arith.constant 0 : i32
        %dma_wait3A_396 = tpu.memref_slice %arg7[%dma_wait3A_390, %dma_wait3A_395] : memref<4x128xi32, #tpu.memory_space<vmem>> -> memref<1x128xi32, #tpu.memory_space<vmem>>
        %dma_wait3A_397 = tpu.memref_squeeze %dma_wait3A_396 : memref<1x128xi32, #tpu.memory_space<vmem>> -> memref<128xi32, #tpu.memory_space<vmem>>
        %dma_wait3A_398 = tpu.memref_slice %arg2[%mul3A_2] : memref<204800xi32, #tpu.memory_space<hbm>> -> memref<128xi32, #tpu.memory_space<hbm>>
        tpu.wait_dma2 semaphore(%arg20 : memref<!tpu.dma_semaphore, #tpu.memory_space<semaphore_mem>>) src(%dma_wait3A_398 : memref<128xi32, #tpu.memory_space<hbm>>) dst(%dma_wait3A_397 : memref<128xi32, #tpu.memory_space<vmem>>)
        %dma_wait3A_399 = arith.constant 0 : i32
        %dma_wait3A_400 = arith.constant 0 : i32
        %dma_wait3A_401 = tpu.memref_slice %arg8[%dma_wait3A_399, %dma_wait3A_400] : memref<4x512xf32, #tpu.memory_space<vmem>> -> memref<1x512xf32, #tpu.memory_space<vmem>>
        %dma_wait3A_402 = tpu.memref_squeeze %dma_wait3A_401 : memref<1x512xf32, #tpu.memory_space<vmem>> -> memref<512xf32, #tpu.memory_space<vmem>>
        %dma_wait3A_403 = tpu.memref_slice %arg3[%mul3A_2] : memref<819200xf32, #tpu.memory_space<hbm>> -> memref<512xf32, #tpu.memory_space<hbm>>
        %dma_wait3A_404 = arith.constant 0 : i32
        %dma_wait3A_405 = tpu.memref_slice %arg8[%dma_wait3A_399, %dma_wait3A_404] : memref<4x512xf32, #tpu.memory_space<vmem>> -> memref<1x512xf32, #tpu.memory_space<vmem>>
        %dma_wait3A_406 = tpu.memref_squeeze %dma_wait3A_405 : memref<1x512xf32, #tpu.memory_space<vmem>> -> memref<512xf32, #tpu.memory_space<vmem>>
        %dma_wait3A_407 = tpu.memref_slice %arg3[%mul3A_2] : memref<819200xf32, #tpu.memory_space<hbm>> -> memref<512xf32, #tpu.memory_space<hbm>>
        tpu.wait_dma2 semaphore(%arg20 : memref<!tpu.dma_semaphore, #tpu.memory_space<semaphore_mem>>) src(%dma_wait3A_407 : memref<512xf32, #tpu.memory_space<hbm>>) dst(%dma_wait3A_406 : memref<512xf32, #tpu.memory_space<vmem>>)
        %parallel_loop3A_408 = arith.constant 0 : i32
        %parallel_loop3A_409 = arith.constant 128 : i32
        %parallel_loop3A_410 = arith.constant 1 : i32
        scf.for %parallel_loop3A_423 = %parallel_loop3A_408 to %parallel_loop3A_409 step %parallel_loop3A_410  : i32 {
          %parallel_loop3A_424 = arith.constant 4 : i32
          %parallel_loop3A_425 = arith.divsi %parallel_loop3A_423, %parallel_loop3A_424 : i32
          %parallel_loop3A_426 = arith.constant 0 : i32
          %parallel_loop3A_427 = arith.cmpi sgt, %parallel_loop3A_423, %parallel_loop3A_426 : i32
          %parallel_loop3A_428 = arith.extui %parallel_loop3A_427 : i1 to i32
          %parallel_loop3A_429 = arith.constant 0 : i32
          %parallel_loop3A_430 = arith.cmpi slt, %parallel_loop3A_423, %parallel_loop3A_429 : i32
          %parallel_loop3A_431 = arith.extui %parallel_loop3A_430 : i1 to i32
          %parallel_loop3A_432 = arith.subi %parallel_loop3A_428, %parallel_loop3A_431 : i32
          %parallel_loop3A_433 = arith.constant 0 : i32
          %parallel_loop3A_434 = arith.cmpi sgt, %parallel_loop3A_424, %parallel_loop3A_433 : i32
          %parallel_loop3A_435 = arith.extui %parallel_loop3A_434 : i1 to i32
          %parallel_loop3A_436 = arith.constant 0 : i32
          %parallel_loop3A_437 = arith.cmpi slt, %parallel_loop3A_424, %parallel_loop3A_436 : i32
          %parallel_loop3A_438 = arith.extui %parallel_loop3A_437 : i1 to i32
          %parallel_loop3A_439 = arith.subi %parallel_loop3A_435, %parallel_loop3A_438 : i32
          %parallel_loop3A_440 = arith.cmpi ne, %parallel_loop3A_432, %parallel_loop3A_439 : i32
          %parallel_loop3A_441 = arith.remsi %parallel_loop3A_423, %parallel_loop3A_424 : i32
          %parallel_loop3A_442 = arith.constant 0 : i32
          %parallel_loop3A_443 = arith.cmpi ne, %parallel_loop3A_441, %parallel_loop3A_442 : i32
          %parallel_loop3A_444 = arith.andi %parallel_loop3A_440, %parallel_loop3A_443 : i1
          %parallel_loop3A_445 = arith.constant 1 : i32
          %parallel_loop3A_446 = arith.subi %parallel_loop3A_425, %parallel_loop3A_445 : i32
          %parallel_loop3A_447 = arith.select %parallel_loop3A_444, %parallel_loop3A_446, %parallel_loop3A_425 : i32
          %parallel_loop3A_448 = arith.constant 16 : i32
          %parallel_loop3A_449 = arith.muli %parallel_loop3A_448, %parallel_loop3A_447 : i32
          %parallel_loop3A_450 = arith.constant 0 : i32
          %parallel_loop3A_451 = arith.index_cast %parallel_loop3A_450 : i32 to index
          %parallel_loop3A_452 = arith.index_cast %parallel_loop3A_449 : i32 to index
          %parallel_loop3A_453 = tpu.vector_load %arg8[%parallel_loop3A_451, %parallel_loop3A_452] {strides = array<i32>} : memref<4x512xf32, #tpu.memory_space<vmem>>, vector<1x16xf32>,
          %parallel_loop3A_454 = vector.shape_cast %parallel_loop3A_453 : vector<1x16xf32> to vector<16xf32>
          %parallel_loop3A_455 = arith.constant 4 : i32
          %parallel_loop3A_456 = arith.constant 0 : i32
          %parallel_loop3A_457 = arith.cmpi eq, %parallel_loop3A_455, %parallel_loop3A_456 : i32
          %parallel_loop3A_458 = arith.constant 1 : i32
          %parallel_loop3A_459 = arith.select %parallel_loop3A_457, %parallel_loop3A_458, %parallel_loop3A_455 : i32
          %parallel_loop3A_460 = arith.remsi %parallel_loop3A_423, %parallel_loop3A_459 : i32
          %parallel_loop3A_461 = arith.constant 0 : i32
          %parallel_loop3A_462 = arith.cmpi ne, %parallel_loop3A_460, %parallel_loop3A_461 : i32
          %parallel_loop3A_463 = arith.constant 0 : i32
          %parallel_loop3A_464 = arith.cmpi slt, %parallel_loop3A_460, %parallel_loop3A_463 : i32
          %parallel_loop3A_465 = arith.constant 0 : i32
          %parallel_loop3A_466 = arith.cmpi slt, %parallel_loop3A_459, %parallel_loop3A_465 : i32
          %parallel_loop3A_467 = arith.xori %parallel_loop3A_464, %parallel_loop3A_466 : i1
          %parallel_loop3A_468 = arith.andi %parallel_loop3A_467, %parallel_loop3A_462 : i1
          %parallel_loop3A_469 = arith.addi %parallel_loop3A_460, %parallel_loop3A_459 : i32
          %parallel_loop3A_470 = arith.select %parallel_loop3A_468, %parallel_loop3A_469, %parallel_loop3A_460 : i32
          %parallel_loop3A_471 = arith.constant 4 : i32
          %parallel_loop3A_472 = arith.muli %parallel_loop3A_471, %parallel_loop3A_470 : i32
          %parallel_loop3A_473 = arith.constant 0 : i32
          %parallel_loop3A_474 = arith.addi %parallel_loop3A_472, %parallel_loop3A_473 : i32
          %parallel_loop3A_475 = vector.broadcast %parallel_loop3A_474 : i32 to vector<16x1xi32>
          %parallel_loop3A_476 = vector.shape_cast %parallel_loop3A_475 : vector<16x1xi32> to vector<16xi32>
          %parallel_loop3A_477 = tpu.dynamic_gather %parallel_loop3A_454[%parallel_loop3A_476] in [0] : vector<16xf32>, vector<16xi32> -> vector<16xf32>
          %parallel_loop3A_478 = arith.constant 4 : i32
          %parallel_loop3A_479 = arith.muli %parallel_loop3A_478, %parallel_loop3A_470 : i32
          %parallel_loop3A_480 = arith.constant 1 : i32
          %parallel_loop3A_481 = arith.addi %parallel_loop3A_479, %parallel_loop3A_480 : i32
          %parallel_loop3A_482 = vector.broadcast %parallel_loop3A_481 : i32 to vector<16x1xi32>
          %parallel_loop3A_483 = vector.shape_cast %parallel_loop3A_482 : vector<16x1xi32> to vector<16xi32>
          %parallel_loop3A_484 = tpu.dynamic_gather %parallel_loop3A_454[%parallel_loop3A_483] in [0] : vector<16xf32>, vector<16xi32> -> vector<16xf32>
          %parallel_loop3A_485 = arith.constant 4 : i32
          %parallel_loop3A_486 = arith.muli %parallel_loop3A_485, %parallel_loop3A_470 : i32
          %parallel_loop3A_487 = arith.constant 2 : i32
          %parallel_loop3A_488 = arith.addi %parallel_loop3A_486, %parallel_loop3A_487 : i32
          %parallel_loop3A_489 = vector.broadcast %parallel_loop3A_488 : i32 to vector<16x1xi32>
          %parallel_loop3A_490 = vector.shape_cast %parallel_loop3A_489 : vector<16x1xi32> to vector<16xi32>
          %parallel_loop3A_491 = tpu.dynamic_gather %parallel_loop3A_454[%parallel_loop3A_490] in [0] : vector<16xf32>, vector<16xi32> -> vector<16xf32>
          %parallel_loop3A_492 = arith.constant 4 : i32
          %parallel_loop3A_493 = arith.muli %parallel_loop3A_492, %parallel_loop3A_470 : i32
          %parallel_loop3A_494 = arith.constant 3 : i32
          %parallel_loop3A_495 = arith.addi %parallel_loop3A_493, %parallel_loop3A_494 : i32
          %parallel_loop3A_496 = vector.broadcast %parallel_loop3A_495 : i32 to vector<16x1xi32>
          %parallel_loop3A_497 = vector.shape_cast %parallel_loop3A_496 : vector<16x1xi32> to vector<16xi32>
          %parallel_loop3A_498 = tpu.dynamic_gather %parallel_loop3A_454[%parallel_loop3A_497] in [0] : vector<16xf32>, vector<16xi32> -> vector<16xf32>
          %parallel_loop3A_499 = arith.mulf %parallel_loop3A_477, %get3A_8 : vector<16xf32>
          %parallel_loop3A_500 = arith.mulf %parallel_loop3A_484, %get3A_48 : vector<16xf32>
          %parallel_loop3A_501 = arith.mulf %parallel_loop3A_491, %get3A_88 : vector<16xf32>
          %parallel_loop3A_502 = arith.mulf %parallel_loop3A_498, %get3A_128 : vector<16xf32>
          %parallel_loop3A_503 = arith.addf %parallel_loop3A_499, %parallel_loop3A_500 : vector<16xf32>
          %parallel_loop3A_504 = arith.addf %parallel_loop3A_501, %parallel_loop3A_502 : vector<16xf32>
          %parallel_loop3A_505 = arith.addf %parallel_loop3A_503, %parallel_loop3A_504 : vector<16xf32>
          %parallel_loop3A_506 = arith.constant 0 : i32
          %parallel_loop3A_507 = arith.index_cast %parallel_loop3A_506 : i32 to index
          %parallel_loop3A_508 = arith.index_cast %parallel_loop3A_423 : i32 to index
          %parallel_loop3A_509 = arith.constant 0 : index
          %parallel_loop3A_510 = tpu.vector_load %arg9[%parallel_loop3A_507, %parallel_loop3A_508, %parallel_loop3A_509] {strides = array<i32>} : memref<4x128x128xf32, #tpu.memory_space<vmem>>, vector<1x1x16xf32>,
          %parallel_loop3A_511 = vector.shape_cast %parallel_loop3A_510 : vector<1x1x16xf32> to vector<16xf32>
          %parallel_loop3A_512 = vector.shape_cast %parallel_loop3A_505 : vector<16xf32> to vector<1x1x16xf32>
          tpu.vector_store %arg9[%parallel_loop3A_507, %parallel_loop3A_508, %parallel_loop3A_509], %parallel_loop3A_512 {strides = array<i32>} : memref<4x128x128xf32, #tpu.memory_space<vmem>>, vector<1x1x16xf32>,
          %parallel_loop3A_513 = arith.mulf %parallel_loop3A_477, %get3A_13 : vector<16xf32>
          %parallel_loop3A_514 = arith.mulf %parallel_loop3A_484, %get3A_53 : vector<16xf32>
          %parallel_loop3A_515 = arith.mulf %parallel_loop3A_491, %get3A_93 : vector<16xf32>
          %parallel_loop3A_516 = arith.mulf %parallel_loop3A_498, %get3A_133 : vector<16xf32>
          %parallel_loop3A_517 = arith.addf %parallel_loop3A_513, %parallel_loop3A_514 : vector<16xf32>
          %parallel_loop3A_518 = arith.addf %parallel_loop3A_515, %parallel_loop3A_516 : vector<16xf32>
          %parallel_loop3A_519 = arith.addf %parallel_loop3A_517, %parallel_loop3A_518 : vector<16xf32>
          %parallel_loop3A_520 = arith.constant 0 : i32
          %parallel_loop3A_521 = arith.index_cast %parallel_loop3A_520 : i32 to index
          %parallel_loop3A_522 = arith.index_cast %parallel_loop3A_423 : i32 to index
          %parallel_loop3A_523 = arith.constant 16 : index
          %parallel_loop3A_524 = tpu.vector_load %arg9[%parallel_loop3A_521, %parallel_loop3A_522, %parallel_loop3A_523] {strides = array<i32>} : memref<4x128x128xf32, #tpu.memory_space<vmem>>, vector<1x1x16xf32>,
          %parallel_loop3A_525 = vector.shape_cast %parallel_loop3A_524 : vector<1x1x16xf32> to vector<16xf32>
          %parallel_loop3A_526 = vector.shape_cast %parallel_loop3A_519 : vector<16xf32> to vector<1x1x16xf32>
          tpu.vector_store %arg9[%parallel_loop3A_521, %parallel_loop3A_522, %parallel_loop3A_523], %parallel_loop3A_526 {strides = array<i32>} : memref<4x128x128xf32, #tpu.memory_space<vmem>>, vector<1x1x16xf32>,
          %parallel_loop3A_527 = arith.mulf %parallel_loop3A_477, %get3A_18 : vector<16xf32>
          %parallel_loop3A_528 = arith.mulf %parallel_loop3A_484, %get3A_58 : vector<16xf32>
          %parallel_loop3A_529 = arith.mulf %parallel_loop3A_491, %get3A_98 : vector<16xf32>
          %parallel_loop3A_530 = arith.mulf %parallel_loop3A_498, %get3A_138 : vector<16xf32>
          %parallel_loop3A_531 = arith.addf %parallel_loop3A_527, %parallel_loop3A_528 : vector<16xf32>
          %parallel_loop3A_532 = arith.addf %parallel_loop3A_529, %parallel_loop3A_530 : vector<16xf32>
          %parallel_loop3A_533 = arith.addf %parallel_loop3A_531, %parallel_loop3A_532 : vector<16xf32>
          %parallel_loop3A_534 = arith.constant 0 : i32
          %parallel_loop3A_535 = arith.index_cast %parallel_loop3A_534 : i32 to index
          %parallel_loop3A_536 = arith.index_cast %parallel_loop3A_423 : i32 to index
          %parallel_loop3A_537 = arith.constant 32 : index
          %parallel_loop3A_538 = tpu.vector_load %arg9[%parallel_loop3A_535, %parallel_loop3A_536, %parallel_loop3A_537] {strides = array<i32>} : memref<4x128x128xf32, #tpu.memory_space<vmem>>, vector<1x1x16xf32>,
          %parallel_loop3A_539 = vector.shape_cast %parallel_loop3A_538 : vector<1x1x16xf32> to vector<16xf32>
          %parallel_loop3A_540 = vector.shape_cast %parallel_loop3A_533 : vector<16xf32> to vector<1x1x16xf32>
          tpu.vector_store %arg9[%parallel_loop3A_535, %parallel_loop3A_536, %parallel_loop3A_537], %parallel_loop3A_540 {strides = array<i32>} : memref<4x128x128xf32, #tpu.memory_space<vmem>>, vector<1x1x16xf32>,
          %parallel_loop3A_541 = arith.mulf %parallel_loop3A_477, %get3A_23 : vector<16xf32>
          %parallel_loop3A_542 = arith.mulf %parallel_loop3A_484, %get3A_63 : vector<16xf32>
          %parallel_loop3A_543 = arith.mulf %parallel_loop3A_491, %get3A_103 : vector<16xf32>
          %parallel_loop3A_544 = arith.mulf %parallel_loop3A_498, %get3A_143 : vector<16xf32>
          %parallel_loop3A_545 = arith.addf %parallel_loop3A_541, %parallel_loop3A_542 : vector<16xf32>
          %parallel_loop3A_546 = arith.addf %parallel_loop3A_543, %parallel_loop3A_544 : vector<16xf32>
          %parallel_loop3A_547 = arith.addf %parallel_loop3A_545, %parallel_loop3A_546 : vector<16xf32>
          %parallel_loop3A_548 = arith.constant 0 : i32
          %parallel_loop3A_549 = arith.index_cast %parallel_loop3A_548 : i32 to index
          %parallel_loop3A_550 = arith.index_cast %parallel_loop3A_423 : i32 to index
          %parallel_loop3A_551 = arith.constant 48 : index
          %parallel_loop3A_552 = tpu.vector_load %arg9[%parallel_loop3A_549, %parallel_loop3A_550, %parallel_loop3A_551] {strides = array<i32>} : memref<4x128x128xf32, #tpu.memory_space<vmem>>, vector<1x1x16xf32>,
          %parallel_loop3A_553 = vector.shape_cast %parallel_loop3A_552 : vector<1x1x16xf32> to vector<16xf32>
          %parallel_loop3A_554 = vector.shape_cast %parallel_loop3A_547 : vector<16xf32> to vector<1x1x16xf32>
          tpu.vector_store %arg9[%parallel_loop3A_549, %parallel_loop3A_550, %parallel_loop3A_551], %parallel_loop3A_554 {strides = array<i32>} : memref<4x128x128xf32, #tpu.memory_space<vmem>>, vector<1x1x16xf32>,
          %parallel_loop3A_555 = arith.mulf %parallel_loop3A_477, %get3A_28 : vector<16xf32>
          %parallel_loop3A_556 = arith.mulf %parallel_loop3A_484, %get3A_68 : vector<16xf32>
          %parallel_loop3A_557 = arith.mulf %parallel_loop3A_491, %get3A_108 : vector<16xf32>
          %parallel_loop3A_558 = arith.mulf %parallel_loop3A_498, %get3A_148 : vector<16xf32>
          %parallel_loop3A_559 = arith.addf %parallel_loop3A_555, %parallel_loop3A_556 : vector<16xf32>
          %parallel_loop3A_560 = arith.addf %parallel_loop3A_557, %parallel_loop3A_558 : vector<16xf32>
          %parallel_loop3A_561 = arith.addf %parallel_loop3A_559, %parallel_loop3A_560 : vector<16xf32>
          %parallel_loop3A_562 = arith.constant 0 : i32
          %parallel_loop3A_563 = arith.index_cast %parallel_loop3A_562 : i32 to index
          %parallel_loop3A_564 = arith.index_cast %parallel_loop3A_423 : i32 to index
          %parallel_loop3A_565 = arith.constant 64 : index
          %parallel_loop3A_566 = tpu.vector_load %arg9[%parallel_loop3A_563, %parallel_loop3A_564, %parallel_loop3A_565] {strides = array<i32>} : memref<4x128x128xf32, #tpu.memory_space<vmem>>, vector<1x1x16xf32>,
          %parallel_loop3A_567 = vector.shape_cast %parallel_loop3A_566 : vector<1x1x16xf32> to vector<16xf32>
          %parallel_loop3A_568 = vector.shape_cast %parallel_loop3A_561 : vector<16xf32> to vector<1x1x16xf32>
          tpu.vector_store %arg9[%parallel_loop3A_563, %parallel_loop3A_564, %parallel_loop3A_565], %parallel_loop3A_568 {strides = array<i32>} : memref<4x128x128xf32, #tpu.memory_space<vmem>>, vector<1x1x16xf32>,
          %parallel_loop3A_569 = arith.mulf %parallel_loop3A_477, %get3A_33 : vector<16xf32>
          %parallel_loop3A_570 = arith.mulf %parallel_loop3A_484, %get3A_73 : vector<16xf32>
          %parallel_loop3A_571 = arith.mulf %parallel_loop3A_491, %get3A_113 : vector<16xf32>
          %parallel_loop3A_572 = arith.mulf %parallel_loop3A_498, %get3A_153 : vector<16xf32>
          %parallel_loop3A_573 = arith.addf %parallel_loop3A_569, %parallel_loop3A_570 : vector<16xf32>
          %parallel_loop3A_574 = arith.addf %parallel_loop3A_571, %parallel_loop3A_572 : vector<16xf32>
          %parallel_loop3A_575 = arith.addf %parallel_loop3A_573, %parallel_loop3A_574 : vector<16xf32>
          %parallel_loop3A_576 = arith.constant 0 : i32
          %parallel_loop3A_577 = arith.index_cast %parallel_loop3A_576 : i32 to index
          %parallel_loop3A_578 = arith.index_cast %parallel_loop3A_423 : i32 to index
          %parallel_loop3A_579 = arith.constant 80 : index
          %parallel_loop3A_580 = tpu.vector_load %arg9[%parallel_loop3A_577, %parallel_loop3A_578, %parallel_loop3A_579] {strides = array<i32>} : memref<4x128x128xf32, #tpu.memory_space<vmem>>, vector<1x1x16xf32>,
          %parallel_loop3A_581 = vector.shape_cast %parallel_loop3A_580 : vector<1x1x16xf32> to vector<16xf32>
          %parallel_loop3A_582 = vector.shape_cast %parallel_loop3A_575 : vector<16xf32> to vector<1x1x16xf32>
          tpu.vector_store %arg9[%parallel_loop3A_577, %parallel_loop3A_578, %parallel_loop3A_579], %parallel_loop3A_582 {strides = array<i32>} : memref<4x128x128xf32, #tpu.memory_space<vmem>>, vector<1x1x16xf32>,
          %parallel_loop3A_583 = arith.mulf %parallel_loop3A_477, %get3A_38 : vector<16xf32>
          %parallel_loop3A_584 = arith.mulf %parallel_loop3A_484, %get3A_78 : vector<16xf32>
          %parallel_loop3A_585 = arith.mulf %parallel_loop3A_491, %get3A_118 : vector<16xf32>
          %parallel_loop3A_586 = arith.mulf %parallel_loop3A_498, %get3A_158 : vector<16xf32>
          %parallel_loop3A_587 = arith.addf %parallel_loop3A_583, %parallel_loop3A_584 : vector<16xf32>
          %parallel_loop3A_588 = arith.addf %parallel_loop3A_585, %parallel_loop3A_586 : vector<16xf32>
          %parallel_loop3A_589 = arith.addf %parallel_loop3A_587, %parallel_loop3A_588 : vector<16xf32>
          %parallel_loop3A_590 = arith.constant 0 : i32
          %parallel_loop3A_591 = arith.index_cast %parallel_loop3A_590 : i32 to index
          %parallel_loop3A_592 = arith.index_cast %parallel_loop3A_423 : i32 to index
          %parallel_loop3A_593 = arith.constant 96 : index
          %parallel_loop3A_594 = tpu.vector_load %arg9[%parallel_loop3A_591, %parallel_loop3A_592, %parallel_loop3A_593] {strides = array<i32>} : memref<4x128x128xf32, #tpu.memory_space<vmem>>, vector<1x1x16xf32>,
          %parallel_loop3A_595 = vector.shape_cast %parallel_loop3A_594 : vector<1x1x16xf32> to vector<16xf32>
          %parallel_loop3A_596 = vector.shape_cast %parallel_loop3A_589 : vector<16xf32> to vector<1x1x16xf32>
          tpu.vector_store %arg9[%parallel_loop3A_591, %parallel_loop3A_592, %parallel_loop3A_593], %parallel_loop3A_596 {strides = array<i32>} : memref<4x128x128xf32, #tpu.memory_space<vmem>>, vector<1x1x16xf32>,
          %parallel_loop3A_597 = arith.mulf %parallel_loop3A_477, %get3A_43 : vector<16xf32>
          %parallel_loop3A_598 = arith.mulf %parallel_loop3A_484, %get3A_83 : vector<16xf32>
          %parallel_loop3A_599 = arith.mulf %parallel_loop3A_491, %get3A_123 : vector<16xf32>
          %parallel_loop3A_600 = arith.mulf %parallel_loop3A_498, %get3A_163 : vector<16xf32>
          %parallel_loop3A_601 = arith.addf %parallel_loop3A_597, %parallel_loop3A_598 : vector<16xf32>
          %parallel_loop3A_602 = arith.addf %parallel_loop3A_599, %parallel_loop3A_600 : vector<16xf32>
          %parallel_loop3A_603 = arith.addf %parallel_loop3A_601, %parallel_loop3A_602 : vector<16xf32>
          %parallel_loop3A_604 = arith.constant 0 : i32
          %parallel_loop3A_605 = arith.index_cast %parallel_loop3A_604 : i32 to index
          %parallel_loop3A_606 = arith.index_cast %parallel_loop3A_423 : i32 to index
          %parallel_loop3A_607 = arith.constant 112 : index
          %parallel_loop3A_608 = tpu.vector_load %arg9[%parallel_loop3A_605, %parallel_loop3A_606, %parallel_loop3A_607] {strides = array<i32>} : memref<4x128x128xf32, #tpu.memory_space<vmem>>, vector<1x1x16xf32>,
          %parallel_loop3A_609 = vector.shape_cast %parallel_loop3A_608 : vector<1x1x16xf32> to vector<16xf32>
          %parallel_loop3A_610 = vector.shape_cast %parallel_loop3A_603 : vector<16xf32> to vector<1x1x16xf32>
          tpu.vector_store %arg9[%parallel_loop3A_605, %parallel_loop3A_606, %parallel_loop3A_607], %parallel_loop3A_610 {strides = array<i32>} : memref<4x128x128xf32, #tpu.memory_space<vmem>>, vector<1x1x16xf32>,
        } {sc.loop_unroll_factor = 1 : i64, sc.parallel_access}
        %dma_start3A_411 = arith.constant 0 : i32
        %dma_start3A_412 = arith.constant 0 : i32
        %dma_start3A_413 = arith.constant 0 : i32
        %dma_start3A_414 = arith.constant 0 : i32
        %dma_start3A_415 = tpu.memref_slice %arg9[%dma_start3A_412, %dma_start3A_413, %dma_start3A_414] : memref<4x128x128xf32, #tpu.memory_space<vmem>> -> memref<1x128x128xf32, #tpu.memory_space<vmem>>
        %dma_start3A_416 = tpu.memref_squeeze %dma_start3A_415 : memref<1x128x128xf32, #tpu.memory_space<vmem>> -> memref<128x128xf32, #tpu.memory_space<vmem>>
        %dma_start3A_417 = arith.constant 0 : i32
        %dma_start3A_418 = tpu.memref_slice %arg7[%dma_start3A_411, %dma_start3A_417] : memref<4x128xi32, #tpu.memory_space<vmem>> -> memref<1x128xi32, #tpu.memory_space<vmem>>
        %dma_start3A_419 = tpu.memref_squeeze %dma_start3A_418 : memref<1x128xi32, #tpu.memory_space<vmem>> -> memref<128xi32, #tpu.memory_space<vmem>>
        %dma_start3A_420 = arith.constant 0 : i32
        %dma_start3A_421 = arith.constant 0 : i32
        %dma_start3A_422 = tpu.memref_slice %arg11[%dma_start3A_420, %dma_start3A_421] : memref<1000x128xf32, #tpu.memory_space<vmem_shared>> -> memref<1000x128xf32, #tpu.memory_space<vmem_shared>>
        tpu.enqueue_indirect_dma source(%dma_start3A_422 : memref<1000x128xf32, #tpu.memory_space<vmem_shared>>) target(%dma_start3A_416 : memref<128x128xf32, #tpu.memory_space<vmem>>) offsets(%dma_start3A_419 : memref<128xi32, #tpu.memory_space<vmem>>) semaphore(%arg12 : memref<!tpu.dma_semaphore, #tpu.memory_space<semaphore_mem>>) {add = true}
      } else {
      }
      %lt3A_377 = arith.constant 50 : i32
      %lt3A_378 = arith.cmpi slt, %add3A_362, %lt3A_377 : i32
      %convert_element_type3A_379 = arith.extui %lt3A_378 : i1 to i32
      %cond3A_380 = arith.constant 0 : i32
      %cond3A_381 = arith.cmpi ne, %convert_element_type3A_379, %cond3A_380 : i32
      scf.if %cond3A_381 {
        %dma_wait3A_382 = arith.constant 3 : i32
        %dma_wait3A_383 = arith.constant 3 : i32
        %dma_wait3A_384 = arith.constant 0 : i32
        %dma_wait3A_385 = arith.constant 0 : i32
        %dma_wait3A_386 = tpu.memref_slice %arg9[%dma_wait3A_383, %dma_wait3A_384, %dma_wait3A_385] : memref<4x128x128xf32, #tpu.memory_space<vmem>> -> memref<1x128x128xf32, #tpu.memory_space<vmem>>
        %dma_wait3A_387 = tpu.memref_squeeze %dma_wait3A_386 : memref<1x128x128xf32, #tpu.memory_space<vmem>> -> memref<128x128xf32, #tpu.memory_space<vmem>>
        %dma_wait3A_388 = arith.constant 0 : i32
        %dma_wait3A_389 = tpu.memref_slice %arg7[%dma_wait3A_382, %dma_wait3A_388] : memref<4x128xi32, #tpu.memory_space<vmem>> -> memref<1x128xi32, #tpu.memory_space<vmem>>
        %dma_wait3A_390 = tpu.memref_squeeze %dma_wait3A_389 : memref<1x128xi32, #tpu.memory_space<vmem>> -> memref<128xi32, #tpu.memory_space<vmem>>
        %dma_wait3A_391 = arith.constant 0 : i32
        %dma_wait3A_392 = arith.constant 0 : i32
        %dma_wait3A_393 = tpu.memref_slice %arg11[%dma_wait3A_391, %dma_wait3A_392] : memref<1000x128xf32, #tpu.memory_space<vmem_shared>> -> memref<1000x128xf32, #tpu.memory_space<vmem_shared>>
        tpu.wait_indirect_dma semaphore(%arg15 : memref<!tpu.dma_semaphore, #tpu.memory_space<semaphore_mem>>) src(%dma_wait3A_393 : memref<1000x128xf32, #tpu.memory_space<vmem_shared>>) dst(%dma_wait3A_387 : memref<128x128xf32, #tpu.memory_space<vmem>>)
        %mul3A_394 = arith.constant 128 : i32
        %mul3A_395 = arith.muli %add3A_362, %mul3A_394 : i32
        %add3A_396 = arith.addi %mul3A_2, %mul3A_395 : i32
        %dma_start3A_397 = arith.constant 3 : i32
        %dma_start3A_398 = arith.constant 0 : i32
        %dma_start3A_399 = arith.constant 0 : i32
        %dma_start3A_400 = tpu.memref_slice %arg9[%dma_start3A_397, %dma_start3A_398, %dma_start3A_399] : memref<4x128x128xf32, #tpu.memory_space<vmem>> -> memref<1x128x128xf32, #tpu.memory_space<vmem>>
        %dma_start3A_401 = tpu.memref_squeeze %dma_start3A_400 : memref<1x128x128xf32, #tpu.memory_space<vmem>> -> memref<128x128xf32, #tpu.memory_space<vmem>>
        %dma_start3A_402 = arith.constant 0 : i32
        %dma_start3A_403 = tpu.memref_slice %arg6[%add3A_396, %dma_start3A_402] : memref<204800x128xf32, #tpu.memory_space<hbm>> -> memref<128x128xf32, #tpu.memory_space<hbm>>
        %dma_start3A_404 = arith.constant 0 : i32
        %dma_start3A_405 = tpu.memref_slice %arg6[%add3A_396, %dma_start3A_404] : memref<204800x128xf32, #tpu.memory_space<hbm>> -> memref<128x128xf32, #tpu.memory_space<hbm>>
        %dma_start3A_406 = arith.constant 0 : i32
        %dma_start3A_407 = arith.constant 0 : i32
        %dma_start3A_408 = tpu.memref_slice %arg9[%dma_start3A_397, %dma_start3A_406, %dma_start3A_407] : memref<4x128x128xf32, #tpu.memory_space<vmem>> -> memref<1x128x128xf32, #tpu.memory_space<vmem>>
        %dma_start3A_409 = tpu.memref_squeeze %dma_start3A_408 : memref<1x128x128xf32, #tpu.memory_space<vmem>> -> memref<128x128xf32, #tpu.memory_space<vmem>>
        tpu.enqueue_dma source(%dma_start3A_409 : memref<128x128xf32, #tpu.memory_space<vmem>>) target(%dma_start3A_405 : memref<128x128xf32, #tpu.memory_space<hbm>>) target_semaphore(%arg19 : memref<!tpu.dma_semaphore, #tpu.memory_space<semaphore_mem>>)
      } else {
      }
    }
    %scan3A_241 = arith.constant 13 : i32
    %dma_wait3A_242 = arith.constant 2 : i32
    %dma_wait3A_243 = arith.constant 0 : i32
    %dma_wait3A_244 = arith.constant 0 : i32
    %dma_wait3A_245 = tpu.memref_slice %arg9[%dma_wait3A_242, %dma_wait3A_243, %dma_wait3A_244] : memref<4x128x128xf32, #tpu.memory_space<vmem>> -> memref<1x128x128xf32, #tpu.memory_space<vmem>>
    %dma_wait3A_246 = tpu.memref_squeeze %dma_wait3A_245 : memref<1x128x128xf32, #tpu.memory_space<vmem>> -> memref<128x128xf32, #tpu.memory_space<vmem>>
    %dma_wait3A_247 = arith.constant 0 : i32
    %dma_wait3A_248 = tpu.memref_slice %arg6[%mul3A_2, %dma_wait3A_247] : memref<204800x128xf32, #tpu.memory_space<hbm>> -> memref<128x128xf32, #tpu.memory_space<hbm>>
    %dma_wait3A_249 = arith.constant 0 : i32
    %dma_wait3A_250 = tpu.memref_slice %arg6[%mul3A_2, %dma_wait3A_249] : memref<204800x128xf32, #tpu.memory_space<hbm>> -> memref<128x128xf32, #tpu.memory_space<hbm>>
    %dma_wait3A_251 = arith.constant 0 : i32
    %dma_wait3A_252 = arith.constant 0 : i32
    %dma_wait3A_253 = tpu.memref_slice %arg9[%dma_wait3A_242, %dma_wait3A_251, %dma_wait3A_252] : memref<4x128x128xf32, #tpu.memory_space<vmem>> -> memref<1x128x128xf32, #tpu.memory_space<vmem>>
    %dma_wait3A_254 = tpu.memref_squeeze %dma_wait3A_253 : memref<1x128x128xf32, #tpu.memory_space<vmem>> -> memref<128x128xf32, #tpu.memory_space<vmem>>
    tpu.wait_dma2 semaphore(%arg18 : memref<!tpu.dma_semaphore, #tpu.memory_space<semaphore_mem>>) src(%dma_wait3A_254 : memref<128x128xf32, #tpu.memory_space<vmem>>) dst(%dma_wait3A_250 : memref<128x128xf32, #tpu.memory_space<hbm>>)
    %dma_wait3A_255 = arith.constant 3 : i32
    %dma_wait3A_256 = arith.constant 0 : i32
    %dma_wait3A_257 = arith.constant 0 : i32
    %dma_wait3A_258 = tpu.memref_slice %arg9[%dma_wait3A_255, %dma_wait3A_256, %dma_wait3A_257] : memref<4x128x128xf32, #tpu.memory_space<vmem>> -> memref<1x128x128xf32, #tpu.memory_space<vmem>>
    %dma_wait3A_259 = tpu.memref_squeeze %dma_wait3A_258 : memref<1x128x128xf32, #tpu.memory_space<vmem>> -> memref<128x128xf32, #tpu.memory_space<vmem>>
    %dma_wait3A_260 = arith.constant 0 : i32
    %dma_wait3A_261 = tpu.memref_slice %arg6[%mul3A_2, %dma_wait3A_260] : memref<204800x128xf32, #tpu.memory_space<hbm>> -> memref<128x128xf32, #tpu.memory_space<hbm>>
    %dma_wait3A_262 = arith.constant 0 : i32
    %dma_wait3A_263 = tpu.memref_slice %arg6[%mul3A_2, %dma_wait3A_262] : memref<204800x128xf32, #tpu.memory_space<hbm>> -> memref<128x128xf32, #tpu.memory_space<hbm>>
    %dma_wait3A_264 = arith.constant 0 : i32
    %dma_wait3A_265 = arith.constant 0 : i32
    %dma_wait3A_266 = tpu.memref_slice %arg9[%dma_wait3A_255, %dma_wait3A_264, %dma_wait3A_265] : memref<4x128x128xf32, #tpu.memory_space<vmem>> -> memref<1x128x128xf32, #tpu.memory_space<vmem>>
    %dma_wait3A_267 = tpu.memref_squeeze %dma_wait3A_266 : memref<1x128x128xf32, #tpu.memory_space<vmem>> -> memref<128x128xf32, #tpu.memory_space<vmem>>
    tpu.wait_dma2 semaphore(%arg19 : memref<!tpu.dma_semaphore, #tpu.memory_space<semaphore_mem>>) src(%dma_wait3A_267 : memref<128x128xf32, #tpu.memory_space<vmem>>) dst(%dma_wait3A_263 : memref<128x128xf32, #tpu.memory_space<hbm>>)
    %dma_wait3A_268 = arith.constant 0 : i32
    %dma_wait3A_269 = arith.constant 0 : i32
    %dma_wait3A_270 = arith.constant 0 : i32
    %dma_wait3A_271 = tpu.memref_slice %arg9[%dma_wait3A_268, %dma_wait3A_269, %dma_wait3A_270] : memref<4x128x128xf32, #tpu.memory_space<vmem>> -> memref<1x128x128xf32, #tpu.memory_space<vmem>>
    %dma_wait3A_272 = tpu.memref_squeeze %dma_wait3A_271 : memref<1x128x128xf32, #tpu.memory_space<vmem>> -> memref<128x128xf32, #tpu.memory_space<vmem>>
    %dma_wait3A_273 = arith.constant 0 : i32
    %dma_wait3A_274 = tpu.memref_slice %arg6[%mul3A_2, %dma_wait3A_273] : memref<204800x128xf32, #tpu.memory_space<hbm>> -> memref<128x128xf32, #tpu.memory_space<hbm>>
    %dma_wait3A_275 = arith.constant 0 : i32
    %dma_wait3A_276 = tpu.memref_slice %arg6[%mul3A_2, %dma_wait3A_275] : memref<204800x128xf32, #tpu.memory_space<hbm>> -> memref<128x128xf32, #tpu.memory_space<hbm>>
    %dma_wait3A_277 = arith.constant 0 : i32
    %dma_wait3A_278 = arith.constant 0 : i32
    %dma_wait3A_279 = tpu.memref_slice %arg9[%dma_wait3A_268, %dma_wait3A_277, %dma_wait3A_278] : memref<4x128x128xf32, #tpu.memory_space<vmem>> -> memref<1x128x128xf32, #tpu.memory_space<vmem>>
    %dma_wait3A_280 = tpu.memref_squeeze %dma_wait3A_279 : memref<1x128x128xf32, #tpu.memory_space<vmem>> -> memref<128x128xf32, #tpu.memory_space<vmem>>
    tpu.wait_dma2 semaphore(%arg16 : memref<!tpu.dma_semaphore, #tpu.memory_space<semaphore_mem>>) src(%dma_wait3A_280 : memref<128x128xf32, #tpu.memory_space<vmem>>) dst(%dma_wait3A_276 : memref<128x128xf32, #tpu.memory_space<hbm>>)
    %dma_wait3A_281 = arith.constant 1 : i32
    %dma_wait3A_282 = arith.constant 0 : i32
    %dma_wait3A_283 = arith.constant 0 : i32
    %dma_wait3A_284 = tpu.memref_slice %arg9[%dma_wait3A_281, %dma_wait3A_282, %dma_wait3A_283] : memref<4x128x128xf32, #tpu.memory_space<vmem>> -> memref<1x128x128xf32, #tpu.memory_space<vmem>>
    %dma_wait3A_285 = tpu.memref_squeeze %dma_wait3A_284 : memref<1x128x128xf32, #tpu.memory_space<vmem>> -> memref<128x128xf32, #tpu.memory_space<vmem>>
    %dma_wait3A_286 = arith.constant 0 : i32
    %dma_wait3A_287 = tpu.memref_slice %arg6[%mul3A_2, %dma_wait3A_286] : memref<204800x128xf32, #tpu.memory_space<hbm>> -> memref<128x128xf32, #tpu.memory_space<hbm>>
    %dma_wait3A_288 = arith.constant 0 : i32
    %dma_wait3A_289 = tpu.memref_slice %arg6[%mul3A_2, %dma_wait3A_288] : memref<204800x128xf32, #tpu.memory_space<hbm>> -> memref<128x128xf32, #tpu.memory_space<hbm>>
    %dma_wait3A_290 = arith.constant 0 : i32
    %dma_wait3A_291 = arith.constant 0 : i32
    %dma_wait3A_292 = tpu.memref_slice %arg9[%dma_wait3A_281, %dma_wait3A_290, %dma_wait3A_291] : memref<4x128x128xf32, #tpu.memory_space<vmem>> -> memref<1x128x128xf32, #tpu.memory_space<vmem>>
    %dma_wait3A_293 = tpu.memref_squeeze %dma_wait3A_292 : memref<1x128x128xf32, #tpu.memory_space<vmem>> -> memref<128x128xf32, #tpu.memory_space<vmem>>
    tpu.wait_dma2 semaphore(%arg17 : memref<!tpu.dma_semaphore, #tpu.memory_space<semaphore_mem>>) src(%dma_wait3A_293 : memref<128x128xf32, #tpu.memory_space<vmem>>) dst(%dma_wait3A_289 : memref<128x128xf32, #tpu.memory_space<hbm>>)
    return
  }
}

module attributes {stable_mosaic.version = 14 : i64} {
  func.func @_fold_body(%arg0: memref<1000x128xf32, #tpu.memory_space<vmem>>, %arg1: memref<1x128xf32, #tpu.memory_space<vmem>>, %arg2: memref<1000x128xf32, #tpu.memory_space<vmem>>) attributes {dimension_semantics = [], scalar_prefetch = 0 : i64, scratch_operands = 0 : i64, tpu.core_type = #tpu.core_type<tc>} {
    %get3A = arith.constant 0 : index
    %get3A_0 = arith.constant 0 : index
    %get3A_1 = vector.load %arg0[%get3A, %get3A_0] : memref<1000x128xf32, #tpu.memory_space<vmem>>, vector<1000x128xf32>
    %get3A_2 = arith.constant 0 : index
    %get3A_3 = arith.constant 0 : index
    %get3A_4 = vector.load %arg1[%get3A_2, %get3A_3] : memref<1x128xf32, #tpu.memory_space<vmem>>, vector<1x128xf32>
    %add3A = vector.broadcast %get3A_4 : vector<1x128xf32> to vector<1000x128xf32>
    %add3A_5 = arith.addf %get3A_1, %add3A : vector<1000x128xf32>
    %swap3A = arith.constant 0 : index
    %swap3A_6 = arith.constant 0 : index
    %swap3A_7 = vector.load %arg2[%swap3A, %swap3A_6] : memref<1000x128xf32, #tpu.memory_space<vmem>>, vector<1000x128xf32>
    tpu.vector_store %arg2[%swap3A, %swap3A_6], %add3A_5 {strides = array<i32>} : memref<1000x128xf32, #tpu.memory_space<vmem>>, vector<1000x128xf32>,
    return
  }
}

</mosaic_0001>

<sc_bundles>
// kernel: kernel.4.cloned.1.call-start
scs
__scs_entry_jumppad:
0x0: {  	(pc) =	sbr.rel $0x88, $3  }
0x1: {  	(tag) =	ssettag $0x0;
	lr =	simm.s32 $0x1  }
0x2: {  	[smem:$0x3F9C] =	sst lr;
	_ =	strace $0xD0000000  }
0x3: {  	_ = 	snop  }
0x4: {  	_ = 	snop  }
0x5: {  	_ = 	snop  }
0x6: {  	_ = 	snop  }
0x7: {  	_ = 	snop  }
__scs_overlays_trampoline_lowered:
0x8: {  	[smem:$0x3FAB] =	sst s0  }
0x9: {  	[smem:$0x3FAC] =	sst s1  }
0xa: {  	[smem:$0x3FAD] =	sst s2  }
0xb: {  	[smem:$0x3FAE] =	sst s3  }
0xc: {  	[smem:$0x3FAF] =	sst s4  }
0xd: {  	[smem:$0x3FB0] =	sst s5  }
0xe: {  	[smem:$0x3FB1] =	sst s6  }
0xf: {  	[smem:$0x3FB2] =	sst s7  }
0x10: {  	[smem:$0x3FB3] =	sst s8  }
0x11: {  	[smem:$0x3FB4] =	sst s9;
	s0 =	simm.s32 @!p0 $0x0  }
0x12: {  	s1 =	sld [smem:$0x3F9A];
	s0 =	simm.s32 @p0 $0x1  }
0x13: {  	[smem:$0x3FB5] =	sst s0;
	s0 =	simm.s32 @!p1 $0x0  }
0x14: {  	s2 =	sld [smem:$0x3F99];
	s0 =	simm.s32 @p1 $0x1  }
0x15: {  	[smem:$0x3FB6] =	sst s0;
	s0 =	simm.s32 @!p2 $0x0  }
0x16: {  	s3 =	sld [smem:$0x3FDB];
	s0 =	simm.s32 @p2 $0x1  }
0x17: {  	s4 =	simm.s32 $0x1BF5;
	[smem:$0x3FB8] =	sst s0  }
0x18: {  	s0 =	sld [smem:$0x3F9B];
	_ =	swait.ge [sflag:s4], $0x0  }
0x19: {  	s7 =	sld [smem:$0x3F9C]  }
0x1a: {  	s8 =	sadd.s32 $0xFFFFE003, lr  }
0x1b: {  	s9 =	sadd.s32 $0xFFFFFEF7, lr;
	s5 =	simm.s32 $0xFFFFFFFF;
	p2 =	slt.u32 s8, $0xFFFFF086  }
0x1c: {  	p1 =	slt.u32 s9, $0xF7A;
	s5 =	simm.s32 @!p2 $0x0  }
0x1d: {  	s5 =	simm.s32 @p1 $0x1;
	p0 =	seq.s32 s7, s2  }
0x1e: {  	s7 =	smul.u32 @!p0 $0xF7A, s2;
	p2 =	seq.s32 @!p0 s5, $0x0  }
0x1f: {  	s9 =	smul.u32 $0xF7A, s1;
	s8 =	simm.s32 @!p0 $0x1BF5;
	p2 =	por !p2, p0  }
0x20: {  	[sflag:s8] =	ssyncset.s32 @!p0 $0xFFFFF086;
	s6 =	sadd.s32 @!p0 s3, s7;
	s7 =	simm.s32 @!p0 $0x108  }
0x21: {  	s3 =	sadd.s32 s3, s9;
	s6 =	sadd.s32 @!p0 $0x88, s6;
	s7 =	simm.s32 @p2 $0x1082  }
0x22: {  	[simem:s7], [sflag:s8] =	dma.local @!p0 [hbm:s6], $0xF7A  }
0x23: {  	s9 =	sor.u32 $0xD0000000, s2;
	s6 =	simm.s32 $0x108;
	_ =	swait.ge @!p0 [sflag:s8], $0x0  }
0x24: {  	s3 =	sadd.s32 $0x88, s3;
	s6 =	simm.s32 @!p1 $0x1082;
	[sflag:s4] =	ssyncset.s32 $0xFFFFF086  }
0x25: {  	[simem:s6], [sflag:s4] =	dma.local [hbm:s3], $0xF7A  }
0x26: {  	[smem:$0x3F9C] =	sst s1;
	(tag) =	ssettag s2;
	_ =	strace s9  }
0x27: {  	s1 =	sld [smem:$0x3FAC]  }
0x28: {  	s2 =	sld [smem:$0x3FAD]  }
0x29: {  	s4 =	sld [smem:$0x3FAF]  }
0x2a: {  	p0 =	seq.s32 s5, $0x0;
	s5 =	sld [smem:$0x3FB0]  }
0x2b: {  	s6 =	sld [smem:$0x3FB1]  }
0x2c: {  	s7 =	sld [smem:$0x3FB2]  }
0x2d: {  	s3 =	simm.s32 $0x108;
	s8 =	sld [smem:$0x3FB3]  }
0x2e: {  	s3 =	simm.s32 @!p0 $0x1082;
	s9 =	sld [smem:$0x3FB4]  }
0x2f: {  	lr =	sadd.s32 s0, s3;
	s0 =	sld [smem:$0x3FAB]  }
0x30: {  	s3 =	sld [smem:$0x3FAE]  }
0x31: {  	[smem:$0x3FB7] =	sst s10  }
0x32: {  	s10 =	sld [smem:$0x3FB5];
	_ =	sdelay $0x3  }
0x33: {  	p0 =	seq.s32 s10, $0x1;
	s10 =	sld [smem:$0x3FB7];
	_ =	sdelay $0x3  }
0x34: {  	[smem:$0x3FB7] =	sst s10  }
0x35: {  	s10 =	sld [smem:$0x3FB6];
	_ =	sdelay $0x3  }
0x36: {  	p1 =	seq.s32 s10, $0x1;
	s10 =	sld [smem:$0x3FB7];
	_ =	sdelay $0x3  }
0x37: {  	[smem:$0x3FB7] =	sst s10  }
0x38: {  	s10 =	sld [smem:$0x3FB8]  }
0x39: {  	_ = 	snop;
	(pc) =	sbr.ind lr, $3  }
0x3a: {  	_ = 	snop  }
0x3b: {  	_ = 	snop  }
0x3c: {  	p2 =	seq.s32 s10, $0x1;
	s10 =	sld [smem:$0x3FB7]  }
0x3d: {  	_ =	shalt  }
0x3e: {  	_ =	shalt  }
0x3f: {  	_ =	shalt  }
0x40: {  	_ =	shalt  }
0x41: {  	_ =	shalt  }
0x42: {  	_ =	shalt  }
0x43: {  	_ =	shalt  }
0x44: {  	_ =	shalt  }
0x45: {  	_ =	shalt  }
0x46: {  	_ =	shalt  }
0x47: {  	_ =	shalt  }
0x48: {  	_ =	shalt  }
0x49: {  	_ =	shalt  }
0x4a: {  	_ =	shalt  }
0x4b: {  	_ =	shalt  }
0x4c: {  	_ =	shalt  }
0x4d: {  	_ =	shalt  }
0x4e: {  	_ =	shalt  }
0x4f: {  	_ =	shalt  }
0x50: {  	_ =	shalt  }
0x51: {  	_ =	shalt  }
0x52: {  	_ =	shalt  }
0x53: {  	_ =	shalt  }
0x54: {  	_ =	shalt  }
0x55: {  	_ =	shalt  }
0x56: {  	_ =	shalt  }
0x57: {  	_ =	shalt  }
0x58: {  	_ =	shalt  }
0x59: {  	_ =	shalt  }
0x5a: {  	_ =	shalt  }
0x5b: {  	_ =	shalt  }
0x5c: {  	_ =	shalt  }
0x5d: {  	_ =	shalt  }
0x5e: {  	_ =	shalt  }
0x5f: {  	_ =	shalt  }
0x60: {  	_ =	shalt  }
0x61: {  	_ =	shalt  }
0x62: {  	_ =	shalt  }
0x63: {  	_ =	shalt  }
0x64: {  	_ =	shalt  }
0x65: {  	_ =	shalt  }
0x66: {  	_ =	shalt  }
0x67: {  	_ =	shalt  }
0x68: {  	_ =	shalt  }
0x69: {  	_ =	shalt  }
0x6a: {  	_ =	shalt  }
0x6b: {  	_ =	shalt  }
0x6c: {  	_ =	shalt  }
0x6d: {  	_ =	shalt  }
0x6e: {  	_ =	shalt  }
0x6f: {  	_ =	shalt  }
0x70: {  	_ =	shalt  }
0x71: {  	_ =	shalt  }
0x72: {  	_ =	shalt  }
0x73: {  	_ =	shalt  }
0x74: {  	_ =	shalt  }
0x75: {  	_ =	shalt  }
0x76: {  	_ =	shalt  }
0x77: {  	_ =	shalt  }
0x78: {  	_ =	shalt  }
0x79: {  	_ =	shalt  }
0x7a: {  	_ =	shalt  }
0x7b: {  	_ =	shalt  }
0x7c: {  	_ =	shalt  }
0x7d: {  	_ =	shalt  }
0x7e: {  	_ =	shalt  }
0x7f: {  	_ =	shalt  }
0x80: {  	_ =	shalt  }
0x81: {  	_ =	shalt  }
0x82: {  	_ =	shalt  }
0x83: {  	_ =	shalt  }
0x84: {  	_ =	shalt  }
0x85: {  	_ =	shalt  }
0x86: {  	_ =	shalt  }
0x87: {  	_ =	shalt  }
.Lfunc_end0:
.L_simem_size_0:
called_computation.1_lowered:
.L_overlay_start_0:
0x88: {  	s2 =	sld [smem:$0x3FD9]  }
0x89: {  	s3 =	sld [smem:$0x3FFE];
	_ =	sdelay $0x1  }
0x8a: {  	s1 =	srdreg.scid  }
0x8b: {  	s0 =	sand.u32 $0x1, s1  }
0x8c: {  	s17 =	sshll.u32 s0, $0xA;
	s2 =	sadd.s32 s3, s2  }
0x8d: {  	s2 =	sadd.s32 s2, s17  }
0x8e: {  	[smem:$0x3FC3] =	sst s2  }
0x8f: {  	_ = 	snop  }
0x90: {  	s2 =	sld [smem:$0x3FC6]  }
0x91: {  	s18 =	sld [smem:$0x3FD0];
	(tm) =	ssettm $0x1  }
0x92: {  	s4 =	sld [smem:$0x3FFB];
	_ =	sdelay $0x3  }
0x93: {  	_ =	strace s4  }
0x94: {  	s4 =	sld [smem:$0x3FFC];
	_ =	sdelay $0x3  }
0x95: {  	_ =	strace s4  }
0x96: {  	s4 =	sld [smem:$0x3FFD];
	_ =	sdelay $0x3  }
0x97: {  	_ =	strace s4  }
0x98: {  	_ =	strace $0x8FFFFFFF  }
0x99: {  	s19 =	sld [smem:$0x3FDB];
	_ =	sdelay $0x1  }
0x9a: {  	s5 =	simm.s32 $_scs_section_size  }
0x9b: {  	s6 =	simm.s32 $_size__tile_overlayer_lowered;
	s7 =	simm.s32 $_tile_overlayer_lowered  }
0x9c: {  	s22 =	simm.s32 $0x1BFF;
	s21 =	sshll.u32 s7, $0x1;
	s4 =	sadd.s32 s5, s19  }
0x9d: {  	s8 =	simm.s32 $0x0;
	s20 =	sshll.u32 s6, $0x1;
	s6 =	sadd.s32 s21, s4  }
0x9e: {  	[timem:s8], [sflag:s22] =	dma.local [hbm:s6], s20  }
0x9f: {  	_ =	swait.ge [sflag:s22], s20  }
0xa0: {  	s5 =	ssub.s32 $0x0, s20;
	[sflag:s22] =	ssyncset.done $0x0  }
0xa1: {  	[sflag:s22] =	ssyncadd.s32 s5;
	_ =	sdelay $0x1  }
0xa2: {  	s23 =	simm.s32 $0x1B8B  }
0xa3: {  	_ =	swait.ge [sflag:s23], $0x1  }
0xa4: {  	[sflag:s23] =	ssyncset.done $0x0  }
0xa5: {  	s25 =	simm.s32 $0x1B8E;
	s24 =	sld [smem:$0x3FFE];
	[sflag:s23] =	ssyncadd.s32 $0xFFFFFFFF  }
0xa6: {  	s26 =	simm.s32 $execute0_lowered;
	[smem:$0x3FD2] =	sst s25  }
0xa7: {  	s6 =	sshll.u32 s26, $0x1;
	_ =	strace $0x80000046;
	[dreg:$0x1] =	wrdreg $0xFFFFFFFF  }
0xa8: {  	s28 =	simm.s32 $_size_execute0_lowered;
	s4 =	sadd.s32 s4, s6;
	[dreg:$0x0] =	wrdreg $0x0  }
0xa9: {  	s6 =	sshll.u32 s28, $0x1;
	[dreg:$0x2] =	wrdreg s4  }
0xaa: {  	[dreg:$0x3] =	wrdreg s6  }
0xab: {  	[dreg:$0x4] =	wrdreg $0xC0  }
0xac: {  	_ =	task [dreg:s8], $0x5FFFF  }
0xad: {  	[dreg:$0x1] =	wrdreg $0xFFFFFFFF  }
0xae: {  	[dreg:$0x0] =	wrdreg $0x60  }
0xaf: {  	[dreg:$0x2] =	wrdreg s24  }
0xb0: {  	[dreg:$0x3] =	wrdreg s2  }
0xb1: {  	[dreg:$0x4] =	wrdreg s18  }
0xb2: {  	[dreg:$0x5] =	wrdreg $0x10C000  }
0xb3: {  	[dreg:$0x6] =	wrdreg $0x9  }
0xb4: {  	_ =	task.clear_ibuf [dreg:s8], $0x7FFFF;
	_ =	strace $0x90000046  }
0xb5: {  	s29 =	simm.s32 $0x9;
	_ =	strace $0x80000048  }
0xb6: {  	_ =	swait.ge [sflag:s29], $0x1  }
0xb7: {  	[sflag:s29] =	ssyncadd.s32 $0xFFFFFFFF  }
0xb8: {  	_ =	strace $0x90000048  }
0xb9: {  	_ =	sfence  }
0xba: {  	s30 =	sld [smem:$0x0];
	_ =	sdelay $0x2  }
0xbb: {  	s31 =	sshll.u32 s1, $0xD;
	s1 =	sshrl.u32 s1, $0x2  }
0xbc: {  	s3 =	sand.u32 $0x4000, s31;
	s1 =	sadd.s32 s1, s30  }
0xbd: {  	s0 =	sor.u32 s3, s0;
	s1 =	sshll.u32 s1, $0x11  }
0xbe: {  	s0 =	sor.u32 s1, s0  }
0xbf: {  	s0 =	sadd.s32 $0x8F2B, s0  }
0xc0: {  	[sflag:s0] =	ssyncadd.remote.s32 $0x1  }
0xc1: {  	_ =	sfence.sel $0xFFFF  }
0xc2: {  	[dreg:$0x0] =	wrdreg $0xFFFFFFFF;
	(pc) =	sbr.abs _section_cstart, $3  }
0xc3: {  	[dreg:$0x1] =	wrdreg $0xFFFFFFFF  }
0xc4: {  	_ =	task.clear_ibuf [dreg:s8], $0x2FFFF;
	_ =	strace $0x9FFFFFFF  }
0xc5: {  	(tm) =	ssettm $0x7FFFFFFF  }
tec
execute0_lowered:
.L_overlay_start_1:
0x0: {  	(tag) =	ssettag $0x1  }
0x1: {  	s0 =	rddreg [dreg:$0x0]  }
0x2: {  	s2 =	rddreg [dreg:$0x2]  }
0x3: {  	s3 =	rddreg [dreg:$0x3];
	s1 =	srdreg.scid  }
0x4: {  	s8 =	stileid.u32;
	s4 =	simm.s32 $0x0;
	s28 =	simm.s32 $0x80  }
0x5: {  	s19 =	simm.s32 $0xA00;
	s17 =	simm.s32 $0xC;
	s1 =	sand.u32 $0x1, s1  }
0x6: {  	s5 =	sshll.u32 s8, $0x1;
	[smem:$0x7FF] =	sst s4;
	s6 =	sadd.s32 $0xE00, s0  }
0x7: {  	s7 =	sadd.s32 $0x387200, s0;
	s0 =	sadd.s32 $0x7200, s0;
	s9 =	sor.u32 s1, s5  }
0x8: {  	p0 =	sne.s32 s8, $0x0;
	s1 =	ssub.s32 $0x2, s1;
	s5 =	smul.u32 $0x1900, s9  }
0x9: {  	_ =	strace $0x80000047;
	s10 =	sshrl.u32 s1, $0x1;
	s23 =	smul.u32 $0xC80, s9  }
0xa: {  	[dreg:$0x5] =	wrdreg s0;
	s21 =	ssub.s32 s1, s10;
	s10 =	smul.u32 $0xC8000, s9  }
0xb: {  	s9 =	simm.s32 $0x0;
	s22 =	sshrl.u32 s5, $0x3;
	s24 =	sor.u32 $0x80, s5  }
0xc: {  	s15 =	sadd.s32 $0x200, s5;
	s29 =	sadd.s32 $0x280, s5;
	s0 =	smax.u32 s21, $0x1  }
0xd: {  	s21 =	simm.s32 $0xA;
	s1 =	sadd.s32 s6, s22;
	[dreg:$0xa] =	wrdreg s29  }
0xe: {  	s11 =	sshrl.u32 s24, $0x3;
	s12 =	sshrl.u32 s24, $0x1;
	[dreg:$0xb] =	wrdreg s0  }
0xf: {  	s14 =	sor.u32 $0x4000, s10;
	s0 =	sshrl.u32 @!p0 s3, $0x3;
	[dreg:$0x6] =	wrdreg s1  }
0x10: {  	s24 =	simm.s32 $0x5;
	s25 =	sadd.s32 s6, s11;
	[dreg:$0xc] =	wrdreg s0  }
.Ltmp0:
0x11: {  	s26 =	sadd.s32 s7, s12;
	[dreg:$0x8] =	wrdreg s25;
	(pc) =	sbr.rel .LBB2_1-.Ltmp0, $4  }
0x12: {  	s1 =	sadd.s32 s7, s23;
	s23 =	simm.s32 $0x4A00;
	[dreg:$0x9] =	wrdreg s26  }
0x13: {  	s12 =	simm.s32 $0x2;
	s30 =	sadd.s32 $0x10, s1;
	[dreg:$0x7] =	wrdreg s1  }
0x14: {  	s31 =	sadd.s32 $0x20, s1;
	s1 =	simm.s32 $0x9;
	[dreg:$0xd] =	wrdreg s30  }
0x15: {  	s25 =	simm.s32 $0x1;
	s26 =	simm.s32 $0xB;
	[dreg:$0xe] =	wrdreg s31  }
.LBB2_19:
0x16: {  	s0 =	simm.s32 $0x7  }
0x17: {  	_ =	swait.ge [sflag:s0], $0x4000  }
0x18: {  	[sflag:s0] =	ssyncset.done $0x0  }
0x19: {  	s30 =	simm.s32 $0x8;
	[sflag:s0] =	ssyncadd.s32 $0xFFFFC000  }
0x1a: {  	_ =	swait.ge [sflag:s30], $0x4000  }
0x1b: {  	[sflag:s30] =	ssyncset.done $0x0  }
0x1c: {  	[sflag:s30] =	ssyncadd.s32 $0xFFFFC000  }
0x1d: {  	_ =	swait.ge [sflag:s24], $0x4000  }
0x1e: {  	[sflag:s24] =	ssyncset.done $0x0  }
0x1f: {  	s8 =	simm.s32 $0x6;
	[sflag:s24] =	ssyncadd.s32 $0xFFFFC000  }
0x20: {  	_ =	swait.ge [sflag:s8], $0x4000  }
0x21: {  	s9 =	rddreg [dreg:$0xf]  }
0x22: {  	s31 =	rddreg [dreg:$0xb];
	s9 =	sadd.s32 $0x1, s9  }
0x23: {  	p1 =	sne.s32 s9, s31  }
.Ltmp1:
0x24: {  	_ = 	snop;
	(pc) =	sbr.rel @!p1 .LBB2_20-.Ltmp1, $3  }
0x25: {  	_ =	sdelay $0x1  }
0x26: {  	[sflag:s8] =	ssyncset.done $0x0  }
0x27: {  	[sflag:s8] =	ssyncadd.s32 $0xFFFFC000  }
.LBB2_1:
0x28: {  	[dreg:$0xf] =	wrdreg s9  }
0x29: {  	s8 =	rddreg [dreg:$0x5]  }
0x2a: {  	s0 =	simm.s32 @!p0 $0x1C0D;
	s9 =	rddreg [dreg:$0xc]  }
0x2b: {  	[spmem:s9], [sflag:s0] =	dma.local @!p0 [hbm:s8], $0x3E80  }
0x2c: {  	s0 =	simm.s32 @!p0 $0xD  }
0x2d: {  	_ =	swait.ge @!p0 [sflag:s0], $0x3E80  }
0x2e: {  	[sflag:s0] =	ssyncset.done @!p0 $0x0  }
0x2f: {  	[sflag:s0] =	ssyncadd.s32 @!p0 $0xFFFFC180  }
0x30: {  	s16 =	simm.s32 $0x10A00;
	s18 =	simm.s32 $0xD;
	s0 =	rddreg [dreg:$0x1]  }
0x31: {  	[tilespmem:s16], [sflag:$0xD] =	stream.linear.gather [hbm4b:s0+s4], $0x200, $0x38;
	[tilespmem:$0x12B40] =	vst v63  }
0x32: {  	_ =	swait.ge [sflag:s18], $0x200  }
0x33: {  	[sflag:s18] =	ssyncset.done $0x0  }
0x34: {  	[sflag:s18] =	ssyncadd.s32 $0xFFFFFE00  }
0x35: {  	[bflag:$0x0] =	sbarrier.arrive $0xFFFF  }
0x36: {  	v0 =	vld [tilespmem:$0x10A00]  }
0x37: {  	v1 =	vld [tilespmem:$0x10A10]  }
0x38: {  	v2 =	vld [tilespmem:$0x10A20]  }
0x39: {  	v3 =	vld [tilespmem:$0x10A30]  }
0x3a: {  	v4 =	vld [tilespmem:$0x10A40]  }
0x3b: {  	v5 =	vld [tilespmem:$0x10A50]  }
0x3c: {  	v6 =	vld [tilespmem:$0x10A60]  }
0x3d: {  	v7 =	vld [tilespmem:$0x10A70]  }
0x3e: {  	v8 =	vld [tilespmem:$0x10A80]  }
0x3f: {  	v9 =	vld [tilespmem:$0x10A90]  }
0x40: {  	v10 =	vld [tilespmem:$0x10AA0]  }
0x41: {  	v11 =	vld [tilespmem:$0x10AB0]  }
0x42: {  	v12 =	vld [tilespmem:$0x10AC0]  }
0x43: {  	v13 =	vld [tilespmem:$0x10AD0]  }
0x44: {  	v14 =	vld [tilespmem:$0x10AE0]  }
0x45: {  	v15 =	vld [tilespmem:$0x10AF0]  }
0x46: {  	v16 =	vld [tilespmem:$0x10B00]  }
0x47: {  	v17 =	vld [tilespmem:$0x10B10]  }
0x48: {  	v18 =	vld [tilespmem:$0x10B20]  }
0x49: {  	v19 =	vld [tilespmem:$0x10B30]  }
0x4a: {  	v20 =	vld [tilespmem:$0x10B40]  }
0x4b: {  	v21 =	vld [tilespmem:$0x10B50]  }
0x4c: {  	v22 =	vld [tilespmem:$0x10B60]  }
0x4d: {  	v23 =	vld [tilespmem:$0x10B70]  }
0x4e: {  	v24 =	vld [tilespmem:$0x10B80]  }
0x4f: {  	v25 =	vld [tilespmem:$0x10B90]  }
0x50: {  	v26 =	vld [tilespmem:$0x10BA0]  }
0x51: {  	v27 =	vld [tilespmem:$0x10BB0]  }
0x52: {  	v28 =	vld [tilespmem:$0x10BC0]  }
0x53: {  	v29 =	vld [tilespmem:$0x10BD0]  }
0x54: {  	v30 =	vld [tilespmem:$0x10BE0];
	s20 =	rddreg [dreg:$0x6]  }
0x55: {  	v31 =	vld [tilespmem:$0x10BF0];
	[tilespmem:s4], [sflag:$0x9] =	stream.linear.gather [hbm4b:s20+s4], $0x80, $0x38  }
0x56: {  	s29 =	simm.s32 $0x200;
	s22 =	rddreg [dreg:$0x7]  }
0x57: {  	[tilespmem:s29], [sflag:$0x9] =	stream.linear.gather [hbm4b:s22+s4], $0x80, $0x38;
	[tilespmem:$0x12B40] =	vst v63  }
0x58: {  	s31 =	simm.s32 $0x400;
	s30 =	rddreg [dreg:$0xd]  }
0x59: {  	[tilespmem:s31], [sflag:$0x9] =	stream.linear.gather [hbm4b:s30+s4], $0x80, $0x38;
	[tilespmem:$0x12B40] =	vst v63  }
0x5a: {  	s11 =	simm.s32 $0x600;
	s9 =	rddreg [dreg:$0xe]  }
0x5b: {  	[tilespmem:s11], [sflag:$0x9] =	stream.linear.gather [hbm4b:s9+s4], $0x80, $0x38;
	[tilespmem:$0x12B40] =	vst v63  }
0x5c: {  	s13 =	simm.s32 $0x800;
	s0 =	sadd.s32 $0x30, s22  }
0x5d: {  	[tilespmem:s13], [sflag:$0x9] =	stream.linear.gather [hbm4b:s0+s4], $0x80, $0x38;
	[tilespmem:$0x12B40] =	vst v63  }
0x5e: {  	s16 =	rddreg [dreg:$0x8]  }
0x5f: {  	[tilespmem:s28], [sflag:$0xA] =	stream.linear.gather [hbm4b:s16+s4], $0x80, $0x38;
	[tilespmem:$0x12B40] =	vst v63  }
0x60: {  	s18 =	rddreg [dreg:$0x9];
	s20 =	simm.s32 $0x280  }
0x61: {  	[tilespmem:s20], [sflag:$0xA] =	stream.linear.gather [hbm4b:s18+s4], $0x80, $0x38;
	[tilespmem:$0x12B40] =	vst v63  }
0x62: {  	s22 =	sadd.s32 $0x10, s18;
	s29 =	simm.s32 $0x480  }
0x63: {  	[tilespmem:s29], [sflag:$0xA] =	stream.linear.gather [hbm4b:s22+s4], $0x80, $0x38;
	[tilespmem:$0x12B40] =	vst v63  }
0x64: {  	s30 =	sadd.s32 $0x20, s18;
	s31 =	simm.s32 $0x680  }
0x65: {  	[tilespmem:s31], [sflag:$0xA] =	stream.linear.gather [hbm4b:s30+s4], $0x80, $0x38;
	[tilespmem:$0x12B40] =	vst v63  }
0x66: {  	s11 =	sadd.s32 $0x30, s18;
	s13 =	simm.s32 $0x880  }
0x67: {  	[tilespmem:s13], [sflag:$0xA] =	stream.linear.gather [hbm4b:s11+s4], $0x80, $0x38;
	[tilespmem:$0x12B40] =	vst v63  }
0x68: {  	_ =	swait.ge [sflag:s1], $0x80  }
0x69: {  	[sflag:s1] =	ssyncset.done $0x0  }
0x6a: {  	[sflag:s1] =	ssyncadd.s32 $0xFFFFFF80  }
0x6b: {  	s16 =	simm.s32 $0x0;
	s18 =	simm.s32 $0x0;
	_ =	swait.ge [sflag:s1], $0x200  }
0x6c: {  	s0 =	sand.u32 $0x70, s16;
	s8 =	sand.u32 $0x600, s18;
	[sflag:s1] =	ssyncset.done $0x0  }
0x6d: {  	s0 =	sor.u32 s0, s8;
	[sflag:s1] =	ssyncadd.s32 $0xFFFFFE00  }
0x6e: {  	v32 =	vld [tilespmem:s0+$0x200];
	_ =	sdelay $0x1  }
0x6f: {  	s20 =	sand.u32 $0xC, s4  }
0x70: {  	s22 =	sor.u32 $0x1, s20;
	s29 =	sor.u32 $0x2, s20  }
0x71: {  	v33 =	vmov s20;
	v34 =	vmov s22;
	v36 =	vmov s29;
	s0 =	sor.u32 $0x3, s20  }
0x72: {  	v37 =	vmov s0;
	v35 =	vperm.xlane v32, v33;
	v33 =	vperm.xlane v32, v34  }
0x73: {  	v34 =	vperm.xlane v32, v36;
	v32 =	vperm.xlane v32, v37  }
0x74: {  	v53 =	vmul.f32 v35, v7;
	v54 =	vmul.f32 v33, v15  }
0x75: {  	v38 =	vmul.f32 v34, v23;
	v39 =	vmul.f32 v32, v31  }
0x76: {  	v40 =	vmul.f32 v35, v0;
	v41 =	vmul.f32 v33, v8  }
0x77: {  	v42 =	vmul.f32 v34, v16;
	v55 =	vmul.f32 v32, v24  }
0x78: {  	v56 =	vmul.f32 v35, v1;
	v57 =	vmul.f32 v33, v9  }
0x79: {  	v43 =	vmul.f32 v34, v17;
	v58 =	vmul.f32 v32, v25  }
0x7a: {  	v44 =	vmul.f32 v35, v2;
	v59 =	vmul.f32 v33, v10  }
0x7b: {  	v45 =	vmul.f32 v34, v18;
	v60 =	vmul.f32 v32, v26  }
0x7c: {  	v61 =	vmul.f32 v35, v3;
	v62 =	vmul.f32 v33, v11  }
0x7d: {  	v46 =	vmul.f32 v34, v19;
	v48 =	vmul.f32 v32, v27;
	v37 =	vadd.f32 v54, v53  }
0x7e: {  	v49 =	vmul.f32 v35, v4;
	v38 =	vadd.f32 v39, v38;
	v36 =	vadd.f32 v41, v40  }
0x7f: {  	v63 =	vmul.f32 v33, v12;
	v39 =	vadd.f32 v55, v42;
	v42 =	vadd.f32 v58, v43  }
0x80: {  	v41 =	vadd.f32 v59, v44;
	v44 =	vadd.f32 v60, v45;
	v45 =	vmul.f32 v34, v20  }
0x81: {  	s9 =	simm.s32 $0x0;
	v40 =	vadd.f32 v48, v46;
	v48 =	vmul.f32 v32, v28;
	v47 =	vadd.f32 v38, v37  }
0x82: {  	s8 =	simm.s32 $0xA40;
	s30 =	simm.s32 $0x4;
	s31 =	simm.s32 $0x10;
	v46 =	vmul.f32 v35, v5;
	v43 =	vadd.f32 v63, v49;
	v49 =	vmul.f32 v33, v13  }
0x83: {  	s13 =	sand.u32 $0x70, s30;
	s11 =	simm.s32 $0x2;
	s0 =	sand.u32 $0x600, s31;
	v38 =	vadd.f32 v57, v56;
	v37 =	vadd.f32 v62, v61;
	[tilespmem:s8+$0x30] =	vst v47;
	v47 =	vmul.f32 v34, v21  }
.LBB2_2:
0x84: {  	p1 =	sne.s32 s11, $0x7F;
	s0 =	sor.u32 s13, s0;
	v45 =	vadd.f32 v48, v45;
	v48 =	vmul.f32 v32, v29;
	v35 =	vmul.f32 v35, v6  }
0x85: {  	v33 =	vmul.f32 v33, v14;
	v34 =	vmul.f32 v34, v22;
	v50 =	vld [tilespmem:s0+$0x200];
	v46 =	vadd.f32 v49, v46  }
0x86: {  	v36 =	vadd.f32 v39, v36;
	v32 =	vmul.f32 v32, v30;
	s9 =	sadd.s32 $0x4, s9;
	v39 =	vadd.f32 v48, v47  }
0x87: {  	v38 =	vadd.f32 v42, v38;
	s0 =	sand.u32 $0xC, s9;
	v42 =	vadd.f32 v33, v35  }
0x88: {  	s13 =	sor.u32 $0x1, s0;
	s16 =	sor.u32 $0x2, s0;
	[tilespmem:s8+$0xFFFFFFC0] =	vst v36;
	v36 =	vadd.f32 v44, v41;
	v41 =	vadd.f32 v32, v34  }
0x89: {  	v33 =	vmov s13;
	v32 =	vmov s0;
	v34 =	vmov s16;
	s0 =	sor.u32 $0x3, s0;
	[tilespmem:s8+$0xFFFFFFD0] =	vst v38  }
0x8a: {  	v35 =	vperm.xlane v50, v32;
	v33 =	vperm.xlane v50, v33;
	v32 =	vmov s0;
	[tilespmem:s8+$0xFFFFFFE0] =	vst v36  }
0x8b: {  	v34 =	vperm.xlane v50, v34;
	v36 =	vadd.f32 v40, v37;
	v32 =	vperm.xlane v50, v32  }
0x8c: {  	v40 =	vadd.f32 v45, v43;
	v37 =	vmul.f32 v35, v7;
	v38 =	vmul.f32 v33, v15  }
0x8d: {  	v43 =	vmul.f32 v34, v23;
	v44 =	vmul.f32 v32, v31;
	[tilespmem:s8+$0xFFFFFFF0] =	vst v36;
	v36 =	vadd.f32 v39, v46  }
0x8e: {  	v45 =	vmul.f32 v33, v8;
	v39 =	vmul.f32 v35, v0;
	[tilespmem:s8+$0x0] =	vst v40;
	v40 =	vadd.f32 v41, v42  }
0x8f: {  	v41 =	vmul.f32 v34, v16;
	v37 =	vadd.f32 v38, v37;
	v38 =	vadd.f32 v44, v43;
	[tilespmem:s8+$0x10] =	vst v36  }
0x90: {  	v42 =	vmul.f32 v32, v24;
	v36 =	vadd.f32 v45, v39;
	v43 =	vmul.f32 v35, v1;
	[tilespmem:s8+$0x20] =	vst v40  }
0x91: {  	v44 =	vmul.f32 v34, v17;
	v40 =	vmul.f32 v33, v9;
	v37 =	vadd.f32 v38, v37  }
0x92: {  	v45 =	vmul.f32 v35, v2;
	v39 =	vadd.f32 v42, v41;
	v41 =	vmul.f32 v32, v25;
	s8 =	sadd.s32 $0x80, s8  }
0x93: {  	v38 =	vadd.f32 v40, v43;
	v40 =	vmul.f32 v33, v10;
	v43 =	vmul.f32 v34, v18;
	[tilespmem:s8+$0x30] =	vst v37  }
0x94: {  	v46 =	vmul.f32 v35, v3;
	v42 =	vadd.f32 v41, v44;
	v37 =	vmul.f32 v32, v26  }
.Ltmp2:
0x95: {  	v47 =	vmul.f32 v34, v19;
	v41 =	vadd.f32 v40, v45;
	v40 =	vmul.f32 v33, v11;
	(pc) =	sbr.rel @p1 .LBB2_2-.Ltmp2, $4  }
0x96: {  	v49 =	vmul.f32 v35, v4;
	v44 =	vadd.f32 v37, v43;
	v43 =	vmul.f32 v32, v27  }
0x97: {  	v50 =	vmul.f32 v33, v12;
	v45 =	vmul.f32 v34, v20;
	v37 =	vadd.f32 v40, v46  }
0x98: {  	s16 =	sshll.u32 s11, $0x4;
	s0 =	sshll.u32 s11, $0x2;
	v48 =	vmul.f32 v32, v28;
	v46 =	vmul.f32 v35, v5;
	v40 =	vadd.f32 v43, v47  }
0x99: {  	s11 =	sadd.s32 $0x1, s11;
	s13 =	sand.u32 $0x70, s0;
	s0 =	sand.u32 $0x600, s16;
	v43 =	vadd.f32 v50, v49;
	v49 =	vmul.f32 v33, v13;
	v47 =	vmul.f32 v34, v21  }
0x9a: {  	s0 =	sor.u32 s13, s0  }
0x9b: {  	v50 =	vld [tilespmem:s0+$0x200]  }
0x9c: {  	v45 =	vadd.f32 v48, v45;
	v35 =	vmul.f32 v35, v6;
	v33 =	vmul.f32 v33, v14  }
0x9d: {  	v36 =	vadd.f32 v39, v36;
	s22 =	sadd.s32 $0x4, s9;
	v34 =	vmul.f32 v34, v22;
	v57 =	vmul.f32 v32, v30  }
0x9e: {  	v55 =	vmul.f32 v32, v29;
	v38 =	vadd.f32 v42, v38;
	s0 =	sand.u32 $0xC, s22;
	v33 =	vadd.f32 v33, v35  }
0x9f: {  	s29 =	sor.u32 $0x1, s0;
	s11 =	sor.u32 $0x2, s0;
	v35 =	vadd.f32 v44, v41;
	v58 =	vmov s0;
	v32 =	vadd.f32 v57, v34  }
0xa0: {  	s0 =	sor.u32 $0x3, s0;
	v59 =	vmov s29;
	v60 =	vmov s11;
	v41 =	vperm.xlane v50, v58  }
0xa1: {  	v61 =	vmov s0;
	v42 =	vperm.xlane v50, v59;
	v34 =	vperm.xlane v50, v60  }
0xa2: {  	v46 =	vadd.f32 v49, v46;
	v44 =	vperm.xlane v50, v61;
	v62 =	vmul.f32 v41, v7  }
0xa3: {  	v56 =	vadd.f32 v55, v47;
	v63 =	vmul.f32 v42, v15;
	v52 =	vmul.f32 v34, v23  }
0xa4: {  	v37 =	vadd.f32 v40, v37;
	v53 =	vmul.f32 v44, v31;
	v54 =	vmul.f32 v41, v0  }
0xa5: {  	v39 =	vadd.f32 v56, v46;
	v55 =	vmul.f32 v42, v8;
	v56 =	vmul.f32 v34, v16  }
0xa6: {  	v43 =	vadd.f32 v45, v43;
	v57 =	vmul.f32 v44, v24;
	v58 =	vmul.f32 v41, v1  }
0xa7: {  	v32 =	vadd.f32 v32, v33;
	v59 =	vmul.f32 v42, v9;
	v60 =	vmul.f32 v34, v17  }
0xa8: {  	v61 =	vmul.f32 v44, v25;
	v51 =	vmul.f32 v34, v18;
	v40 =	vadd.f32 v63, v62  }
0xa9: {  	v45 =	vadd.f32 v53, v52;
	v62 =	vmul.f32 v41, v2;
	v63 =	vmul.f32 v42, v10  }
0xaa: {  	v46 =	vadd.f32 v55, v54;
	v53 =	vmul.f32 v44, v26;
	v54 =	vmul.f32 v41, v3  }
0xab: {  	v33 =	vadd.f32 v57, v56;
	v55 =	vmul.f32 v42, v11;
	v56 =	vmul.f32 v34, v19  }
0xac: {  	[tilespmem:s8+$0xFFFFFFC0] =	vst v36;
	v48 =	vadd.f32 v59, v58;
	v57 =	vmul.f32 v44, v27;
	v58 =	vmul.f32 v41, v4  }
0xad: {  	[tilespmem:s8+$0xFFFFFFD0] =	vst v38;
	v59 =	vmul.f32 v42, v12;
	v40 =	vadd.f32 v45, v40;
	v45 =	vadd.f32 v61, v60  }
0xae: {  	[tilespmem:s8+$0xFFFFFFF0] =	vst v37;
	v47 =	vadd.f32 v63, v62;
	v50 =	vadd.f32 v53, v51;
	v60 =	vmul.f32 v34, v20  }
0xaf: {  	[tilespmem:s8+$0xFFFFFFE0] =	vst v35;
	v36 =	vadd.f32 v55, v54;
	v61 =	vmul.f32 v44, v28;
	v62 =	vmul.f32 v41, v5  }
0xb0: {  	[tilespmem:s8+$0x0] =	vst v43;
	v38 =	vadd.f32 v57, v56;
	v63 =	vmul.f32 v42, v13;
	v54 =	vmul.f32 v34, v21  }
0xb1: {  	[tilespmem:s8+$0x10] =	vst v39;
	v35 =	vadd.f32 v59, v58;
	v55 =	vmul.f32 v44, v29;
	v56 =	vmul.f32 v41, v6  }
0xb2: {  	s30 =	sadd.s32 $0x80, s8;
	[tilespmem:s8+$0x20] =	vst v32;
	v33 =	vadd.f32 v33, v46;
	v58 =	vmul.f32 v42, v14;
	v37 =	vadd.f32 v61, v60  }
0xb3: {  	v34 =	vmul.f32 v34, v22;
	v57 =	vadd.f32 v63, v62;
	[tilespmem:s30+$0x30] =	vst v40;
	v59 =	vadd.f32 v45, v48  }
0xb4: {  	v39 =	vadd.f32 v55, v54;
	v60 =	vmul.f32 v44, v30;
	[tilespmem:s30+$0xFFFFFFC0] =	vst v33;
	v61 =	vadd.f32 v50, v47  }
0xb5: {  	v32 =	vadd.f32 v58, v56;
	v36 =	vadd.f32 v38, v36;
	[tilespmem:s30+$0xFFFFFFD0] =	vst v59  }
0xb6: {  	v34 =	vadd.f32 v60, v34;
	[tilespmem:s30+$0xFFFFFFE0] =	vst v61;
	v62 =	vadd.f32 v37, v35  }
.Ltmp3:
0xb7: {  	[tilespmem:s30+$0xFFFFFFF0] =	vst v36;
	v63 =	vadd.f32 v39, v57;
	(pc) =	sbr.rel .LBB2_4-.Ltmp3, $4  }
0xb8: {  	[tilespmem:s30+$0x0] =	vst v62;
	v32 =	vadd.f32 v34, v32  }
0xb9: {  	[tilespmem:s30+$0x10] =	vst v63  }
0xba: {  	s31 =	simm.s32 $0x0;
	s13 =	simm.s32 $0x0;
	[tilespmem:s30+$0x20] =	vst v32  }
0xbb: {  	[tilespmem:s19], [sflag:$0x1] =	stream.indirect.gather.add.f32 [spmem:s3], $0x80, s31, s28, $0xb8;
	[tilespmem:$0x12B40] =	vst v63  }
.LBB2_18:
0xbc: {  	s13 =	sadd.s32 $0x1, s13  }
0xbd: {  	s0 =	simm.s32 @!p2 $0x4;
	p1 =	sne.s32 s13, $0xD  }
.Ltmp4:
0xbe: {  	s8 =	sshll.u32 @!p2 s8, $0xE;
	_ =	swait.ge @!p2 [sflag:s0], $0x4000;
	(pc) =	sbr.rel @!p1 .LBB2_19-.Ltmp4, $4  }
0xbf: {  	s8 =	sadd.s32 @!p2 s10, s8;
	[sflag:s0] =	ssyncset.done @!p2 $0x0  }
0xc0: {  	[sflag:s0] =	ssyncadd.s32 @!p2 $0xFFFFC000;
	s0 =	sshrl.u32 @!p2 s8, $0x3  }
0xc1: {  	s9 =	simm.s32 @!p2 $0xCA00;
	s8 =	simm.s32 @!p2 $0x0;
	s0 =	sadd.s32 @!p2 s2, s0  }
0xc2: {  	[hbm4b:s0+s8] =	stream.linear.scatter @!p2 [tilespmem:s9], [sflag:$0x8], $0x4000, $0x38;
	[tilespmem:$0x12B40] =	vst v63  }
.LBB2_4:
0xc3: {  	s8 =	sshll.u32 s13, $0x2  }
0xc4: {  	s20 =	sor.u32 $0x2, s8  }
0xc5: {  	p1 =	sgt.u32 s20, $0x31  }
0xc6: {  	s0 =	sshll.u32 @!p1 s20, $0x7  }
0xc7: {  	s0 =	sadd.s32 @!p1 s5, s0  }
0xc8: {  	s16 =	simm.s32 @!p1 $0x0;
	s9 =	sshrl.u32 @!p1 s0, $0x3  }
0xc9: {  	s18 =	simm.s32 @!p1 $0x100;
	s0 =	sshrl.u32 @!p1 s0, $0x1;
	s9 =	sadd.s32 @!p1 s6, s9  }
0xca: {  	[tilespmem:s18], [sflag:$0xB] =	stream.linear.gather @!p1 [hbm4b:s9+s16], $0x80, $0x38;
	[tilespmem:$0x12B40] =	vst v63  }
0xcb: {  	s0 =	sadd.s32 @!p1 s7, s0;
	s9 =	simm.s32 @!p1 $0x300  }
0xcc: {  	[tilespmem:s9], [sflag:$0xB] =	stream.linear.gather @!p1 [hbm4b:s0+s16], $0x80, $0x38;
	[tilespmem:$0x12B40] =	vst v63  }
0xcd: {  	s18 =	simm.s32 @!p1 $0x500;
	s9 =	sadd.s32 @!p1 $0x10, s0  }
0xce: {  	[tilespmem:s18], [sflag:$0xB] =	stream.linear.gather @!p1 [hbm4b:s9+s16], $0x80, $0x38;
	[tilespmem:$0x12B40] =	vst v63  }
0xcf: {  	s9 =	sadd.s32 @!p1 $0x20, s0;
	s18 =	simm.s32 @!p1 $0x700  }
0xd0: {  	[tilespmem:s18], [sflag:$0xB] =	stream.linear.gather @!p1 [hbm4b:s9+s16], $0x80, $0x38;
	[tilespmem:$0x12B40] =	vst v63  }
0xd1: {  	p3 =	seq.s32 s13, $0x0;
	s0 =	sadd.s32 @!p1 $0x30, s0;
	s9 =	simm.s32 @!p1 $0x900  }
0xd2: {  	[tilespmem:s9], [sflag:$0xB] =	stream.linear.gather @!p1 [hbm4b:s0+s16], $0x80, $0x38;
	[tilespmem:$0x12B40] =	vst v63  }
0xd3: {  	s0 =	simm.s32 @!p3 $0x6  }
0xd4: {  	_ =	swait.ge @!p3 [sflag:s0], $0x4000  }
0xd5: {  	[sflag:s0] =	ssyncset.done @!p3 $0x0  }
0xd6: {  	[sflag:s0] =	ssyncadd.s32 @!p3 $0xFFFFC000  }
0xd7: {  	_ =	swait.ge [sflag:s21], $0x80  }
0xd8: {  	[sflag:s21] =	ssyncset.done $0x0  }
0xd9: {  	[sflag:s21] =	ssyncadd.s32 $0xFFFFFF80  }
0xda: {  	s11 =	simm.s32 $0x0;
	s16 =	simm.s32 $0x0;
	_ =	swait.ge [sflag:s21], $0x200  }
0xdb: {  	s9 =	sand.u32 $0x600, s16;
	s0 =	sand.u32 $0x70, s11;
	[sflag:s21] =	ssyncset.done $0x0  }
0xdc: {  	s0 =	sor.u32 s0, s9;
	[sflag:s21] =	ssyncadd.s32 $0xFFFFFE00  }
0xdd: {  	v32 =	vld [tilespmem:s0+$0x280]  }
0xde: {  	s18 =	simm.s32 $0x0  }
0xdf: {  	s0 =	sand.u32 $0xC, s18  }
0xe0: {  	s22 =	sor.u32 $0x1, s0;
	s11 =	sor.u32 $0x2, s0  }
0xe1: {  	v33 =	vmov s0;
	s0 =	sor.u32 $0x3, s0;
	v34 =	vmov s22;
	v36 =	vmov s11  }
0xe2: {  	v37 =	vmov s0;
	v35 =	vperm.xlane v32, v33;
	v33 =	vperm.xlane v32, v34  }
0xe3: {  	v34 =	vperm.xlane v32, v36;
	v32 =	vperm.xlane v32, v37  }
0xe4: {  	v53 =	vmul.f32 v35, v7;
	v54 =	vmul.f32 v33, v15  }
0xe5: {  	v38 =	vmul.f32 v34, v23;
	v39 =	vmul.f32 v32, v31  }
0xe6: {  	v40 =	vmul.f32 v35, v0;
	v41 =	vmul.f32 v33, v8  }
0xe7: {  	v42 =	vmul.f32 v34, v16;
	v55 =	vmul.f32 v32, v24  }
0xe8: {  	v56 =	vmul.f32 v35, v1;
	v57 =	vmul.f32 v33, v9  }
0xe9: {  	v43 =	vmul.f32 v34, v17;
	v58 =	vmul.f32 v32, v25  }
0xea: {  	v45 =	vmul.f32 v35, v2;
	v59 =	vmul.f32 v33, v10  }
0xeb: {  	v60 =	vmul.f32 v34, v18;
	v61 =	vmul.f32 v32, v26  }
0xec: {  	v46 =	vmul.f32 v35, v3;
	v62 =	vmul.f32 v33, v11  }
0xed: {  	v47 =	vmul.f32 v34, v19;
	v63 =	vmul.f32 v32, v27;
	v37 =	vadd.f32 v54, v53  }
0xee: {  	v49 =	vmul.f32 v35, v4;
	v38 =	vadd.f32 v39, v38;
	v36 =	vadd.f32 v41, v40  }
0xef: {  	v50 =	vmul.f32 v33, v12;
	v39 =	vadd.f32 v55, v42;
	v42 =	vadd.f32 v58, v43  }
0xf0: {  	v48 =	vmul.f32 v32, v28;
	v40 =	vadd.f32 v59, v45;
	v43 =	vadd.f32 v61, v60  }
0xf1: {  	s30 =	simm.s32 $0x400;
	s29 =	simm.s32 $0x0;
	s16 =	simm.s32 $0x4;
	v45 =	vmul.f32 v34, v20;
	v41 =	vadd.f32 v63, v47;
	v44 =	vadd.f32 v38, v37  }
0xf2: {  	s31 =	sand.u32 $0x70, s16;
	s18 =	simm.s32 $0x0;
	s11 =	simm.s32 $0x10;
	v47 =	vmul.f32 v34, v21;
	v38 =	vadd.f32 v57, v56;
	v37 =	vadd.f32 v62, v46  }
0xf3: {  	s9 =	simm.s32 $0x200;
	s22 =	simm.s32 $0x1;
	s0 =	sand.u32 $0x600, s11;
	v46 =	vmul.f32 v35, v5;
	[tilespmem:s18+$0x4A70] =	vst v44;
	v44 =	vadd.f32 v50, v49;
	v49 =	vmul.f32 v33, v13  }
.LBB2_5:
0xf4: {  	p2 =	sne.s32 s30, $0xFE00;
	s0 =	sor.u32 s31, s0;
	v45 =	vadd.f32 v48, v45;
	v48 =	vmul.f32 v32, v29;
	v35 =	vmul.f32 v35, v6  }
0xf5: {  	v33 =	vmul.f32 v33, v14;
	v34 =	vmul.f32 v34, v22;
	v50 =	vld [tilespmem:s0+$0x280];
	v46 =	vadd.f32 v49, v46  }
0xf6: {  	v36 =	vadd.f32 v39, v36;
	v32 =	vmul.f32 v32, v30;
	s29 =	sadd.s32 $0x4, s29;
	v39 =	vadd.f32 v48, v47  }
0xf7: {  	v38 =	vadd.f32 v42, v38;
	s0 =	sand.u32 $0xC, s29;
	v42 =	vadd.f32 v33, v35  }
0xf8: {  	s16 =	sor.u32 $0x1, s0;
	s31 =	sor.u32 $0x2, s0;
	[tilespmem:s18+$0x4A00] =	vst v36;
	v36 =	vadd.f32 v43, v40;
	v40 =	vadd.f32 v32, v34  }
0xf9: {  	v33 =	vmov s16;
	v32 =	vmov s0;
	v34 =	vmov s31;
	s0 =	sor.u32 $0x3, s0;
	[tilespmem:s18+$0x4A10] =	vst v38  }
0xfa: {  	v35 =	vperm.xlane v50, v32;
	v33 =	vperm.xlane v50, v33;
	v32 =	vmov s0;
	[tilespmem:s18+$0x4A20] =	vst v36  }
0xfb: {  	v34 =	vperm.xlane v50, v34;
	v36 =	vadd.f32 v41, v37;
	v32 =	vperm.xlane v50, v32  }
0xfc: {  	v41 =	vadd.f32 v45, v44;
	v37 =	vmul.f32 v35, v7;
	v38 =	vmul.f32 v33, v15  }
0xfd: {  	v43 =	vmul.f32 v34, v23;
	v44 =	vmul.f32 v32, v31;
	[tilespmem:s18+$0x4A30] =	vst v36;
	v36 =	vadd.f32 v39, v46  }
0xfe: {  	v40 =	vadd.f32 v40, v42;
	v45 =	vmul.f32 v33, v8;
	v39 =	vmul.f32 v35, v0;
	[tilespmem:s18+$0x4A40] =	vst v41  }
0xff: {  	v41 =	vmul.f32 v34, v16;
	v37 =	vadd.f32 v38, v37;
	v38 =	vadd.f32 v44, v43;
	[tilespmem:s18+$0x4A50] =	vst v36  }
0x100: {  	v42 =	vmul.f32 v32, v24;
	v36 =	vadd.f32 v45, v39;
	v43 =	vmul.f32 v35, v1;
	[tilespmem:s18+$0x4A60] =	vst v40  }
0x101: {  	v44 =	vmul.f32 v34, v17;
	v40 =	vmul.f32 v33, v9;
	v37 =	vadd.f32 v38, v37  }
0x102: {  	v45 =	vmul.f32 v35, v2;
	v39 =	vadd.f32 v42, v41;
	s18 =	sshra.s32 s9, $0x2;
	v41 =	vmul.f32 v32, v25;
	s9 =	smov.u32 s30  }
0x103: {  	v38 =	vadd.f32 v40, v43;
	v40 =	vmul.f32 v33, v10;
	v43 =	vmul.f32 v34, v18;
	[tilespmem:s18+$0x4A70] =	vst v37  }
0x104: {  	v42 =	vadd.f32 v41, v44;
	v41 =	vmul.f32 v35, v3;
	v37 =	vmul.f32 v32, v26  }
.Ltmp5:
0x105: {  	v46 =	vmul.f32 v34, v19;
	v44 =	vmul.f32 v33, v11;
	v40 =	vadd.f32 v40, v45;
	(pc) =	sbr.rel @p2 .LBB2_5-.Ltmp5, $4  }
0x106: {  	v49 =	vmul.f32 v35, v4;
	v47 =	vmul.f32 v32, v27;
	v43 =	vadd.f32 v37, v43  }
0x107: {  	s22 =	sadd.s32 $0x1, s22;
	v45 =	vmul.f32 v34, v20;
	v37 =	vadd.f32 v44, v41;
	v44 =	vmul.f32 v33, v12  }
0x108: {  	s16 =	sshll.u32 s22, $0x4;
	s0 =	sshll.u32 s22, $0x2;
	v48 =	vmul.f32 v32, v28;
	v41 =	vadd.f32 v47, v46;
	v46 =	vmul.f32 v35, v5  }
0x109: {  	s31 =	sand.u32 $0x70, s0;
	s0 =	sand.u32 $0x600, s16;
	s30 =	sadd.s32 $0x200, s30;
	v47 =	vmul.f32 v34, v21;
	v44 =	vadd.f32 v44, v49;
	v49 =	vmul.f32 v33, v13  }
0x10a: {  	s0 =	sor.u32 s31, s0  }
0x10b: {  	v50 =	vld [tilespmem:s0+$0x280]  }
0x10c: {  	v45 =	vadd.f32 v48, v45;
	v35 =	vmul.f32 v35, v6;
	v33 =	vmul.f32 v33, v14  }
0x10d: {  	v36 =	vadd.f32 v39, v36;
	s29 =	sadd.s32 $0x4, s29;
	v34 =	vmul.f32 v34, v22;
	v57 =	vmul.f32 v32, v30  }
0x10e: {  	v55 =	vmul.f32 v32, v29;
	v38 =	vadd.f32 v42, v38;
	s0 =	sand.u32 $0xC, s29;
	v33 =	vadd.f32 v33, v35  }
0x10f: {  	s16 =	sor.u32 $0x1, s0;
	s22 =	sor.u32 $0x2, s0;
	v35 =	vadd.f32 v43, v40;
	v58 =	vmov s0;
	v32 =	vadd.f32 v57, v34  }
0x110: {  	s0 =	sor.u32 $0x3, s0;
	v59 =	vmov s16;
	v60 =	vmov s22;
	v40 =	vperm.xlane v50, v58  }
0x111: {  	v61 =	vmov s0;
	v42 =	vperm.xlane v50, v59;
	v34 =	vperm.xlane v50, v60  }
0x112: {  	v46 =	vadd.f32 v49, v46;
	v43 =	vperm.xlane v50, v61;
	v62 =	vmul.f32 v40, v7  }
0x113: {  	v56 =	vadd.f32 v55, v47;
	v63 =	vmul.f32 v42, v15;
	v52 =	vmul.f32 v34, v23  }
0x114: {  	v37 =	vadd.f32 v41, v37;
	v53 =	vmul.f32 v43, v31;
	v54 =	vmul.f32 v40, v0  }
0x115: {  	v39 =	vadd.f32 v56, v46;
	v55 =	vmul.f32 v42, v8;
	v56 =	vmul.f32 v34, v16  }
0x116: {  	v44 =	vadd.f32 v45, v44;
	v57 =	vmul.f32 v43, v24;
	v58 =	vmul.f32 v40, v1  }
0x117: {  	v32 =	vadd.f32 v32, v33;
	v59 =	vmul.f32 v42, v9;
	v60 =	vmul.f32 v34, v17  }
0x118: {  	v61 =	vmul.f32 v43, v25;
	v51 =	vmul.f32 v34, v18;
	v41 =	vadd.f32 v63, v62  }
0x119: {  	v45 =	vadd.f32 v53, v52;
	v46 =	vadd.f32 v55, v54;
	v62 =	vmul.f32 v40, v2  }
0x11a: {  	v33 =	vadd.f32 v57, v56;
	v63 =	vmul.f32 v42, v10;
	v54 =	vmul.f32 v43, v26  }
0x11b: {  	v48 =	vadd.f32 v59, v58;
	v55 =	vmul.f32 v40, v3;
	v56 =	vmul.f32 v42, v11  }
0x11c: {  	[tilespmem:s18+$0x4A00] =	vst v36;
	v57 =	vmul.f32 v34, v19;
	v58 =	vmul.f32 v43, v27;
	v41 =	vadd.f32 v45, v41  }
0x11d: {  	[tilespmem:s18+$0x4A10] =	vst v38;
	v59 =	vmul.f32 v40, v4;
	v45 =	vadd.f32 v61, v60;
	v47 =	vadd.f32 v63, v62  }
0x11e: {  	[tilespmem:s18+$0x4A30] =	vst v37;
	v50 =	vadd.f32 v54, v51;
	v60 =	vmul.f32 v42, v12;
	v61 =	vmul.f32 v34, v20  }
0x11f: {  	[tilespmem:s18+$0x4A20] =	vst v35;
	v36 =	vadd.f32 v56, v55;
	v62 =	vmul.f32 v43, v28;
	v63 =	vmul.f32 v40, v5  }
0x120: {  	[tilespmem:s18+$0x4A40] =	vst v44;
	v38 =	vadd.f32 v58, v57;
	v54 =	vmul.f32 v42, v13;
	v55 =	vmul.f32 v34, v21  }
0x121: {  	[tilespmem:s18+$0x4A50] =	vst v39;
	v56 =	vmul.f32 v43, v29;
	v57 =	vmul.f32 v40, v6;
	v33 =	vadd.f32 v33, v46  }
0x122: {  	s30 =	sshra.s32 s9, $0x2;
	[tilespmem:s18+$0x4A60] =	vst v32;
	v34 =	vmul.f32 v34, v22;
	v35 =	vadd.f32 v60, v59;
	v37 =	vadd.f32 v62, v61  }
0x123: {  	v43 =	vmul.f32 v43, v30;
	v58 =	vadd.f32 v54, v63;
	[tilespmem:s30+$0x4A70] =	vst v41;
	v60 =	vadd.f32 v45, v48  }
0x124: {  	v59 =	vmul.f32 v42, v14;
	v39 =	vadd.f32 v56, v55;
	[tilespmem:s30+$0x4A00] =	vst v33;
	v61 =	vadd.f32 v50, v47  }
0x125: {  	v36 =	vadd.f32 v38, v36;
	v34 =	vadd.f32 v43, v34;
	[tilespmem:s30+$0x4A10] =	vst v60  }
0x126: {  	v32 =	vadd.f32 v59, v57;
	[tilespmem:s30+$0x4A20] =	vst v61;
	v62 =	vadd.f32 v37, v35  }
0x127: {  	[tilespmem:s30+$0x4A30] =	vst v36;
	v63 =	vadd.f32 v39, v58  }
0x128: {  	[tilespmem:s30+$0x4A40] =	vst v62;
	v32 =	vadd.f32 v34, v32  }
0x129: {  	[tilespmem:s30+$0x4A50] =	vst v63  }
0x12a: {  	s9 =	sshll.u32 s13, $0x10;
	[tilespmem:s30+$0x4A60] =	vst v32  }
0x12b: {  	[tilespmem:s23], [sflag:$0x2] =	stream.indirect.gather.add.f32 [spmem:s3], $0x80, s28, s28, $0xb8;
	[tilespmem:$0x12B40] =	vst v63  }
0x12c: {  	s31 =	sadd.s32 s10, s9;
	_ =	swait.ge [sflag:s25], $0x4000  }
0x12d: {  	s8 =	sor.u32 $0x3, s8;
	s0 =	sshrl.u32 s31, $0x3;
	[sflag:s25] =	ssyncset.done $0x0  }
0x12e: {  	p2 =	sgt.u32 s8, $0x31;
	s0 =	sadd.s32 s2, s0;
	[sflag:s25] =	ssyncadd.s32 $0xFFFFC000  }
0x12f: {  	[hbm4b:s0+s4] =	stream.linear.scatter [tilespmem:s19], [sflag:$0x5], $0x4000, $0x38;
	[tilespmem:$0x12B40] =	vst v63  }
0x130: {  	s0 =	sshll.u32 @!p2 s8, $0x7  }
0x131: {  	s0 =	sadd.s32 @!p2 s5, s0  }
0x132: {  	s22 =	simm.s32 @!p2 $0x180;
	s16 =	sshrl.u32 @!p2 s0, $0x3  }
0x133: {  	s18 =	simm.s32 @!p2 $0x0;
	s0 =	sshrl.u32 @!p2 s0, $0x1;
	s16 =	sadd.s32 @!p2 s6, s16  }
0x134: {  	[tilespmem:s22], [sflag:$0xC] =	stream.linear.gather @!p2 [hbm4b:s16+s18], $0x80, $0x38;
	[tilespmem:$0x12B40] =	vst v63  }
0x135: {  	s0 =	sadd.s32 @!p2 s7, s0;
	s16 =	simm.s32 @!p2 $0x380  }
0x136: {  	[tilespmem:s16], [sflag:$0xC] =	stream.linear.gather @!p2 [hbm4b:s0+s18], $0x80, $0x38;
	[tilespmem:$0x12B40] =	vst v63  }
0x137: {  	s22 =	simm.s32 @!p2 $0x580;
	s16 =	sadd.s32 @!p2 $0x10, s0  }
0x138: {  	[tilespmem:s22], [sflag:$0xC] =	stream.linear.gather @!p2 [hbm4b:s16+s18], $0x80, $0x38;
	[tilespmem:$0x12B40] =	vst v63  }
.Ltmp6:
0x139: {  	_ = 	snop;
	(pc) =	sbr.rel @p1 .LBB2_10-.Ltmp6, $4  }
0x13a: {  	s16 =	sadd.s32 @!p2 $0x20, s0;
	s22 =	simm.s32 @!p2 $0x780  }
0x13b: {  	[tilespmem:s22], [sflag:$0xC] =	stream.linear.gather @!p2 [hbm4b:s16+s18], $0x80, $0x38;
	[tilespmem:$0x12B40] =	vst v63  }
0x13c: {  	s0 =	sadd.s32 @!p2 $0x30, s0;
	s16 =	simm.s32 @!p2 $0x980  }
0x13d: {  	[tilespmem:s16], [sflag:$0xC] =	stream.linear.gather @!p2 [hbm4b:s0+s18], $0x80, $0x38;
	[tilespmem:$0x12B40] =	vst v63  }
0x13e: {  	s0 =	simm.s32 @!p3 $0x7  }
0x13f: {  	_ =	swait.ge @!p3 [sflag:s0], $0x4000  }
0x140: {  	[sflag:s0] =	ssyncset.done @!p3 $0x0  }
0x141: {  	[sflag:s0] =	ssyncadd.s32 @!p3 $0xFFFFC000  }
0x142: {  	_ =	swait.ge [sflag:s26], $0x80  }
0x143: {  	[sflag:s26] =	ssyncset.done $0x0  }
0x144: {  	[sflag:s26] =	ssyncadd.s32 $0xFFFFFF80  }
0x145: {  	s18 =	simm.s32 $0x0;
	s16 =	simm.s32 $0x0;
	_ =	swait.ge [sflag:s26], $0x200  }
0x146: {  	s16 =	sand.u32 $0x600, s16;
	s0 =	sand.u32 $0x70, s18;
	[sflag:s26] =	ssyncset.done $0x0  }
0x147: {  	s0 =	sor.u32 s0, s16;
	[sflag:s26] =	ssyncadd.s32 $0xFFFFFE00  }
0x148: {  	v32 =	vld [tilespmem:s0+$0x300]  }
0x149: {  	s29 =	simm.s32 $0x0  }
0x14a: {  	s22 =	sand.u32 $0xC, s29  }
0x14b: {  	s11 =	sor.u32 $0x1, s22;
	s18 =	sor.u32 $0x2, s22  }
0x14c: {  	v33 =	vmov s22;
	v34 =	vmov s11;
	v36 =	vmov s18;
	s0 =	sor.u32 $0x3, s22  }
0x14d: {  	v37 =	vmov s0;
	v35 =	vperm.xlane v32, v33;
	v33 =	vperm.xlane v32, v34  }
0x14e: {  	v34 =	vperm.xlane v32, v36;
	v32 =	vperm.xlane v32, v37  }
0x14f: {  	v53 =	vmul.f32 v35, v7;
	v54 =	vmul.f32 v33, v15  }
0x150: {  	v38 =	vmul.f32 v34, v23;
	v39 =	vmul.f32 v32, v31  }
0x151: {  	v40 =	vmul.f32 v35, v0;
	v41 =	vmul.f32 v33, v8  }
0x152: {  	v42 =	vmul.f32 v34, v16;
	v55 =	vmul.f32 v32, v24  }
0x153: {  	v56 =	vmul.f32 v35, v1;
	v57 =	vmul.f32 v33, v9  }
0x154: {  	v43 =	vmul.f32 v34, v17;
	v58 =	vmul.f32 v32, v25  }
0x155: {  	v45 =	vmul.f32 v35, v2;
	v59 =	vmul.f32 v33, v10  }
0x156: {  	v60 =	vmul.f32 v34, v18;
	v61 =	vmul.f32 v32, v26  }
0x157: {  	v46 =	vmul.f32 v35, v3;
	v62 =	vmul.f32 v33, v11  }
0x158: {  	v47 =	vmul.f32 v34, v19;
	v63 =	vmul.f32 v32, v27;
	v37 =	vadd.f32 v54, v53  }
0x159: {  	v49 =	vmul.f32 v35, v4;
	v38 =	vadd.f32 v39, v38;
	v36 =	vadd.f32 v41, v40  }
0x15a: {  	v50 =	vmul.f32 v33, v12;
	v39 =	vadd.f32 v55, v42;
	v42 =	vadd.f32 v58, v43  }
0x15b: {  	v48 =	vmul.f32 v32, v28;
	v40 =	vadd.f32 v59, v45;
	v43 =	vadd.f32 v61, v60  }
0x15c: {  	s30 =	simm.s32 $0x1;
	s31 =	simm.s32 $0x400;
	v45 =	vmul.f32 v34, v20;
	v41 =	vadd.f32 v63, v47;
	v44 =	vadd.f32 v38, v37  }
0x15d: {  	s11 =	simm.s32 $0x10;
	s16 =	simm.s32 $0x4;
	s22 =	simm.s32 $0x0;
	v47 =	vmul.f32 v34, v21;
	v38 =	vadd.f32 v57, v56;
	v37 =	vadd.f32 v62, v46  }
0x15e: {  	s18 =	simm.s32 $0x200;
	s0 =	sand.u32 $0x70, s16;
	s16 =	sand.u32 $0x600, s11;
	v46 =	vmul.f32 v35, v5;
	[tilespmem:s22+$0x8A70] =	vst v44;
	v44 =	vadd.f32 v50, v49;
	v49 =	vmul.f32 v33, v13  }
.LBB2_8:
0x15f: {  	p4 =	sne.s32 s31, $0xFE00;
	s0 =	sor.u32 s0, s16;
	v45 =	vadd.f32 v48, v45;
	v48 =	vmul.f32 v32, v29;
	v35 =	vmul.f32 v35, v6  }
0x160: {  	v33 =	vmul.f32 v33, v14;
	v34 =	vmul.f32 v34, v22;
	v50 =	vld [tilespmem:s0+$0x300];
	v46 =	vadd.f32 v49, v46  }
0x161: {  	v36 =	vadd.f32 v39, v36;
	v32 =	vmul.f32 v32, v30;
	s29 =	sadd.s32 $0x4, s29;
	v39 =	vadd.f32 v48, v47  }
0x162: {  	v38 =	vadd.f32 v42, v38;
	s0 =	sand.u32 $0xC, s29;
	v42 =	vadd.f32 v33, v35  }
0x163: {  	s16 =	sor.u32 $0x1, s0;
	s11 =	sor.u32 $0x2, s0;
	[tilespmem:s22+$0x8A00] =	vst v36;
	v36 =	vadd.f32 v43, v40;
	v40 =	vadd.f32 v32, v34  }
0x164: {  	v33 =	vmov s16;
	v32 =	vmov s0;
	v34 =	vmov s11;
	s0 =	sor.u32 $0x3, s0;
	[tilespmem:s22+$0x8A10] =	vst v38  }
0x165: {  	v35 =	vperm.xlane v50, v32;
	v33 =	vperm.xlane v50, v33;
	v32 =	vmov s0;
	[tilespmem:s22+$0x8A20] =	vst v36  }
0x166: {  	v34 =	vperm.xlane v50, v34;
	v36 =	vadd.f32 v41, v37;
	v32 =	vperm.xlane v50, v32  }
0x167: {  	v41 =	vadd.f32 v45, v44;
	v37 =	vmul.f32 v35, v7;
	v38 =	vmul.f32 v33, v15  }
0x168: {  	v43 =	vmul.f32 v34, v23;
	v44 =	vmul.f32 v32, v31;
	[tilespmem:s22+$0x8A30] =	vst v36;
	v36 =	vadd.f32 v39, v46  }
0x169: {  	v40 =	vadd.f32 v40, v42;
	v45 =	vmul.f32 v33, v8;
	v39 =	vmul.f32 v35, v0;
	[tilespmem:s22+$0x8A40] =	vst v41  }
0x16a: {  	v41 =	vmul.f32 v34, v16;
	v37 =	vadd.f32 v38, v37;
	v38 =	vadd.f32 v44, v43;
	[tilespmem:s22+$0x8A50] =	vst v36  }
0x16b: {  	v42 =	vmul.f32 v32, v24;
	v36 =	vadd.f32 v45, v39;
	v43 =	vmul.f32 v35, v1;
	[tilespmem:s22+$0x8A60] =	vst v40  }
0x16c: {  	v44 =	vmul.f32 v34, v17;
	v40 =	vmul.f32 v33, v9;
	v37 =	vadd.f32 v38, v37  }
0x16d: {  	v45 =	vmul.f32 v35, v2;
	v39 =	vadd.f32 v42, v41;
	s22 =	sshra.s32 s18, $0x2;
	v41 =	vmul.f32 v32, v25;
	s18 =	smov.u32 s31  }
0x16e: {  	v38 =	vadd.f32 v40, v43;
	v40 =	vmul.f32 v33, v10;
	v43 =	vmul.f32 v34, v18;
	[tilespmem:s22+$0x8A70] =	vst v37  }
0x16f: {  	v42 =	vadd.f32 v41, v44;
	v41 =	vmul.f32 v35, v3;
	v37 =	vmul.f32 v32, v26  }
.Ltmp7:
0x170: {  	v46 =	vmul.f32 v34, v19;
	v44 =	vmul.f32 v33, v11;
	v40 =	vadd.f32 v40, v45;
	(pc) =	sbr.rel @p4 .LBB2_8-.Ltmp7, $4  }
0x171: {  	v49 =	vmul.f32 v35, v4;
	v47 =	vmul.f32 v32, v27;
	v43 =	vadd.f32 v37, v43  }
0x172: {  	s30 =	sadd.s32 $0x1, s30;
	v45 =	vmul.f32 v34, v20;
	v37 =	vadd.f32 v44, v41;
	v44 =	vmul.f32 v33, v12  }
0x173: {  	s11 =	sshll.u32 s30, $0x4;
	s0 =	sshll.u32 s30, $0x2;
	v48 =	vmul.f32 v32, v28;
	v41 =	vadd.f32 v47, v46;
	v46 =	vmul.f32 v35, v5  }
0x174: {  	s16 =	sand.u32 $0x600, s11;
	s0 =	sand.u32 $0x70, s0;
	s31 =	sadd.s32 $0x200, s31;
	v47 =	vmul.f32 v34, v21;
	v44 =	vadd.f32 v44, v49;
	v49 =	vmul.f32 v33, v13  }
0x175: {  	s0 =	sor.u32 s0, s16  }
0x176: {  	v50 =	vld [tilespmem:s0+$0x300]  }
0x177: {  	v45 =	vadd.f32 v48, v45;
	v35 =	vmul.f32 v35, v6;
	v33 =	vmul.f32 v33, v14  }
0x178: {  	v36 =	vadd.f32 v39, v36;
	s30 =	sadd.s32 $0x4, s29;
	v34 =	vmul.f32 v34, v22;
	v57 =	vmul.f32 v32, v30  }
0x179: {  	v55 =	vmul.f32 v32, v29;
	v38 =	vadd.f32 v42, v38;
	s0 =	sand.u32 $0xC, s30;
	v33 =	vadd.f32 v33, v35  }
0x17a: {  	s11 =	sor.u32 $0x1, s0;
	s31 =	sor.u32 $0x2, s0;
	v35 =	vadd.f32 v43, v40;
	v58 =	vmov s0;
	v32 =	vadd.f32 v57, v34  }
0x17b: {  	s0 =	sor.u32 $0x3, s0;
	v59 =	vmov s11;
	v60 =	vmov s31;
	v40 =	vperm.xlane v50, v58  }
0x17c: {  	v61 =	vmov s0;
	v42 =	vperm.xlane v50, v59;
	v34 =	vperm.xlane v50, v60  }
0x17d: {  	v46 =	vadd.f32 v49, v46;
	v43 =	vperm.xlane v50, v61;
	v62 =	vmul.f32 v40, v7  }
0x17e: {  	v56 =	vadd.f32 v55, v47;
	v63 =	vmul.f32 v42, v15;
	v52 =	vmul.f32 v34, v23  }
0x17f: {  	v37 =	vadd.f32 v41, v37;
	v53 =	vmul.f32 v43, v31;
	v54 =	vmul.f32 v40, v0  }
0x180: {  	v39 =	vadd.f32 v56, v46;
	v55 =	vmul.f32 v42, v8;
	v56 =	vmul.f32 v34, v16  }
0x181: {  	v44 =	vadd.f32 v45, v44;
	v57 =	vmul.f32 v43, v24;
	v58 =	vmul.f32 v40, v1  }
0x182: {  	v32 =	vadd.f32 v32, v33;
	v59 =	vmul.f32 v42, v9;
	v60 =	vmul.f32 v34, v17  }
0x183: {  	v61 =	vmul.f32 v43, v25;
	v51 =	vmul.f32 v34, v18;
	v41 =	vadd.f32 v63, v62  }
0x184: {  	v45 =	vadd.f32 v53, v52;
	v46 =	vadd.f32 v55, v54;
	v62 =	vmul.f32 v40, v2  }
0x185: {  	v33 =	vadd.f32 v57, v56;
	v63 =	vmul.f32 v42, v10;
	v54 =	vmul.f32 v43, v26  }
0x186: {  	v48 =	vadd.f32 v59, v58;
	v55 =	vmul.f32 v40, v3;
	v56 =	vmul.f32 v42, v11  }
0x187: {  	[tilespmem:s22+$0x8A00] =	vst v36;
	v57 =	vmul.f32 v34, v19;
	v58 =	vmul.f32 v43, v27;
	v41 =	vadd.f32 v45, v41  }
0x188: {  	[tilespmem:s22+$0x8A10] =	vst v38;
	v59 =	vmul.f32 v40, v4;
	v45 =	vadd.f32 v61, v60;
	v47 =	vadd.f32 v63, v62  }
0x189: {  	[tilespmem:s22+$0x8A30] =	vst v37;
	v50 =	vadd.f32 v54, v51;
	v60 =	vmul.f32 v42, v12;
	v61 =	vmul.f32 v34, v20  }
0x18a: {  	[tilespmem:s22+$0x8A20] =	vst v35;
	v36 =	vadd.f32 v56, v55;
	v62 =	vmul.f32 v43, v28;
	v63 =	vmul.f32 v40, v5  }
0x18b: {  	[tilespmem:s22+$0x8A40] =	vst v44;
	v38 =	vadd.f32 v58, v57;
	v54 =	vmul.f32 v42, v13;
	v55 =	vmul.f32 v34, v21  }
0x18c: {  	[tilespmem:s22+$0x8A50] =	vst v39;
	v56 =	vmul.f32 v43, v29;
	v57 =	vmul.f32 v40, v6;
	v33 =	vadd.f32 v33, v46  }
0x18d: {  	s29 =	sshra.s32 s18, $0x2;
	[tilespmem:s22+$0x8A60] =	vst v32;
	v34 =	vmul.f32 v34, v22;
	v35 =	vadd.f32 v60, v59;
	v37 =	vadd.f32 v62, v61  }
0x18e: {  	v43 =	vmul.f32 v43, v30;
	v58 =	vadd.f32 v54, v63;
	[tilespmem:s29+$0x8A70] =	vst v41;
	v60 =	vadd.f32 v45, v48  }
0x18f: {  	v59 =	vmul.f32 v42, v14;
	v39 =	vadd.f32 v56, v55;
	[tilespmem:s29+$0x8A00] =	vst v33;
	v61 =	vadd.f32 v50, v47  }
0x190: {  	v36 =	vadd.f32 v38, v36;
	v34 =	vadd.f32 v43, v34;
	[tilespmem:s29+$0x8A10] =	vst v60  }
0x191: {  	v32 =	vadd.f32 v59, v57;
	[tilespmem:s29+$0x8A20] =	vst v61;
	v62 =	vadd.f32 v37, v35  }
0x192: {  	[tilespmem:s29+$0x8A30] =	vst v36;
	v63 =	vadd.f32 v39, v58  }
0x193: {  	[tilespmem:s29+$0x8A40] =	vst v62;
	v32 =	vadd.f32 v34, v32  }
0x194: {  	[tilespmem:s29+$0x8A50] =	vst v63  }
0x195: {  	s30 =	simm.s32 $0x100;
	s31 =	simm.s32 $0x8A00;
	[tilespmem:s29+$0x8A60] =	vst v32  }
0x196: {  	[tilespmem:s31], [sflag:$0x3] =	stream.indirect.gather.add.f32 [spmem:s3], $0x80, s30, s28, $0xb8;
	[tilespmem:$0x12B40] =	vst v63  }
.LBB2_10:
0x197: {  	_ =	swait.ge [sflag:s12], $0x4000;
	s0 =	sadd.s32 s9, s14  }
0x198: {  	[sflag:s12] =	ssyncset.done $0x0;
	s0 =	sshrl.u32 s0, $0x3  }
0x199: {  	p4 =	seq.s32 s13, $0xC;
	[sflag:s12] =	ssyncadd.s32 $0xFFFFC000;
	s0 =	sadd.s32 s2, s0  }
0x19a: {  	[hbm4b:s0+s4] =	stream.linear.scatter [tilespmem:s23], [sflag:$0x6], $0x4000, $0x38;
	[tilespmem:$0x12B40] =	vst v63  }
0x19b: {  	s0 =	sshll.u32 @!p4 s13, $0x9  }
0x19c: {  	s0 =	sadd.s32 @!p4 s0, s15  }
0x19d: {  	s9 =	sshrl.u32 @!p4 s0, $0x3;
	s0 =	sshrl.u32 @!p4 s0, $0x1  }
0x19e: {  	s11 =	simm.s32 @!p4 $0x0;
	s9 =	sadd.s32 @!p4 s6, s9;
	s0 =	sand.u32 @!p4 $0x1FFFFF80, s0  }
0x19f: {  	[tilespmem:s11], [sflag:$0x9] =	stream.linear.gather @!p4 [hbm4b:s9+s11], $0x80, $0x38;
	[tilespmem:$0x12B40] =	vst v63  }
0x1a0: {  	s0 =	sadd.s32 @!p4 s7, s0;
	s9 =	simm.s32 @!p4 $0x200  }
0x1a1: {  	[tilespmem:s9], [sflag:$0x9] =	stream.linear.gather @!p4 [hbm4b:s0+s11], $0x80, $0x38;
	[tilespmem:$0x12B40] =	vst v63  }
0x1a2: {  	s16 =	simm.s32 @!p4 $0x400;
	s9 =	sadd.s32 @!p4 $0x10, s0  }
0x1a3: {  	[tilespmem:s16], [sflag:$0x9] =	stream.linear.gather @!p4 [hbm4b:s9+s11], $0x80, $0x38;
	[tilespmem:$0x12B40] =	vst v63  }
.Ltmp8:
0x1a4: {  	_ = 	snop;
	(pc) =	sbr.rel @p2 .LBB2_14-.Ltmp8, $4  }
0x1a5: {  	s9 =	sadd.s32 @!p4 $0x20, s0;
	s16 =	simm.s32 @!p4 $0x600  }
0x1a6: {  	[tilespmem:s16], [sflag:$0x9] =	stream.linear.gather @!p4 [hbm4b:s9+s11], $0x80, $0x38;
	[tilespmem:$0x12B40] =	vst v63  }
0x1a7: {  	s0 =	sadd.s32 @!p4 $0x30, s0;
	s9 =	simm.s32 @!p4 $0x800  }
0x1a8: {  	[tilespmem:s9], [sflag:$0x9] =	stream.linear.gather @!p4 [hbm4b:s0+s11], $0x80, $0x38;
	[tilespmem:$0x12B40] =	vst v63  }
0x1a9: {  	s0 =	simm.s32 @!p3 $0x8  }
0x1aa: {  	_ =	swait.ge @!p3 [sflag:s0], $0x4000  }
0x1ab: {  	[sflag:s0] =	ssyncset.done @!p3 $0x0  }
0x1ac: {  	[sflag:s0] =	ssyncadd.s32 @!p3 $0xFFFFC000  }
0x1ad: {  	_ =	swait.ge [sflag:s17], $0x80  }
0x1ae: {  	[sflag:s17] =	ssyncset.done $0x0  }
0x1af: {  	[sflag:s17] =	ssyncadd.s32 $0xFFFFFF80  }
0x1b0: {  	s16 =	simm.s32 $0x0;
	s9 =	simm.s32 $0x0;
	_ =	swait.ge [sflag:s17], $0x200  }
0x1b1: {  	s9 =	sand.u32 $0x600, s9;
	s0 =	sand.u32 $0x70, s16;
	[sflag:s17] =	ssyncset.done $0x0  }
0x1b2: {  	s0 =	sor.u32 s0, s9;
	[sflag:s17] =	ssyncadd.s32 $0xFFFFFE00  }
0x1b3: {  	v32 =	vld [tilespmem:s0+$0x380]  }
0x1b4: {  	s22 =	simm.s32 $0x0  }
0x1b5: {  	s18 =	sand.u32 $0xC, s22  }
0x1b6: {  	s31 =	sor.u32 $0x1, s18;
	s11 =	sor.u32 $0x2, s18  }
0x1b7: {  	v33 =	vmov s18;
	v34 =	vmov s31;
	v36 =	vmov s11;
	s0 =	sor.u32 $0x3, s18  }
0x1b8: {  	v37 =	vmov s0;
	v35 =	vperm.xlane v32, v33;
	v33 =	vperm.xlane v32, v34  }
0x1b9: {  	v34 =	vperm.xlane v32, v36;
	v32 =	vperm.xlane v32, v37  }
0x1ba: {  	v53 =	vmul.f32 v35, v7;
	v54 =	vmul.f32 v33, v15  }
0x1bb: {  	v38 =	vmul.f32 v34, v23;
	v39 =	vmul.f32 v32, v31  }
0x1bc: {  	v40 =	vmul.f32 v35, v0;
	v41 =	vmul.f32 v33, v8  }
0x1bd: {  	v42 =	vmul.f32 v34, v16;
	v55 =	vmul.f32 v32, v24  }
0x1be: {  	v56 =	vmul.f32 v35, v1;
	v57 =	vmul.f32 v33, v9  }
0x1bf: {  	v43 =	vmul.f32 v34, v17;
	v58 =	vmul.f32 v32, v25  }
0x1c0: {  	v45 =	vmul.f32 v35, v2;
	v59 =	vmul.f32 v33, v10  }
0x1c1: {  	v60 =	vmul.f32 v34, v18;
	v61 =	vmul.f32 v32, v26  }
0x1c2: {  	v46 =	vmul.f32 v35, v3;
	v62 =	vmul.f32 v33, v11  }
0x1c3: {  	v47 =	vmul.f32 v34, v19;
	v63 =	vmul.f32 v32, v27;
	v37 =	vadd.f32 v54, v53  }
0x1c4: {  	v49 =	vmul.f32 v35, v4;
	v38 =	vadd.f32 v39, v38;
	v36 =	vadd.f32 v41, v40  }
0x1c5: {  	v50 =	vmul.f32 v33, v12;
	v39 =	vadd.f32 v55, v42;
	v42 =	vadd.f32 v58, v43  }
0x1c6: {  	v48 =	vmul.f32 v32, v28;
	v40 =	vadd.f32 v59, v45;
	v43 =	vadd.f32 v61, v60  }
0x1c7: {  	s29 =	simm.s32 $0x1;
	s30 =	simm.s32 $0x400;
	v45 =	vmul.f32 v34, v20;
	v41 =	vadd.f32 v63, v47;
	v44 =	vadd.f32 v38, v37  }
0x1c8: {  	s16 =	simm.s32 $0x4;
	s31 =	simm.s32 $0x10;
	s18 =	simm.s32 $0x0;
	v47 =	vmul.f32 v34, v21;
	v38 =	vadd.f32 v57, v56;
	v37 =	vadd.f32 v62, v46  }
0x1c9: {  	s9 =	simm.s32 $0x200;
	s0 =	sand.u32 $0x70, s16;
	s16 =	sand.u32 $0x600, s31;
	v46 =	vmul.f32 v35, v5;
	[tilespmem:s18+$0xCA70] =	vst v44;
	v44 =	vadd.f32 v50, v49;
	v49 =	vmul.f32 v33, v13  }
.LBB2_12:
0x1ca: {  	p3 =	sne.s32 s30, $0xFE00;
	s0 =	sor.u32 s0, s16;
	v45 =	vadd.f32 v48, v45;
	v48 =	vmul.f32 v32, v29;
	v35 =	vmul.f32 v35, v6  }
0x1cb: {  	v33 =	vmul.f32 v33, v14;
	v34 =	vmul.f32 v34, v22;
	v50 =	vld [tilespmem:s0+$0x380];
	v46 =	vadd.f32 v49, v46  }
0x1cc: {  	v36 =	vadd.f32 v39, v36;
	v32 =	vmul.f32 v32, v30;
	s22 =	sadd.s32 $0x4, s22;
	v39 =	vadd.f32 v48, v47  }
0x1cd: {  	v38 =	vadd.f32 v42, v38;
	s0 =	sand.u32 $0xC, s22;
	v42 =	vadd.f32 v33, v35  }
0x1ce: {  	s11 =	sor.u32 $0x1, s0;
	s16 =	sor.u32 $0x2, s0;
	[tilespmem:s18+$0xCA00] =	vst v36;
	v36 =	vadd.f32 v43, v40;
	v40 =	vadd.f32 v32, v34  }
0x1cf: {  	v33 =	vmov s11;
	v32 =	vmov s0;
	v34 =	vmov s16;
	s0 =	sor.u32 $0x3, s0;
	[tilespmem:s18+$0xCA10] =	vst v38  }
0x1d0: {  	v35 =	vperm.xlane v50, v32;
	v33 =	vperm.xlane v50, v33;
	v32 =	vmov s0;
	[tilespmem:s18+$0xCA20] =	vst v36  }
0x1d1: {  	v34 =	vperm.xlane v50, v34;
	v36 =	vadd.f32 v41, v37;
	v32 =	vperm.xlane v50, v32  }
0x1d2: {  	v41 =	vadd.f32 v45, v44;
	v37 =	vmul.f32 v35, v7;
	v38 =	vmul.f32 v33, v15  }
0x1d3: {  	v43 =	vmul.f32 v34, v23;
	v44 =	vmul.f32 v32, v31;
	[tilespmem:s18+$0xCA30] =	vst v36;
	v36 =	vadd.f32 v39, v46  }
0x1d4: {  	v40 =	vadd.f32 v40, v42;
	v45 =	vmul.f32 v33, v8;
	v39 =	vmul.f32 v35, v0;
	[tilespmem:s18+$0xCA40] =	vst v41  }
0x1d5: {  	v41 =	vmul.f32 v34, v16;
	v37 =	vadd.f32 v38, v37;
	v38 =	vadd.f32 v44, v43;
	[tilespmem:s18+$0xCA50] =	vst v36  }
0x1d6: {  	v42 =	vmul.f32 v32, v24;
	v36 =	vadd.f32 v45, v39;
	v43 =	vmul.f32 v35, v1;
	[tilespmem:s18+$0xCA60] =	vst v40  }
0x1d7: {  	v44 =	vmul.f32 v34, v17;
	v40 =	vmul.f32 v33, v9;
	v37 =	vadd.f32 v38, v37  }
0x1d8: {  	v45 =	vmul.f32 v35, v2;
	v39 =	vadd.f32 v42, v41;
	s18 =	sshra.s32 s9, $0x2;
	v41 =	vmul.f32 v32, v25;
	s9 =	smov.u32 s30  }
0x1d9: {  	v38 =	vadd.f32 v40, v43;
	v40 =	vmul.f32 v33, v10;
	v43 =	vmul.f32 v34, v18;
	[tilespmem:s18+$0xCA70] =	vst v37  }
0x1da: {  	v42 =	vadd.f32 v41, v44;
	v41 =	vmul.f32 v35, v3;
	v37 =	vmul.f32 v32, v26  }
.Ltmp9:
0x1db: {  	v46 =	vmul.f32 v34, v19;
	v44 =	vmul.f32 v33, v11;
	v40 =	vadd.f32 v40, v45;
	(pc) =	sbr.rel @p3 .LBB2_12-.Ltmp9, $4  }
0x1dc: {  	v49 =	vmul.f32 v35, v4;
	v47 =	vmul.f32 v32, v27;
	v43 =	vadd.f32 v37, v43  }
0x1dd: {  	s29 =	sadd.s32 $0x1, s29;
	v45 =	vmul.f32 v34, v20;
	v37 =	vadd.f32 v44, v41;
	v44 =	vmul.f32 v33, v12  }
0x1de: {  	s11 =	sshll.u32 s29, $0x4;
	s0 =	sshll.u32 s29, $0x2;
	v48 =	vmul.f32 v32, v28;
	v41 =	vadd.f32 v47, v46;
	v46 =	vmul.f32 v35, v5  }
0x1df: {  	s16 =	sand.u32 $0x600, s11;
	s0 =	sand.u32 $0x70, s0;
	s30 =	sadd.s32 $0x200, s30;
	v47 =	vmul.f32 v34, v21;
	v44 =	vadd.f32 v44, v49;
	v49 =	vmul.f32 v33, v13  }
0x1e0: {  	s0 =	sor.u32 s0, s16  }
0x1e1: {  	v50 =	vld [tilespmem:s0+$0x380]  }
0x1e2: {  	v45 =	vadd.f32 v48, v45;
	v35 =	vmul.f32 v35, v6;
	v33 =	vmul.f32 v33, v14  }
0x1e3: {  	v36 =	vadd.f32 v39, v36;
	s16 =	sadd.s32 $0x4, s22;
	v34 =	vmul.f32 v34, v22;
	v57 =	vmul.f32 v32, v30  }
0x1e4: {  	v55 =	vmul.f32 v32, v29;
	v38 =	vadd.f32 v42, v38;
	s0 =	sand.u32 $0xC, s16;
	v33 =	vadd.f32 v33, v35  }
0x1e5: {  	s11 =	sor.u32 $0x1, s0;
	s22 =	sor.u32 $0x2, s0;
	v35 =	vadd.f32 v43, v40;
	v58 =	vmov s0;
	v32 =	vadd.f32 v57, v34  }
0x1e6: {  	s0 =	sor.u32 $0x3, s0;
	v59 =	vmov s11;
	v60 =	vmov s22;
	v40 =	vperm.xlane v50, v58  }
0x1e7: {  	v61 =	vmov s0;
	v42 =	vperm.xlane v50, v59;
	v34 =	vperm.xlane v50, v60  }
0x1e8: {  	v46 =	vadd.f32 v49, v46;
	v43 =	vperm.xlane v50, v61;
	v62 =	vmul.f32 v40, v7  }
0x1e9: {  	v56 =	vadd.f32 v55, v47;
	v63 =	vmul.f32 v42, v15;
	v52 =	vmul.f32 v34, v23  }
0x1ea: {  	v37 =	vadd.f32 v41, v37;
	v53 =	vmul.f32 v43, v31;
	v54 =	vmul.f32 v40, v0  }
0x1eb: {  	v39 =	vadd.f32 v56, v46;
	v55 =	vmul.f32 v42, v8;
	v56 =	vmul.f32 v34, v16  }
0x1ec: {  	v44 =	vadd.f32 v45, v44;
	v57 =	vmul.f32 v43, v24;
	v58 =	vmul.f32 v40, v1  }
0x1ed: {  	v32 =	vadd.f32 v32, v33;
	v59 =	vmul.f32 v42, v9;
	v60 =	vmul.f32 v34, v17  }
0x1ee: {  	v61 =	vmul.f32 v43, v25;
	v51 =	vmul.f32 v34, v18;
	v41 =	vadd.f32 v63, v62  }
0x1ef: {  	v45 =	vadd.f32 v53, v52;
	v46 =	vadd.f32 v55, v54;
	v62 =	vmul.f32 v40, v2  }
0x1f0: {  	v33 =	vadd.f32 v57, v56;
	v63 =	vmul.f32 v42, v10;
	v54 =	vmul.f32 v43, v26  }
0x1f1: {  	v48 =	vadd.f32 v59, v58;
	v55 =	vmul.f32 v40, v3;
	v56 =	vmul.f32 v42, v11  }
0x1f2: {  	[tilespmem:s18+$0xCA00] =	vst v36;
	v57 =	vmul.f32 v34, v19;
	v58 =	vmul.f32 v43, v27;
	v41 =	vadd.f32 v45, v41  }
0x1f3: {  	[tilespmem:s18+$0xCA10] =	vst v38;
	v59 =	vmul.f32 v40, v4;
	v45 =	vadd.f32 v61, v60;
	v47 =	vadd.f32 v63, v62  }
0x1f4: {  	[tilespmem:s18+$0xCA30] =	vst v37;
	v50 =	vadd.f32 v54, v51;
	v60 =	vmul.f32 v42, v12;
	v61 =	vmul.f32 v34, v20  }
0x1f5: {  	[tilespmem:s18+$0xCA20] =	vst v35;
	v36 =	vadd.f32 v56, v55;
	v62 =	vmul.f32 v43, v28;
	v63 =	vmul.f32 v40, v5  }
0x1f6: {  	[tilespmem:s18+$0xCA40] =	vst v44;
	v38 =	vadd.f32 v58, v57;
	v54 =	vmul.f32 v42, v13;
	v55 =	vmul.f32 v34, v21  }
0x1f7: {  	[tilespmem:s18+$0xCA50] =	vst v39;
	v56 =	vmul.f32 v43, v29;
	v57 =	vmul.f32 v40, v6;
	v33 =	vadd.f32 v33, v46  }
0x1f8: {  	s29 =	sshra.s32 s9, $0x2;
	[tilespmem:s18+$0xCA60] =	vst v32;
	v34 =	vmul.f32 v34, v22;
	v35 =	vadd.f32 v60, v59;
	v37 =	vadd.f32 v62, v61  }
0x1f9: {  	v43 =	vmul.f32 v43, v30;
	v58 =	vadd.f32 v54, v63;
	[tilespmem:s29+$0xCA70] =	vst v41;
	v60 =	vadd.f32 v45, v48  }
0x1fa: {  	v59 =	vmul.f32 v42, v14;
	v39 =	vadd.f32 v56, v55;
	[tilespmem:s29+$0xCA00] =	vst v33;
	v61 =	vadd.f32 v50, v47  }
0x1fb: {  	v36 =	vadd.f32 v38, v36;
	v34 =	vadd.f32 v43, v34;
	[tilespmem:s29+$0xCA10] =	vst v60  }
0x1fc: {  	v32 =	vadd.f32 v59, v57;
	[tilespmem:s29+$0xCA20] =	vst v61;
	v62 =	vadd.f32 v37, v35  }
0x1fd: {  	[tilespmem:s29+$0xCA30] =	vst v36;
	v63 =	vadd.f32 v39, v58  }
0x1fe: {  	[tilespmem:s29+$0xCA40] =	vst v62;
	v32 =	vadd.f32 v34, v32  }
0x1ff: {  	[tilespmem:s29+$0xCA50] =	vst v63  }
0x200: {  	s30 =	simm.s32 $0x180;
	s31 =	simm.s32 $0xCA00;
	[tilespmem:s29+$0xCA60] =	vst v32  }
0x201: {  	[tilespmem:s31], [sflag:$0x4] =	stream.indirect.gather.add.f32 [spmem:s3], $0x80, s30, s28, $0xb8;
	[tilespmem:$0x12B40] =	vst v63  }
.LBB2_14:
0x202: {  	s0 =	simm.s32 @!p1 $0x3  }
.Ltmp10:
0x203: {  	s9 =	sshll.u32 @!p1 s20, $0xE;
	_ =	swait.ge @!p1 [sflag:s0], $0x4000;
	(pc) =	sbr.rel @p4 .LBB2_18-.Ltmp10, $4  }
0x204: {  	s9 =	sadd.s32 @!p1 s10, s9;
	[sflag:s0] =	ssyncset.done @!p1 $0x0  }
0x205: {  	[sflag:s0] =	ssyncadd.s32 @!p1 $0xFFFFC000;
	s0 =	sshrl.u32 @!p1 s9, $0x3  }
0x206: {  	s11 =	simm.s32 @!p1 $0x8A00;
	s9 =	simm.s32 @!p1 $0x0;
	s0 =	sadd.s32 @!p1 s2, s0  }
0x207: {  	[hbm4b:s0+s9] =	stream.linear.scatter @!p1 [tilespmem:s11], [sflag:$0x7], $0x4000, $0x38;
	[tilespmem:$0x12B40] =	vst v63  }
0x208: {  	s0 =	sshll.u32 s13, $0x9;
	s9 =	rddreg [dreg:$0xa]  }
0x209: {  	s0 =	sadd.s32 s0, s9  }
0x20a: {  	s9 =	sshrl.u32 s0, $0x3  }
0x20b: {  	s18 =	simm.s32 $0x0;
	s0 =	sshrl.u32 s0, $0x1;
	s9 =	sadd.s32 s6, s9  }
0x20c: {  	[tilespmem:s28], [sflag:$0xA] =	stream.linear.gather [hbm4b:s9+s18], $0x80, $0x38;
	[tilespmem:$0x12B40] =	vst v63  }
0x20d: {  	s20 =	simm.s32 $0x280;
	s0 =	sadd.s32 s7, s0  }
0x20e: {  	[tilespmem:s20], [sflag:$0xA] =	stream.linear.gather [hbm4b:s0+s18], $0x80, $0x38;
	[tilespmem:$0x12B40] =	vst v63  }
0x20f: {  	s11 =	simm.s32 $0x480;
	s22 =	sadd.s32 $0x10, s0  }
0x210: {  	[tilespmem:s11], [sflag:$0xA] =	stream.linear.gather [hbm4b:s22+s18], $0x80, $0x38;
	[tilespmem:$0x12B40] =	vst v63  }
0x211: {  	s30 =	simm.s32 $0x680;
	s29 =	sadd.s32 $0x20, s0  }
0x212: {  	[tilespmem:s30], [sflag:$0xA] =	stream.linear.gather [hbm4b:s29+s18], $0x80, $0x38;
	[tilespmem:$0x12B40] =	vst v63  }
0x213: {  	s31 =	simm.s32 $0x880;
	s0 =	sadd.s32 $0x30, s0  }
0x214: {  	[tilespmem:s31], [sflag:$0xA] =	stream.linear.gather [hbm4b:s0+s18], $0x80, $0x38;
	[tilespmem:$0x12B40] =	vst v63  }
0x215: {  	_ =	swait.ge [sflag:s24], $0x4000  }
0x216: {  	[sflag:s24] =	ssyncset.done $0x0  }
0x217: {  	[sflag:s24] =	ssyncadd.s32 $0xFFFFC000  }
0x218: {  	_ =	swait.ge [sflag:s1], $0x80  }
0x219: {  	[sflag:s1] =	ssyncset.done $0x0  }
0x21a: {  	[sflag:s1] =	ssyncadd.s32 $0xFFFFFF80  }
0x21b: {  	s16 =	simm.s32 $0x0;
	s11 =	simm.s32 $0x0;
	_ =	swait.ge [sflag:s1], $0x200  }
0x21c: {  	s9 =	sand.u32 $0x600, s16;
	s0 =	sand.u32 $0x70, s11;
	[sflag:s1] =	ssyncset.done $0x0  }
0x21d: {  	s0 =	sor.u32 s0, s9;
	[sflag:s1] =	ssyncadd.s32 $0xFFFFFE00  }
0x21e: {  	v32 =	vld [tilespmem:s0+$0x200];
	_ =	sdelay $0x1  }
0x21f: {  	s20 =	sand.u32 $0xC, s18  }
0x220: {  	s22 =	sor.u32 $0x1, s20;
	s29 =	sor.u32 $0x2, s20  }
0x221: {  	v33 =	vmov s20;
	v34 =	vmov s22;
	v36 =	vmov s29;
	s0 =	sor.u32 $0x3, s20  }
0x222: {  	v37 =	vmov s0;
	v35 =	vperm.xlane v32, v33;
	v33 =	vperm.xlane v32, v34  }
0x223: {  	v34 =	vperm.xlane v32, v36;
	v32 =	vperm.xlane v32, v37  }
0x224: {  	v53 =	vmul.f32 v35, v7;
	v54 =	vmul.f32 v33, v15  }
0x225: {  	v38 =	vmul.f32 v34, v23;
	v39 =	vmul.f32 v32, v31  }
0x226: {  	v40 =	vmul.f32 v35, v0;
	v41 =	vmul.f32 v33, v8  }
0x227: {  	v42 =	vmul.f32 v34, v16;
	v55 =	vmul.f32 v32, v24  }
0x228: {  	v56 =	vmul.f32 v35, v1;
	v57 =	vmul.f32 v33, v9  }
0x229: {  	v43 =	vmul.f32 v34, v17;
	v58 =	vmul.f32 v32, v25  }
0x22a: {  	v44 =	vmul.f32 v35, v2;
	v59 =	vmul.f32 v33, v10  }
0x22b: {  	v45 =	vmul.f32 v34, v18;
	v60 =	vmul.f32 v32, v26  }
0x22c: {  	v61 =	vmul.f32 v35, v3;
	v62 =	vmul.f32 v33, v11  }
0x22d: {  	v46 =	vmul.f32 v34, v19;
	v48 =	vmul.f32 v32, v27;
	v37 =	vadd.f32 v54, v53  }
0x22e: {  	v49 =	vmul.f32 v35, v4;
	v38 =	vadd.f32 v39, v38;
	v36 =	vadd.f32 v41, v40  }
0x22f: {  	v63 =	vmul.f32 v33, v12;
	v39 =	vadd.f32 v55, v42;
	v42 =	vadd.f32 v58, v43  }
0x230: {  	v41 =	vadd.f32 v59, v44;
	v44 =	vadd.f32 v60, v45;
	v45 =	vmul.f32 v34, v20  }
0x231: {  	v40 =	vadd.f32 v48, v46;
	v48 =	vmul.f32 v32, v28;
	v47 =	vadd.f32 v38, v37  }
0x232: {  	s30 =	simm.s32 $0x4;
	s31 =	simm.s32 $0x10;
	s9 =	simm.s32 $0xA40;
	v46 =	vmul.f32 v35, v5;
	v43 =	vadd.f32 v63, v49;
	v49 =	vmul.f32 v33, v13  }
0x233: {  	s16 =	sand.u32 $0x600, s31;
	s20 =	simm.s32 $0x2;
	s0 =	sand.u32 $0x70, s30;
	v38 =	vadd.f32 v57, v56;
	v37 =	vadd.f32 v62, v61;
	[tilespmem:s9+$0x30] =	vst v47;
	v47 =	vmul.f32 v34, v21  }
.LBB2_16:
0x234: {  	p1 =	sne.s32 s20, $0x7F;
	s0 =	sor.u32 s0, s16;
	v45 =	vadd.f32 v48, v45;
	v48 =	vmul.f32 v32, v29;
	v35 =	vmul.f32 v35, v6  }
0x235: {  	v33 =	vmul.f32 v33, v14;
	v34 =	vmul.f32 v34, v22;
	v50 =	vld [tilespmem:s0+$0x200];
	v46 =	vadd.f32 v49, v46  }
0x236: {  	v36 =	vadd.f32 v39, v36;
	v32 =	vmul.f32 v32, v30;
	s18 =	sadd.s32 $0x4, s18;
	v39 =	vadd.f32 v48, v47  }
0x237: {  	v38 =	vadd.f32 v42, v38;
	s0 =	sand.u32 $0xC, s18;
	v42 =	vadd.f32 v33, v35  }
0x238: {  	s11 =	sor.u32 $0x1, s0;
	s16 =	sor.u32 $0x2, s0;
	[tilespmem:s9+$0xFFFFFFC0] =	vst v36;
	v36 =	vadd.f32 v44, v41;
	v41 =	vadd.f32 v32, v34  }
0x239: {  	v33 =	vmov s11;
	v32 =	vmov s0;
	v34 =	vmov s16;
	s0 =	sor.u32 $0x3, s0;
	[tilespmem:s9+$0xFFFFFFD0] =	vst v38  }
0x23a: {  	v35 =	vperm.xlane v50, v32;
	v33 =	vperm.xlane v50, v33;
	v32 =	vmov s0;
	[tilespmem:s9+$0xFFFFFFE0] =	vst v36  }
0x23b: {  	v34 =	vperm.xlane v50, v34;
	v36 =	vadd.f32 v40, v37;
	v32 =	vperm.xlane v50, v32  }
0x23c: {  	v40 =	vadd.f32 v45, v43;
	v37 =	vmul.f32 v35, v7;
	v38 =	vmul.f32 v33, v15  }
0x23d: {  	v43 =	vmul.f32 v34, v23;
	v44 =	vmul.f32 v32, v31;
	[tilespmem:s9+$0xFFFFFFF0] =	vst v36;
	v36 =	vadd.f32 v39, v46  }
0x23e: {  	v45 =	vmul.f32 v33, v8;
	v39 =	vmul.f32 v35, v0;
	[tilespmem:s9+$0x0] =	vst v40;
	v40 =	vadd.f32 v41, v42  }
0x23f: {  	v41 =	vmul.f32 v34, v16;
	v37 =	vadd.f32 v38, v37;
	v38 =	vadd.f32 v44, v43;
	[tilespmem:s9+$0x10] =	vst v36  }
0x240: {  	v42 =	vmul.f32 v32, v24;
	v36 =	vadd.f32 v45, v39;
	v43 =	vmul.f32 v35, v1;
	[tilespmem:s9+$0x20] =	vst v40  }
0x241: {  	v44 =	vmul.f32 v34, v17;
	v40 =	vmul.f32 v33, v9;
	v37 =	vadd.f32 v38, v37  }
0x242: {  	v45 =	vmul.f32 v35, v2;
	v39 =	vadd.f32 v42, v41;
	v41 =	vmul.f32 v32, v25;
	s9 =	sadd.s32 $0x80, s9  }
0x243: {  	v38 =	vadd.f32 v40, v43;
	v40 =	vmul.f32 v33, v10;
	v43 =	vmul.f32 v34, v18;
	[tilespmem:s9+$0x30] =	vst v37  }
0x244: {  	v46 =	vmul.f32 v35, v3;
	v42 =	vadd.f32 v41, v44;
	v37 =	vmul.f32 v32, v26  }
.Ltmp11:
0x245: {  	v47 =	vmul.f32 v34, v19;
	v41 =	vadd.f32 v40, v45;
	v40 =	vmul.f32 v33, v11;
	(pc) =	sbr.rel @p1 .LBB2_16-.Ltmp11, $4  }
0x246: {  	v49 =	vmul.f32 v35, v4;
	v44 =	vadd.f32 v37, v43;
	v43 =	vmul.f32 v32, v27  }
0x247: {  	v50 =	vmul.f32 v33, v12;
	v45 =	vmul.f32 v34, v20;
	v37 =	vadd.f32 v40, v46  }
0x248: {  	s11 =	sshll.u32 s20, $0x4;
	s0 =	sshll.u32 s20, $0x2;
	v48 =	vmul.f32 v32, v28;
	v46 =	vmul.f32 v35, v5;
	v40 =	vadd.f32 v43, v47  }
0x249: {  	s16 =	sand.u32 $0x600, s11;
	s20 =	sadd.s32 $0x1, s20;
	s0 =	sand.u32 $0x70, s0;
	v43 =	vadd.f32 v50, v49;
	v49 =	vmul.f32 v33, v13;
	v47 =	vmul.f32 v34, v21  }
0x24a: {  	s0 =	sor.u32 s0, s16  }
0x24b: {  	v50 =	vld [tilespmem:s0+$0x200]  }
0x24c: {  	v45 =	vadd.f32 v48, v45;
	v35 =	vmul.f32 v35, v6;
	v33 =	vmul.f32 v33, v14  }
0x24d: {  	v36 =	vadd.f32 v39, v36;
	s29 =	sadd.s32 $0x4, s18;
	v34 =	vmul.f32 v34, v22;
	v57 =	vmul.f32 v32, v30  }
0x24e: {  	v55 =	vmul.f32 v32, v29;
	v38 =	vadd.f32 v42, v38;
	s0 =	sand.u32 $0xC, s29;
	v33 =	vadd.f32 v33, v35  }
0x24f: {  	s11 =	sor.u32 $0x1, s0;
	s30 =	sor.u32 $0x2, s0;
	v35 =	vadd.f32 v44, v41;
	v58 =	vmov s0;
	v32 =	vadd.f32 v57, v34  }
0x250: {  	s0 =	sor.u32 $0x3, s0;
	v59 =	vmov s11;
	v60 =	vmov s30;
	v41 =	vperm.xlane v50, v58  }
0x251: {  	v61 =	vmov s0;
	v42 =	vperm.xlane v50, v59;
	v34 =	vperm.xlane v50, v60  }
0x252: {  	v46 =	vadd.f32 v49, v46;
	v44 =	vperm.xlane v50, v61;
	v62 =	vmul.f32 v41, v7  }
0x253: {  	v56 =	vadd.f32 v55, v47;
	v63 =	vmul.f32 v42, v15;
	v52 =	vmul.f32 v34, v23  }
0x254: {  	v37 =	vadd.f32 v40, v37;
	v53 =	vmul.f32 v44, v31;
	v54 =	vmul.f32 v41, v0  }
0x255: {  	v39 =	vadd.f32 v56, v46;
	v55 =	vmul.f32 v42, v8;
	v56 =	vmul.f32 v34, v16  }
0x256: {  	v43 =	vadd.f32 v45, v43;
	v57 =	vmul.f32 v44, v24;
	v58 =	vmul.f32 v41, v1  }
0x257: {  	v32 =	vadd.f32 v32, v33;
	v59 =	vmul.f32 v42, v9;
	v60 =	vmul.f32 v34, v17  }
0x258: {  	v61 =	vmul.f32 v44, v25;
	v51 =	vmul.f32 v34, v18;
	v40 =	vadd.f32 v63, v62  }
0x259: {  	v45 =	vadd.f32 v53, v52;
	v62 =	vmul.f32 v41, v2;
	v63 =	vmul.f32 v42, v10  }
0x25a: {  	v46 =	vadd.f32 v55, v54;
	v53 =	vmul.f32 v44, v26;
	v54 =	vmul.f32 v41, v3  }
0x25b: {  	v33 =	vadd.f32 v57, v56;
	v55 =	vmul.f32 v42, v11;
	v56 =	vmul.f32 v34, v19  }
0x25c: {  	[tilespmem:s9+$0xFFFFFFC0] =	vst v36;
	v48 =	vadd.f32 v59, v58;
	v57 =	vmul.f32 v44, v27;
	v58 =	vmul.f32 v41, v4  }
0x25d: {  	[tilespmem:s9+$0xFFFFFFD0] =	vst v38;
	v59 =	vmul.f32 v42, v12;
	v40 =	vadd.f32 v45, v40;
	v45 =	vadd.f32 v61, v60  }
0x25e: {  	[tilespmem:s9+$0xFFFFFFF0] =	vst v37;
	v47 =	vadd.f32 v63, v62;
	v50 =	vadd.f32 v53, v51;
	v60 =	vmul.f32 v34, v20  }
0x25f: {  	[tilespmem:s9+$0xFFFFFFE0] =	vst v35;
	v36 =	vadd.f32 v55, v54;
	v61 =	vmul.f32 v44, v28;
	v62 =	vmul.f32 v41, v5  }
0x260: {  	[tilespmem:s9+$0x0] =	vst v43;
	v38 =	vadd.f32 v57, v56;
	v63 =	vmul.f32 v42, v13;
	v54 =	vmul.f32 v34, v21  }
0x261: {  	[tilespmem:s9+$0x10] =	vst v39;
	v35 =	vadd.f32 v59, v58;
	v55 =	vmul.f32 v44, v29;
	v56 =	vmul.f32 v41, v6  }
0x262: {  	s31 =	sadd.s32 $0x80, s9;
	[tilespmem:s9+$0x20] =	vst v32;
	v33 =	vadd.f32 v33, v46;
	v58 =	vmul.f32 v42, v14;
	v37 =	vadd.f32 v61, v60  }
0x263: {  	v34 =	vmul.f32 v34, v22;
	v57 =	vadd.f32 v63, v62;
	[tilespmem:s31+$0x30] =	vst v40;
	v59 =	vadd.f32 v45, v48  }
0x264: {  	v39 =	vadd.f32 v55, v54;
	v60 =	vmul.f32 v44, v30;
	[tilespmem:s31+$0xFFFFFFC0] =	vst v33;
	v61 =	vadd.f32 v50, v47  }
0x265: {  	v32 =	vadd.f32 v58, v56;
	v36 =	vadd.f32 v38, v36;
	[tilespmem:s31+$0xFFFFFFD0] =	vst v59  }
0x266: {  	v34 =	vadd.f32 v60, v34;
	[tilespmem:s31+$0xFFFFFFE0] =	vst v61;
	v62 =	vadd.f32 v37, v35  }
.Ltmp12:
0x267: {  	[tilespmem:s31+$0xFFFFFFF0] =	vst v36;
	v63 =	vadd.f32 v39, v57;
	(pc) =	sbr.rel .LBB2_18-.Ltmp12, $4  }
0x268: {  	[tilespmem:s31+$0x0] =	vst v62;
	v32 =	vadd.f32 v34, v32  }
0x269: {  	[tilespmem:s31+$0x10] =	vst v63  }
0x26a: {  	[tilespmem:s31+$0x20] =	vst v32  }
0x26b: {  	[tilespmem:s19], [sflag:$0x1] =	stream.indirect.gather.add.f32 [spmem:s3], $0x80, s4, s28, $0xb8;
	[tilespmem:$0x12B40] =	vst v63  }
.LBB2_20:
0x26c: {  	_ =	sfence.sel $0x180000  }
0x26d: {  	[bflag:$0x0] =	sbarrier.arrive $0xFFFF  }
0x26e: {  	_ =	strace $0x90000047  }
0x26f: {  	[bflag:$0x2] =	sbarrier.arrive $0xFFFF  }
0x270: {  	s0 =	rddreg [dreg:$0x4]  }
0x271: {  	s0 =	sadd.s32 @!p0 $0x100000, s0  }
0x272: {  	[sflag:s0] =	ssyncadd.tile.s32 @!p0 $0x1;
	_ =	shalt  }
.Lfunc_end2:
_tile_overlayer_lowered:
.L_overlay_start_2:
0x273: {  	(tag) =	ssettag $0x2  }
0x274: {  	s0 =	rddreg [dreg:$0x0];
	s2 =	stileid.u32  }
0x275: {  	s1 =	rddreg [dreg:$0x1];
	p0 =	sne.s32 s2, $0x0  }
0x276: {  	s3 =	rddreg [dreg:$0x2];
	[bflag:$0x3] =	sbarrier.arrive $0xFFFF;
	s2 =	simm.s32 @!p0 $0x1C0D  }
0x277: {  	[timem:s3], [sflag:s2] =	dma.local @!p0 [hbm:s0], s1  }
0x278: {  	s0 =	simm.s32 @!p0 $0xD  }
0x279: {  	_ =	swait.ge @!p0 [sflag:s0], s1  }
0x27a: {  	s1 =	ssub.s32 @!p0 $0x0, s1;
	[sflag:s0] =	ssyncset.done @!p0 $0x0  }
0x27b: {  	[sflag:s0] =	ssyncadd.s32 @!p0 s1  }
0x27c: {  	[bflag:$0x3] =	sbarrier.arrive $0xFFFF  }
0x27d: {  	_ =	shalt  }

// kernel: sparse-core-data-format-call.cloned.1.call-start
scs
called_computation_lowered:
.L_overlay_start_0:
0x0: {  	s2 =	sld [smem:$0x3FD9]  }
0x1: {  	s3 =	sld [smem:$0x3FFE];
	_ =	sdelay $0x1  }
0x2: {  	s1 =	srdreg.scid  }
0x3: {  	s0 =	sand.u32 $0x1, s1  }
0x4: {  	s18 =	sshll.u32 s0, $0xA;
	s2 =	sadd.s32 s3, s2  }
0x5: {  	s2 =	sadd.s32 s2, s18  }
0x6: {  	[smem:$0x3FC3] =	sst s2  }
0x7: {  	_ = 	snop  }
0x8: {  	s2 =	sld [smem:$0x3FD0];
	(tm) =	ssettm $0x1  }
0x9: {  	s19 =	sld [smem:$0x3FFB];
	_ =	sdelay $0x3  }
0xa: {  	_ =	strace s19  }
0xb: {  	s3 =	sld [smem:$0x3FFC];
	_ =	sdelay $0x3  }
0xc: {  	_ =	strace s3  }
0xd: {  	s3 =	sld [smem:$0x3FFD];
	_ =	sdelay $0x3  }
0xe: {  	_ =	strace s3  }
0xf: {  	_ =	strace $0x8FFFFFFF  }
0x10: {  	s20 =	sld [smem:$0x3FDB];
	_ =	sdelay $0x1  }
0x11: {  	s4 =	simm.s32 $_scs_section_size  }
0x12: {  	s5 =	simm.s32 $_size__tile_overlayer_lowered;
	s6 =	simm.s32 $_tile_overlayer_lowered  }
0x13: {  	s23 =	simm.s32 $0x1BFF;
	s22 =	sshll.u32 s6, $0x1;
	s3 =	sadd.s32 s4, s20  }
0x14: {  	s7 =	simm.s32 $0x0;
	s21 =	sshll.u32 s5, $0x1;
	s5 =	sadd.s32 s22, s3  }
0x15: {  	[timem:s7], [sflag:s23] =	dma.local [hbm:s5], s21  }
0x16: {  	_ =	swait.ge [sflag:s23], s21  }
0x17: {  	s4 =	ssub.s32 $0x0, s21;
	[sflag:s23] =	ssyncset.done $0x0  }
0x18: {  	[sflag:s23] =	ssyncadd.s32 s4;
	_ =	sdelay $0x1  }
0x19: {  	s24 =	simm.s32 $0x1B8B  }
0x1a: {  	_ =	swait.ge [sflag:s24], $0x1  }
0x1b: {  	[sflag:s24] =	ssyncset.done $0x0  }
0x1c: {  	s26 =	simm.s32 $0x1B8E;
	s25 =	sld [smem:$0x3FFE];
	[sflag:s24] =	ssyncadd.s32 $0xFFFFFFFF  }
0x1d: {  	s27 =	simm.s32 $execute0_lowered;
	[smem:$0x3FD2] =	sst s26  }
0x1e: {  	s5 =	sshll.u32 s27, $0x1;
	_ =	strace $0x80000049;
	[dreg:$0x1] =	wrdreg $0xFFFFFFFF  }
0x1f: {  	s28 =	simm.s32 $_size_execute0_lowered;
	s3 =	sadd.s32 s3, s5;
	[dreg:$0x0] =	wrdreg $0x0  }
0x20: {  	s5 =	sshll.u32 s28, $0x1;
	[dreg:$0x2] =	wrdreg s3  }
0x21: {  	[dreg:$0x3] =	wrdreg s5  }
0x22: {  	[dreg:$0x4] =	wrdreg $0xC0  }
0x23: {  	_ =	task [dreg:s7], $0x5FFFF  }
0x24: {  	[dreg:$0x1] =	wrdreg $0xFFFFFFFF  }
0x25: {  	[dreg:$0x0] =	wrdreg $0x60  }
0x26: {  	[dreg:$0x2] =	wrdreg s25  }
0x27: {  	[dreg:$0x3] =	wrdreg s2  }
0x28: {  	[dreg:$0x4] =	wrdreg $0x9  }
0x29: {  	_ =	task.clear_ibuf [dreg:s7], $0x5FFFF;
	_ =	strace $0x90000049  }
0x2a: {  	s29 =	simm.s32 $0x9;
	_ =	strace $0x8000004B  }
0x2b: {  	_ =	swait.ge [sflag:s29], $0x1  }
0x2c: {  	[sflag:s29] =	ssyncadd.s32 $0xFFFFFFFF  }
0x2d: {  	_ =	strace $0x9000004B  }
0x2e: {  	_ =	sfence  }
0x2f: {  	s30 =	sld [smem:$0x0];
	_ =	sdelay $0x2  }
0x30: {  	s31 =	sshll.u32 s1, $0xD;
	s1 =	sshrl.u32 s1, $0x2  }
0x31: {  	s3 =	sand.u32 $0x4000, s31;
	s1 =	sadd.s32 s1, s30  }
0x32: {  	s0 =	sor.u32 s3, s0;
	s1 =	sshll.u32 s1, $0x11  }
0x33: {  	s0 =	sor.u32 s1, s0  }
0x34: {  	s0 =	sadd.s32 $0x8F2B, s0  }
0x35: {  	[sflag:s0] =	ssyncadd.remote.s32 $0x1  }
0x36: {  	_ =	sfence.sel $0xFFFF  }
0x37: {  	[dreg:$0x0] =	wrdreg $0xFFFFFFFF;
	(pc) =	sbr.abs _section_cstart, $3  }
0x38: {  	[dreg:$0x1] =	wrdreg $0xFFFFFFFF  }
0x39: {  	_ =	task.clear_ibuf [dreg:s7], $0x2FFFF;
	_ =	strace $0x9FFFFFFF  }
0x3a: {  	(tm) =	ssettm $0x7FFFFFFF  }
0x3b: {  	_ =	shalt  }
tec
execute0_lowered:
.L_overlay_start_1:
0x0: {  	(tag) =	ssettag $0x1  }
0x1: {  	s0 =	srdreg.scid  }
0x2: {  	s1 =	sshll.u32 s0, $0x4  }
0x3: {  	s0 =	stileid.u32;
	s1 =	sand.u32 $0x10, s1  }
0x4: {  	s1 =	sor.u32 s0, s1  }
0x5: {  	s6 =	rddreg [dreg:$0x0];
	s4 =	simm.s32 $0x1;
	s2 =	sshll.u32 s1, $0x6  }
0x6: {  	s7 =	simm.s32 $0x2;
	s13 =	simm.s32 $0x0;
	s1 =	ssub.s32 $0x1000, s2  }
0x7: {  	s8 =	simm.s32 $0x2000;
	s9 =	simm.s32 $0x80000;
	s3 =	sand.u32 $0x7C0, s1  }
0x8: {  	s14 =	simm.s32 $0x0;
	s5 =	sshrl.u32 s1, $0xB;
	p0 =	sne.s32 s3, $0x0  }
.Ltmp0:
0x9: {  	s1 =	rddreg [dreg:$0x2];
	s4 =	simm.s32 @!p0 $0x0;
	(pc) =	sbr.rel .LBB1_1-.Ltmp0, $4  }
0xa: {  	s10 =	simm.s32 $0x0;
	s3 =	rddreg [dreg:$0x1];
	s5 =	sadd.s32 s4, s5  }
0xb: {  	_ =	strace $0x8000004A;
	s4 =	simm.s32 $0x1;
	s5 =	smul.u32 $0x19, s5  }
0xc: {  	s12 =	simm.s32 $0x0;
	s6 =	sadd.s32 $0xE00, s6;
	[sflag:s4] =	ssyncpa.u1 $0x0  }
0xd: {  	s11 =	smov.u32 s2;
	[sflag:s7] =	ssyncpa.u1 $0x0;
	s7 =	sadd.s32 $0x1, s5  }
.LBB1_7:
0xe: {  	s15 =	sadd.s32 $0x2, s10  }
0xf: {  	s13 =	sadd.s32 $0x800, s11;
	s17 =	smov.u32 s11;
	p1 =	sgt.s32 s15, $0x31  }
0x10: {  	s17 =	smov.u32 @p1 s13  }
0x11: {  	s15 =	simm.s32 @p1 $0x0;
	p1 =	sgt.s32 s17, $0xFFF  }
0x12: {  	s17 =	smov.u32 @p1 s2;
	p1 =	sne.s32 s12, s7  }
.Ltmp1:
0x13: {  	p0 =	slt.u32 s12, $0x2;
	(pc) =	sbr.rel @!p1 .LBB1_8-.Ltmp1, $4  }
0x14: {  	s16 =	simm.s32 @!p0 $0x2  }
0x15: {  	s14 =	smov.u32 s11;
	_ =	swait.ge @!p0 [sflag:s16], $0x4000  }
0x16: {  	s13 =	smov.u32 s10;
	[sflag:s16] =	ssyncset.done @!p0 $0x0;
	s10 =	smov.u32 s15  }
0x17: {  	s12 =	sadd.s32 $0x1, s12;
	[sflag:s16] =	ssyncadd.s32 @!p0 $0xFFFFC000;
	s11 =	smov.u32 s17  }
.LBB1_1:
0x18: {  	p0 =	sge.u32 s12, s5  }
0x19: {  	s15 =	sand.u32 @!p0 $0x1FFFFFF, s10  }
0x1a: {  	s16 =	smulhi.u32 @!p0 $0x4924925, s15;
	_ =	sdelay $0x1  }
0x1b: {  	s16 =	smul.u32 @!p0 $0x38, s16  }
0x1c: {  	s17 =	sxor.u32 @!p0 $0xFFFFFFFF, s12;
	s18 =	smul.u32 @!p0 $0x380, s11  }
0x1d: {  	s31 =	sadd.s32 $0xFFFFFFFF, s12;
	s17 =	sshll.u32 @!p0 s17, $0xE;
	s15 =	ssub.s32 @!p0 s15, s16  }
0x1e: {  	s16 =	sand.u32 @!p0 $0x4000, s17;
	s17 =	sadd.s32 @!p0 s6, s18;
	s15 =	sshll.u32 @!p0 s15, $0x4  }
0x1f: {  	s18 =	simm.s32 @!p0 $0x1C00;
	s15 =	sadd.s32 @!p0 s15, s17;
	s17 =	simm.s32 @!p0 $0x100  }
0x20: {  	[tilespmem:s16], [sflag:$0x1] =	stream.strided.gather @!p0 [hbm4b:s15+s17], $0x4000, s18, s17, $0x38;
	[tilespmem:$0x10000] =	vst v63  }
0x21: {  	p0 =	sge.u32 s31, s5  }
.Ltmp2:
0x22: {  	_ = 	snop;
	(pc) =	sbr.rel @p0 .LBB1_7-.Ltmp2, $1  }
0x23: {  	_ =	sdelay $0x3  }
0x24: {  	_ =	swait.ge [sflag:s4], $0x4000;
	s15 =	sshll.u32 s12, $0xE  }
0x25: {  	[sflag:s4] =	ssyncset.done $0x0;
	s16 =	sand.u32 $0x4000, s15  }
0x26: {  	s17 =	simm.s32 $0x0;
	[sflag:s4] =	ssyncadd.s32 $0xFFFFC000;
	s15 =	sor.u32 $0x8000, s16  }
.LBB1_3:
0x27: {  	s18 =	sshll.u32 s17, $0x8  }
0x28: {  	s18 =	sand.u32 $0x3FFFFF00, s18  }
0x29: {  	s19 =	sshll.u32 s17, $0x7;
	s18 =	sadd.s32 s18, s16  }
0x2a: {  	s19 =	sand.u32 $0x3FFFFF80, s19;
	v0 =	vmov s18  }
0x2b: {  	s19 =	sadd.s32 s19, s15  }
0x2c: {  	p0 =	por $0x1, $0x1;
	v1 =	vmov s19;
	s18 =	simm.s32 $0x0  }
.LBB1_4:
0x2d: {  	s19 =	sshll.u32 s18, $0x7  }
0x2e: {  	s19 =	sand.u32 $0x3FFFFF80, s19  }
0x2f: {  	v2 =	vld.idx.msk [tilespmem:v0+s19+$0x0 ss:$0x1], $0xffff  }
0x30: {  	v3 =	vld.idx.msk [tilespmem:v0+s19+$0x10 ss:$0x1], $0xffff  }
0x31: {  	v4 =	vld.idx.msk [tilespmem:v0+s19+$0x20 ss:$0x1], $0xffff  }
0x32: {  	s31 =	sshll.u32 s18, $0xD;
	v5 =	vld.idx.msk [tilespmem:v0+s19+$0x30 ss:$0x1], $0xffff  }
0x33: {  	s18 =	sand.u32 $0x3FFFE000, s31;
	v6 =	vld.idx.msk [tilespmem:v0+s19+$0x40 ss:$0x1], $0xffff  }
0x34: {  	v63 =	vld.idx.msk [tilespmem:v0+s19+$0x70 ss:$0x1], $0xffff;
	[tilespmem:v1+s18+$0x0 ss:$0x1] =	vst.idx.msk $0xffff, v2  }
0x35: {  	v2 =	vld.idx.msk [tilespmem:v0+s19+$0x50 ss:$0x1], $0xffff;
	[tilespmem:v1+s18+$0x10 ss:$0x1] =	vst.idx.msk $0xffff, v3  }
0x36: {  	p1 =	por p0, p0;
	v3 =	vld.idx.msk [tilespmem:v0+s19+$0x60 ss:$0x1], $0xffff;
	[tilespmem:v1+s18+$0x20 ss:$0x1] =	vst.idx.msk $0xffff, v4  }
.Ltmp3:
0x37: {  	[tilespmem:v1+s18+$0x30 ss:$0x1] =	vst.idx.msk $0xffff, v5;
	(pc) =	sbr.rel @p1 .LBB1_4-.Ltmp3, $4  }
0x38: {  	[tilespmem:v1+s18+$0x40 ss:$0x1] =	vst.idx.msk $0xffff, v6  }
0x39: {  	[tilespmem:v1+s18+$0x70 ss:$0x1] =	vst.idx.msk $0xffff, v63  }
0x3a: {  	[tilespmem:v1+s18+$0x50 ss:$0x1] =	vst.idx.msk $0xffff, v2  }
0x3b: {  	p0 =	por $0x0, $0x0;
	[tilespmem:v1+s18+$0x60 ss:$0x1] =	vst.idx.msk $0xffff, v3;
	s18 =	simm.s32 $0x1  }
0x3c: {  	s17 =	sadd.s32 $0x1, s17  }
0x3d: {  	p0 =	sne.s32 s17, $0x40  }
.Ltmp4:
0x3e: {  	_ = 	snop;
	(pc) =	sbr.rel @p0 .LBB1_3-.Ltmp4, $1  }
0x3f: {  	_ =	sdelay $0x3  }
.Ltmp5:
0x40: {  	s14 =	sshll.u32 s14, $0x4;
	(pc) =	sbr.rel .LBB1_7-.Ltmp5, $4  }
0x41: {  	s14 =	sand.u32 $0xFFF0, s14  }
0x42: {  	s13 =	sshll.u32 s13, $0x10;
	s14 =	sadd.s32 s3, s14  }
0x43: {  	s13 =	sadd.s32 s13, s14  }
0x44: {  	[hbm4b:s13+s8] =	stream.strided.scatter [tilespmem:s15], [sflag:$0x2], $0x4000, s9, s8, $0x38;
	[tilespmem:$0x10000] =	vst v63  }
.LBB1_8:
0x45: {  	_ =	sfence.sel $0x180000  }
0x46: {  	s2 =	simm.s32 $0x1;
	[bflag:$0x0] =	sbarrier.arrive $0xFFFF  }
0x47: {  	s31 =	simm.s32 $0x2;
	[sflag:s2] =	ssyncpa.u1 $0x1  }
0x48: {  	[sflag:s31] =	ssyncpa.u1 $0x1  }
0x49: {  	p0 =	sne.s32 s0, $0x0;
	_ =	strace $0x9000004A  }
0x4a: {  	s0 =	sadd.s32 @!p0 $0x100000, s1;
	[bflag:$0x2] =	sbarrier.arrive $0xFFFF  }
0x4b: {  	[sflag:s0] =	ssyncadd.tile.s32 @!p0 $0x1;
	_ =	shalt  }
.Lfunc_end1:
_tile_overlayer_lowered:
.L_overlay_start_2:
0x4c: {  	(tag) =	ssettag $0x2  }
0x4d: {  	s0 =	rddreg [dreg:$0x0];
	s2 =	stileid.u32  }
0x4e: {  	s1 =	rddreg [dreg:$0x1];
	p0 =	sne.s32 s2, $0x0  }
0x4f: {  	s3 =	rddreg [dreg:$0x2];
	[bflag:$0x3] =	sbarrier.arrive $0xFFFF;
	s2 =	simm.s32 @!p0 $0x1C01  }
0x50: {  	[timem:s3], [sflag:s2] =	dma.local @!p0 [hbm:s0], s1  }
0x51: {  	s0 =	simm.s32 @!p0 $0x1  }
0x52: {  	_ =	swait.ge @!p0 [sflag:s0], s1  }
0x53: {  	s1 =	ssub.s32 @!p0 $0x0, s1;
	[sflag:s0] =	ssyncset.done @!p0 $0x0  }
0x54: {  	[sflag:s0] =	ssyncadd.s32 @!p0 s1  }
0x55: {  	[bflag:$0x3] =	sbarrier.arrive $0xFFFF  }
0x56: {  	_ =	shalt  }

</sc_bundles>
